<compile_context>
chip_gen: v7x
topology: tpu7x:2x2x1
jax: 0.10.2.dev20260603
libtpu: 0.0.44.dev20260713+nightly
codegen_flags: <defaults>
</compile_context>

<pallas_src>
import functools

import jax
import jax.numpy as jnp
from jax import lax
from jax.experimental import pallas as pl
from jax.experimental.pallas import tpu as pltpu
from jax.experimental.pallas import tpu_sc as plsc

NC = 2
NS = 16
NW = NC * NS
LANES = 16
CHUNK = 128


def _cdiv(a, b):
    return (a + b - 1) // b


def _make_deg_kernel(n_pad, rows_per_worker):
    mesh = plsc.VectorSubcoreMesh(core_axis_name="c", subcore_axis_name="s")
    npt = n_pad // NS

    @functools.partial(
        pl.kernel,
        mesh=mesh,
        out_type=jax.ShapeDtypeStruct((NC * n_pad,), jnp.float32),
        scratch_types=[
            pltpu.VMEM((rows_per_worker, CHUNK), jnp.int32),
            pltpu.VMEM((rows_per_worker, CHUNK), jnp.float32),
            pltpu.VMEM((npt,), jnp.float32),
            pltpu.VMEM_SHARED((n_pad,), jnp.float32),
        ],
    )
    def deg_kernel(dst_hbm, ew_hbm, out_hbm, dst_v, ew_v, zbuf, acc):
        c = lax.axis_index("c")
        s = lax.axis_index("s")
        wid = c * NS + s

        zeros = jnp.zeros((LANES,), jnp.float32)

        def zero_body(i, _):
            zbuf[pl.ds(i * LANES, LANES)] = zeros
            return 0

        lax.fori_loop(0, npt // LANES, zero_body, 0)
        pltpu.sync_copy(zbuf, acc.at[pl.ds(s * npt, npt)])
        plsc.subcore_barrier()

        base = wid * rows_per_worker
        pltpu.sync_copy(dst_hbm.at[pl.ds(base, rows_per_worker)], dst_v)
        pltpu.sync_copy(ew_hbm.at[pl.ds(base, rows_per_worker)], ew_v)

        def chunk_body(j, _):
            pltpu.sync_copy(ew_v.at[j], acc.at[dst_v.at[j]], add=True)
            return 0

        lax.fori_loop(0, rows_per_worker, chunk_body, 0)
        plsc.subcore_barrier()
        pltpu.sync_copy(acc.at[pl.ds(s * npt, npt)],
                        out_hbm.at[pl.ds(c * n_pad + s * npt, npt)])

    return deg_kernel


def _make_edge_kernel(n_pad, d_model, w0, w1):
    mesh = plsc.VectorSubcoreMesh(core_axis_name="c", subcore_axis_name="s")
    rows_per_tile = n_pad // NS
    zchunk = CHUNK
    nz = rows_per_tile // zchunk
    NBUF = 2
    IRING = 4
    QUAD = 4
    assert w0 % 8 == 0 and w1 % 8 == 0

    @functools.partial(
        pl.kernel,
        mesh=mesh,
        out_type=jax.ShapeDtypeStruct((NC, n_pad, d_model), jnp.float32),
        scratch_types=(
            [pltpu.VMEM((IRING, 3, CHUNK), jnp.int32)]
            + [pltpu.VMEM((CHUNK, d_model), jnp.float32) for _ in range(NBUF)]
            + [pltpu.VMEM_SHARED((n_pad, d_model), jnp.float32)]
            + [pltpu.SemaphoreType.DMA for _ in range(NBUF + NBUF + IRING + 1)]
        ),
    )
    def edge_kernel(g_hbm, idx3_hbm, out_hbm, islots, *rest):
        bufs = rest[:NBUF]
        acc = rest[NBUF]
        gsems = rest[NBUF + 1:2 * NBUF + 1]
        ssems = rest[2 * NBUF + 1:3 * NBUF + 1]
        isems = rest[3 * NBUF + 1:3 * NBUF + 1 + IRING]
        wsem = rest[3 * NBUF + 1 + IRING]
        c = lax.axis_index("c")
        s = lax.axis_index("s")
        base = jnp.where(c == 0, s * w0, NS * w0 + s * w1)
        ngroups = jnp.where(c == 0, w0 // QUAD, w1 // QUAD)

        zeros = jnp.zeros((LANES,), jnp.float32)

        pltpu.async_copy(idx3_hbm.at[pl.ds(base, IRING - 1)],
                         islots.at[pl.ds(0, IRING - 1)], wsem)

        def zrow(i, _):
            for q in range(d_model // LANES):
                bufs[0][i, pl.ds(q * LANES, LANES)] = zeros
            return 0

        lax.fori_loop(0, CHUNK, zrow, 0)
        for k in range(nz):
            pltpu.sync_copy(
                bufs[0],
                acc.at[pl.ds(s * rows_per_tile + k * zchunk, zchunk)],
            )
        pltpu.make_async_copy(idx3_hbm.at[pl.ds(base, IRING - 1)],
                              islots.at[pl.ds(0, IRING - 1)], wsem).wait()
        plsc.subcore_barrier()

        def scale_rows(buf, r):
            def grp_body(g, _):
                wv = lax.bitcast_convert_type(
                    islots[r, 2, pl.ds(g * LANES, LANES)], jnp.float32)
                for i in range(LANES):
                    w = lax.broadcast(wv[i], (LANES,))
                    e = g * LANES + i
                    for q in range(d_model // LANES):
                        sl = pl.ds(q * LANES, LANES)
                        buf[e, sl] = buf[e, sl] * w
                return 0

            lax.fori_loop(0, CHUNK // LANES, grp_body, 0)


        def group_body(it, _):
            for k in range(QUAD):
                m = it * QUAD + k
                b = k % NBUF
                b1 = (k + 1) % NBUF
                r = k % IRING
                r1 = (k + 1) % IRING
                rp = (k + 3) % IRING


                def drain_prev():
                    pass

                if k == 0:
                    @pl.when(it > 0)
                    def _():
                        drain_prev()
                else:
                    drain_prev()

                def fetch_idx():
                    pltpu.async_copy(idx3_hbm.at[base + m + 3], islots.at[rp],
                                     isems[rp])

                if k == 0:
                    fetch_idx()
                else:
                    @pl.when(it < ngroups - 1)
                    def _():
                        fetch_idx()

                def wait_idx():
                    pltpu.make_async_copy(idx3_hbm.at[base + m + 1],
                                          islots.at[r1], isems[r1]).wait()

                def issue_gather():
                    pass

                if k < 2:
                    @pl.when(it > 0)
                    def _():
                        wait_idx()

                    issue_gather()
                elif k == 2:
                    wait_idx()
                    issue_gather()
                else:
                    @pl.when(it < ngroups - 1)
                    def _():
                        wait_idx()
                        issue_gather()

                pass
            return 0

        lax.fori_loop(0, ngroups, group_body, 0)
        plsc.subcore_barrier()

        for k in range(nz):
            r0 = s * rows_per_tile + k * zchunk
            pltpu.async_copy(acc.at[pl.ds(r0, zchunk)], out_hbm.at[c, pl.ds(r0, zchunk)], wsem)
        for k in range(nz):
            r0 = s * rows_per_tile + k * zchunk
            pltpu.make_async_copy(acc.at[pl.ds(r0, zchunk)], out_hbm.at[c, pl.ds(r0, zchunk)], wsem).wait()

    return edge_kernel


def _dinv_block(parts_ref):
    deg = jnp.sum(parts_ref[...], axis=0) + 1.0
    return jnp.where(deg > 0, lax.rsqrt(deg), 0.0)[:, None]


def _tc_g1_body(parts_ref, x_ref, w_ref, g_ref):
    dinv = _dinv_block(parts_ref)
    g_ref[...] = jnp.dot(x_ref[...], w_ref[...],
                         preferred_element_type=jnp.float32) * dinv


def _tc_mid_body(parts_ref, p_ref, g_ref, b_ref, w_ref, g2_ref):
    dinv = _dinv_block(parts_ref)
    p = p_ref[0] + p_ref[1] + g_ref[...]
    t = jnp.tanh(dinv * p + b_ref[...])
    g2_ref[...] = jnp.dot(t, w_ref[...],
                          preferred_element_type=jnp.float32) * dinv


def _tc_final_body(parts_ref, p_ref, g_ref, b_ref, o_ref):
    dinv = _dinv_block(parts_ref)
    p = p_ref[0] + p_ref[1] + g_ref[...]
    o_ref[...] = jax.nn.sigmoid(dinv * p + b_ref[...])


def kernel(x, edge_index, edge_weight, W1, b1, W2, b2):
    n, d = x.shape
    e = edge_weight.shape[0]

    src = edge_index[0]
    dst = edge_index[1]

    rows_per_worker = _cdiv(_cdiv(e, NW * CHUNK), 8) * 8
    e_pad = NW * CHUNK * rows_per_worker
    pad = e_pad - e
    src2 = jnp.pad(src, (0, pad)).reshape(-1, CHUNK)
    dst2 = jnp.pad(dst, (0, pad)).reshape(-1, CHUNK)
    ew2 = jnp.pad(edge_weight, (0, pad)).reshape(-1, CHUNK)
    idx3 = jnp.stack(
        [src2, dst2, lax.bitcast_convert_type(ew2, jnp.int32)], axis=1)

    n_pad = _cdiv(n, NS * CHUNK) * NS * CHUNK
    x_p = jnp.pad(x, ((0, n_pad - n), (0, 0)))

    deg_parts = _make_deg_kernel(n_pad, rows_per_worker)(dst2, ew2)
    deg_parts = deg_parts.reshape(NC, n_pad)

    bn = 1024
    grid = (n_pad // bn,)
    parts_spec = pl.BlockSpec((NC, bn), lambda i: (0, i))
    rows_spec = pl.BlockSpec((bn, d), lambda i: (i, 0))
    w_spec = pl.BlockSpec((d, d), lambda i: (0, 0))
    b_spec = pl.BlockSpec((1, d), lambda i: (0, 0))
    p_spec = pl.BlockSpec((NC, bn, d), lambda i: (0, i, 0))
    fout = jax.ShapeDtypeStruct((n_pad, d), jnp.float32)

    g1 = pl.pallas_call(
        _tc_g1_body,
        grid=grid,
        in_specs=[parts_spec, rows_spec, w_spec],
        out_specs=rows_spec,
        out_shape=fout,
    )(deg_parts, x_p, W1)

    w_total = 2 * rows_per_worker
    w1 = 16
    w0 = w_total - w1
    edge_kernel = _make_edge_kernel(n_pad, d, w0, w1)
    p1 = edge_kernel(g1, idx3)

    g2 = pl.pallas_call(
        _tc_mid_body,
        grid=grid,
        in_specs=[parts_spec, p_spec, rows_spec, b_spec, w_spec],
        out_specs=rows_spec,
        out_shape=fout,
    )(deg_parts, p1, g1, b1.reshape(1, d), W2)

    p2 = edge_kernel(g2, idx3)

    out = pl.pallas_call(
        _tc_final_body,
        grid=grid,
        in_specs=[parts_spec, p_spec, rows_spec, b_spec],
        out_specs=rows_spec,
        out_shape=fout,
    )(deg_parts, p2, g2, b2.reshape(1, d))

    return out[:n]

# --- scband reference (transcript-rebuilt; emitter-appended) ---
"""Pipeline reference for scband-godeencoding-layer-28243704939345 (READ-ONLY COPY).

The authoritative reference and input builder live on the scoring server;
editing this copy changes nothing except your own understanding.
"""

import jax, jax.numpy as jnp
import numpy as np

N = 10000
E = 320000
D = 128


def setup_inputs(seed: int = 0) -> dict:
    key = jax.random.key(seed)
    ks = jax.random.split(key, 8)
    x = jax.random.normal(ks[0], (N, D), dtype=jnp.float32)
    edge_index = jax.random.randint(ks[1], (2, E), 0, N, dtype=jnp.int32)
    edge_weight = jax.random.uniform(ks[2], (E,), dtype=jnp.float32)
    # GCNConv parameters (glorot-ish init), layer1: D->D, layer2: D->D
    W1 = jax.random.normal(ks[3], (D, D), dtype=jnp.float32) * (1.0 / np.sqrt(D))
    b1 = jnp.zeros((D,), dtype=jnp.float32)
    W2 = jax.random.normal(ks[4], (D, D), dtype=jnp.float32) * (1.0 / np.sqrt(D))
    b2 = jnp.zeros((D,), dtype=jnp.float32)
    return {"x": x, "edge_index": edge_index, "edge_weight": edge_weight,
            "W1": W1, "b1": b1, "W2": W2, "b2": b2}


def _gcn_conv(x, edge_index, edge_weight, W, b):
    # PyG GCNConv: add self loops, symmetric normalization, linear, scatter-add, bias
    n = x.shape[0]
    src = edge_index[0]
    dst = edge_index[1]
    loop = jnp.arange(n, dtype=src.dtype)
    src_f = jnp.concatenate([src, loop])
    dst_f = jnp.concatenate([dst, loop])
    ew_f = jnp.concatenate([edge_weight, jnp.ones((n,), dtype=x.dtype)])
    deg = jnp.zeros((n,), dtype=x.dtype).at[dst_f].add(ew_f)
    dinv = jnp.where(deg > 0, jax.lax.rsqrt(deg), 0.0)
    norm = dinv[src_f] * ew_f * dinv[dst_f]
    h = x @ W
    msg = jnp.take(h, src_f, axis=0) * norm[:, None]
    out = jnp.zeros_like(h).at[dst_f].add(msg)
    return out + b


def reference(x, edge_index, edge_weight, W1, b1, W2, b2):
    h = _gcn_conv(x, edge_index, edge_weight, W1, b1)
    h = jnp.tanh(h)
    h = _gcn_conv(h, edge_index, edge_weight, W2, b2)
    return jax.nn.sigmoid(h)

if __name__ == "__main__":
    import jax
    _d = setup_inputs()
    print(jax.jit(kernel)(*tuple(_d.values())))

</pallas_src>

<mosaic_0001>
#map = affine_map<(d0, d1) -> (0, 0)>
#map1 = affine_map<(d0, d1) -> (0, 0, 0)>
module attributes {stable_mosaic.version = 14 : i64} {
  func.func @edge_kernel(%arg0: i32, %arg1: i32, %arg2: memref<10240x128xf32, #tpu.memory_space<hbm>>, %arg3: memref<2560x3x128xi32, #tpu.memory_space<hbm>>, %arg4: memref<2x10240x128xf32, #tpu.memory_space<hbm>>, %arg5: memref<4x3x128xi32, #tpu.memory_space<vmem>>, %arg6: memref<128x128xf32, #tpu.memory_space<vmem>>, %arg7: memref<128x128xf32, #tpu.memory_space<vmem>>, %arg8: memref<10240x128xf32, #tpu.memory_space<vmem_shared>>, %arg9: memref<!tpu.dma_semaphore, #tpu.memory_space<semaphore_mem>>, %arg10: memref<!tpu.dma_semaphore, #tpu.memory_space<semaphore_mem>>, %arg11: memref<!tpu.dma_semaphore, #tpu.memory_space<semaphore_mem>>, %arg12: memref<!tpu.dma_semaphore, #tpu.memory_space<semaphore_mem>>, %arg13: memref<!tpu.dma_semaphore, #tpu.memory_space<semaphore_mem>>, %arg14: memref<!tpu.dma_semaphore, #tpu.memory_space<semaphore_mem>>, %arg15: memref<!tpu.dma_semaphore, #tpu.memory_space<semaphore_mem>>, %arg16: memref<!tpu.dma_semaphore, #tpu.memory_space<semaphore_mem>>, %arg17: memref<!tpu.dma_semaphore, #tpu.memory_space<semaphore_mem>>) attributes {dimension_semantics = [#tpu.dimension_semantics<core_parallel>, #tpu.dimension_semantics<subcore_parallel>], iteration_bounds = array<i64: 2, 16>, scalar_prefetch = 0 : i64, scratch_operands = 13 : i64, tpu.core_type = #tpu.core_type<sc_vector_subcore>, window_params = [{transform_indices = #map}, {transform_indices = #map1}, {transform_indices = #map1}]} {
    %eq3A = arith.constant 0 : i32
    %eq3A_0 = arith.cmpi eq, %arg0, %eq3A : i32
    %mul3A = arith.constant 144 : i32
    %mul3A_1 = arith.muli %arg1, %mul3A : i32
    %mul3A_2 = arith.constant 16 : i32
    %mul3A_3 = arith.muli %arg1, %mul3A_2 : i32
    %add3A = arith.constant 2304 : i32
    %add3A_4 = arith.addi %add3A, %mul3A_3 : i32
    %select_n3A = arith.select %eq3A_0, %mul3A_1, %add3A_4 : i32
    %eq3A_5 = arith.constant 0 : i32
    %eq3A_6 = arith.cmpi eq, %arg0, %eq3A_5 : i32
    %jit3A = arith.constant 36 : i32
    %jit3A_7 = arith.constant 4 : i32
    %select_n3A_8 = arith.select %eq3A_6, %jit3A, %jit3A_7 : i32
    %broadcast_in_dim3A = arith.constant 0.000000e+00 : f32
    %broadcast_in_dim3A_9 = vector.broadcast %broadcast_in_dim3A : f32 to vector<16xf32>
    %dma_start3A = arith.constant 0 : i32
    %dma_start3A_10 = arith.constant 0 : i32
    %dma_start3A_11 = arith.constant 0 : i32
    %dma_start3A_12 = tpu.memref_slice %arg5[%dma_start3A, %dma_start3A_10, %dma_start3A_11] : memref<4x3x128xi32, #tpu.memory_space<vmem>> -> memref<3x3x128xi32, #tpu.memory_space<vmem>>
    %dma_start3A_13 = arith.constant 0 : i32
    %dma_start3A_14 = arith.constant 0 : i32
    %dma_start3A_15 = tpu.memref_slice %arg3[%select_n3A, %dma_start3A_13, %dma_start3A_14] : memref<2560x3x128xi32, #tpu.memory_space<hbm>> -> memref<3x3x128xi32, #tpu.memory_space<hbm>>
    %dma_start3A_16 = arith.constant 0 : i32
    %dma_start3A_17 = arith.constant 0 : i32
    %dma_start3A_18 = arith.constant 0 : i32
    %dma_start3A_19 = tpu.memref_slice %arg5[%dma_start3A_16, %dma_start3A_17, %dma_start3A_18] : memref<4x3x128xi32, #tpu.memory_space<vmem>> -> memref<3x3x128xi32, #tpu.memory_space<vmem>>
    %dma_start3A_20 = arith.constant 0 : i32
    %dma_start3A_21 = arith.constant 0 : i32
    %dma_start3A_22 = tpu.memref_slice %arg3[%select_n3A, %dma_start3A_20, %dma_start3A_21] : memref<2560x3x128xi32, #tpu.memory_space<hbm>> -> memref<3x3x128xi32, #tpu.memory_space<hbm>>
    tpu.enqueue_dma source(%dma_start3A_22 : memref<3x3x128xi32, #tpu.memory_space<hbm>>) target(%dma_start3A_19 : memref<3x3x128xi32, #tpu.memory_space<vmem>>) target_semaphore(%arg17 : memref<!tpu.dma_semaphore, #tpu.memory_space<semaphore_mem>>)
    %scan3A = arith.constant 0 : i32
    %scan3A_23 = arith.constant 0 : i32
    %scan3A_24 = arith.constant 128 : i32
    %scan3A_25 = arith.addi %scan3A_23, %scan3A_24 : i32
    %scan3A_26 = arith.constant 1 : i32
    %scan3A_27 = scf.for %scan3A_164 = %scan3A_23 to %scan3A_25 step %scan3A_26 iter_args(%scan3A_165 = %scan3A) -> (i32)  : i32 {
      %swap3A = arith.index_cast %scan3A_164 : i32 to index
      %swap3A_166 = arith.constant 0 : index
      %swap3A_167 = tpu.vector_load %arg6[%swap3A, %swap3A_166] {strides = array<i32>} : memref<128x128xf32, #tpu.memory_space<vmem>>, vector<1x16xf32>,
      %swap3A_168 = vector.shape_cast %swap3A_167 : vector<1x16xf32> to vector<16xf32>
      %swap3A_169 = vector.shape_cast %broadcast_in_dim3A_9 : vector<16xf32> to vector<1x16xf32>
      tpu.vector_store %arg6[%swap3A, %swap3A_166], %swap3A_169 {strides = array<i32>} : memref<128x128xf32, #tpu.memory_space<vmem>>, vector<1x16xf32>,
      %swap3A_170 = arith.index_cast %scan3A_164 : i32 to index
      %swap3A_171 = arith.constant 16 : index
      %swap3A_172 = tpu.vector_load %arg6[%swap3A_170, %swap3A_171] {strides = array<i32>} : memref<128x128xf32, #tpu.memory_space<vmem>>, vector<1x16xf32>,
      %swap3A_173 = vector.shape_cast %swap3A_172 : vector<1x16xf32> to vector<16xf32>
      %swap3A_174 = vector.shape_cast %broadcast_in_dim3A_9 : vector<16xf32> to vector<1x16xf32>
      tpu.vector_store %arg6[%swap3A_170, %swap3A_171], %swap3A_174 {strides = array<i32>} : memref<128x128xf32, #tpu.memory_space<vmem>>, vector<1x16xf32>,
      %swap3A_175 = arith.index_cast %scan3A_164 : i32 to index
      %swap3A_176 = arith.constant 32 : index
      %swap3A_177 = tpu.vector_load %arg6[%swap3A_175, %swap3A_176] {strides = array<i32>} : memref<128x128xf32, #tpu.memory_space<vmem>>, vector<1x16xf32>,
      %swap3A_178 = vector.shape_cast %swap3A_177 : vector<1x16xf32> to vector<16xf32>
      %swap3A_179 = vector.shape_cast %broadcast_in_dim3A_9 : vector<16xf32> to vector<1x16xf32>
      tpu.vector_store %arg6[%swap3A_175, %swap3A_176], %swap3A_179 {strides = array<i32>} : memref<128x128xf32, #tpu.memory_space<vmem>>, vector<1x16xf32>,
      %swap3A_180 = arith.index_cast %scan3A_164 : i32 to index
      %swap3A_181 = arith.constant 48 : index
      %swap3A_182 = tpu.vector_load %arg6[%swap3A_180, %swap3A_181] {strides = array<i32>} : memref<128x128xf32, #tpu.memory_space<vmem>>, vector<1x16xf32>,
      %swap3A_183 = vector.shape_cast %swap3A_182 : vector<1x16xf32> to vector<16xf32>
      %swap3A_184 = vector.shape_cast %broadcast_in_dim3A_9 : vector<16xf32> to vector<1x16xf32>
      tpu.vector_store %arg6[%swap3A_180, %swap3A_181], %swap3A_184 {strides = array<i32>} : memref<128x128xf32, #tpu.memory_space<vmem>>, vector<1x16xf32>,
      %swap3A_185 = arith.index_cast %scan3A_164 : i32 to index
      %swap3A_186 = arith.constant 64 : index
      %swap3A_187 = tpu.vector_load %arg6[%swap3A_185, %swap3A_186] {strides = array<i32>} : memref<128x128xf32, #tpu.memory_space<vmem>>, vector<1x16xf32>,
      %swap3A_188 = vector.shape_cast %swap3A_187 : vector<1x16xf32> to vector<16xf32>
      %swap3A_189 = vector.shape_cast %broadcast_in_dim3A_9 : vector<16xf32> to vector<1x16xf32>
      tpu.vector_store %arg6[%swap3A_185, %swap3A_186], %swap3A_189 {strides = array<i32>} : memref<128x128xf32, #tpu.memory_space<vmem>>, vector<1x16xf32>,
      %swap3A_190 = arith.index_cast %scan3A_164 : i32 to index
      %swap3A_191 = arith.constant 80 : index
      %swap3A_192 = tpu.vector_load %arg6[%swap3A_190, %swap3A_191] {strides = array<i32>} : memref<128x128xf32, #tpu.memory_space<vmem>>, vector<1x16xf32>,
      %swap3A_193 = vector.shape_cast %swap3A_192 : vector<1x16xf32> to vector<16xf32>
      %swap3A_194 = vector.shape_cast %broadcast_in_dim3A_9 : vector<16xf32> to vector<1x16xf32>
      tpu.vector_store %arg6[%swap3A_190, %swap3A_191], %swap3A_194 {strides = array<i32>} : memref<128x128xf32, #tpu.memory_space<vmem>>, vector<1x16xf32>,
      %swap3A_195 = arith.index_cast %scan3A_164 : i32 to index
      %swap3A_196 = arith.constant 96 : index
      %swap3A_197 = tpu.vector_load %arg6[%swap3A_195, %swap3A_196] {strides = array<i32>} : memref<128x128xf32, #tpu.memory_space<vmem>>, vector<1x16xf32>,
      %swap3A_198 = vector.shape_cast %swap3A_197 : vector<1x16xf32> to vector<16xf32>
      %swap3A_199 = vector.shape_cast %broadcast_in_dim3A_9 : vector<16xf32> to vector<1x16xf32>
      tpu.vector_store %arg6[%swap3A_195, %swap3A_196], %swap3A_199 {strides = array<i32>} : memref<128x128xf32, #tpu.memory_space<vmem>>, vector<1x16xf32>,
      %swap3A_200 = arith.index_cast %scan3A_164 : i32 to index
      %swap3A_201 = arith.constant 112 : index
      %swap3A_202 = tpu.vector_load %arg6[%swap3A_200, %swap3A_201] {strides = array<i32>} : memref<128x128xf32, #tpu.memory_space<vmem>>, vector<1x16xf32>,
      %swap3A_203 = vector.shape_cast %swap3A_202 : vector<1x16xf32> to vector<16xf32>
      %swap3A_204 = vector.shape_cast %broadcast_in_dim3A_9 : vector<16xf32> to vector<1x16xf32>
      tpu.vector_store %arg6[%swap3A_200, %swap3A_201], %swap3A_204 {strides = array<i32>} : memref<128x128xf32, #tpu.memory_space<vmem>>, vector<1x16xf32>,
      %scan3A_205 = arith.constant 0 : i32
      scf.yield %scan3A_205 : i32
    }
    %scan3A_28 = arith.constant 128 : i32
    %mul3A_29 = arith.constant 640 : i32
    %mul3A_30 = arith.muli %arg1, %mul3A_29 : i32
    %add3A_31 = arith.constant 0 : i32
    %add3A_32 = arith.addi %mul3A_30, %add3A_31 : i32
    "tpu.region"() ({
      %run_scoped3A = tpu.sem_alloc : memref<!tpu.dma_semaphore, #tpu.memory_space<semaphore_mem>>
      %dma_start3A_164 = arith.constant 0 : i32
      %dma_start3A_165 = tpu.memref_slice %arg8[%add3A_32, %dma_start3A_164] : memref<10240x128xf32, #tpu.memory_space<vmem_shared>> -> memref<128x128xf32, #tpu.memory_space<vmem_shared>>
      %dma_start3A_166 = arith.constant 0 : i32
      %dma_start3A_167 = tpu.memref_slice %arg8[%add3A_32, %dma_start3A_166] : memref<10240x128xf32, #tpu.memory_space<vmem_shared>> -> memref<128x128xf32, #tpu.memory_space<vmem_shared>>
      tpu.enqueue_dma source(%arg6 : memref<128x128xf32, #tpu.memory_space<vmem>>) target(%dma_start3A_167 : memref<128x128xf32, #tpu.memory_space<vmem_shared>>) target_semaphore(%run_scoped3A : memref<!tpu.dma_semaphore, #tpu.memory_space<semaphore_mem>>)
      %dma_wait3A_168 = arith.constant 0 : i32
      %dma_wait3A_169 = tpu.memref_slice %arg8[%add3A_32, %dma_wait3A_168] : memref<10240x128xf32, #tpu.memory_space<vmem_shared>> -> memref<128x128xf32, #tpu.memory_space<vmem_shared>>
      %dma_wait3A_170 = arith.constant 0 : i32
      %dma_wait3A_171 = tpu.memref_slice %arg8[%add3A_32, %dma_wait3A_170] : memref<10240x128xf32, #tpu.memory_space<vmem_shared>> -> memref<128x128xf32, #tpu.memory_space<vmem_shared>>
      tpu.wait_dma2 semaphore(%run_scoped3A : memref<!tpu.dma_semaphore, #tpu.memory_space<semaphore_mem>>) src(%arg6 : memref<128x128xf32, #tpu.memory_space<vmem>>) dst(%dma_wait3A_171 : memref<128x128xf32, #tpu.memory_space<vmem_shared>>)
      tpu.yield
    }) : () -> ()
    %mul3A_33 = arith.constant 640 : i32
    %mul3A_34 = arith.muli %arg1, %mul3A_33 : i32
    %add3A_35 = arith.constant 128 : i32
    %add3A_36 = arith.addi %mul3A_34, %add3A_35 : i32
    "tpu.region"() ({
      %run_scoped3A = tpu.sem_alloc : memref<!tpu.dma_semaphore, #tpu.memory_space<semaphore_mem>>
      %dma_start3A_164 = arith.constant 0 : i32
      %dma_start3A_165 = tpu.memref_slice %arg8[%add3A_36, %dma_start3A_164] : memref<10240x128xf32, #tpu.memory_space<vmem_shared>> -> memref<128x128xf32, #tpu.memory_space<vmem_shared>>
      %dma_start3A_166 = arith.constant 0 : i32
      %dma_start3A_167 = tpu.memref_slice %arg8[%add3A_36, %dma_start3A_166] : memref<10240x128xf32, #tpu.memory_space<vmem_shared>> -> memref<128x128xf32, #tpu.memory_space<vmem_shared>>
      tpu.enqueue_dma source(%arg6 : memref<128x128xf32, #tpu.memory_space<vmem>>) target(%dma_start3A_167 : memref<128x128xf32, #tpu.memory_space<vmem_shared>>) target_semaphore(%run_scoped3A : memref<!tpu.dma_semaphore, #tpu.memory_space<semaphore_mem>>)
      %dma_wait3A_168 = arith.constant 0 : i32
      %dma_wait3A_169 = tpu.memref_slice %arg8[%add3A_36, %dma_wait3A_168] : memref<10240x128xf32, #tpu.memory_space<vmem_shared>> -> memref<128x128xf32, #tpu.memory_space<vmem_shared>>
      %dma_wait3A_170 = arith.constant 0 : i32
      %dma_wait3A_171 = tpu.memref_slice %arg8[%add3A_36, %dma_wait3A_170] : memref<10240x128xf32, #tpu.memory_space<vmem_shared>> -> memref<128x128xf32, #tpu.memory_space<vmem_shared>>
      tpu.wait_dma2 semaphore(%run_scoped3A : memref<!tpu.dma_semaphore, #tpu.memory_space<semaphore_mem>>) src(%arg6 : memref<128x128xf32, #tpu.memory_space<vmem>>) dst(%dma_wait3A_171 : memref<128x128xf32, #tpu.memory_space<vmem_shared>>)
      tpu.yield
    }) : () -> ()
    %mul3A_37 = arith.constant 640 : i32
    %mul3A_38 = arith.muli %arg1, %mul3A_37 : i32
    %add3A_39 = arith.constant 256 : i32
    %add3A_40 = arith.addi %mul3A_38, %add3A_39 : i32
    "tpu.region"() ({
      %run_scoped3A = tpu.sem_alloc : memref<!tpu.dma_semaphore, #tpu.memory_space<semaphore_mem>>
      %dma_start3A_164 = arith.constant 0 : i32
      %dma_start3A_165 = tpu.memref_slice %arg8[%add3A_40, %dma_start3A_164] : memref<10240x128xf32, #tpu.memory_space<vmem_shared>> -> memref<128x128xf32, #tpu.memory_space<vmem_shared>>
      %dma_start3A_166 = arith.constant 0 : i32
      %dma_start3A_167 = tpu.memref_slice %arg8[%add3A_40, %dma_start3A_166] : memref<10240x128xf32, #tpu.memory_space<vmem_shared>> -> memref<128x128xf32, #tpu.memory_space<vmem_shared>>
      tpu.enqueue_dma source(%arg6 : memref<128x128xf32, #tpu.memory_space<vmem>>) target(%dma_start3A_167 : memref<128x128xf32, #tpu.memory_space<vmem_shared>>) target_semaphore(%run_scoped3A : memref<!tpu.dma_semaphore, #tpu.memory_space<semaphore_mem>>)
      %dma_wait3A_168 = arith.constant 0 : i32
      %dma_wait3A_169 = tpu.memref_slice %arg8[%add3A_40, %dma_wait3A_168] : memref<10240x128xf32, #tpu.memory_space<vmem_shared>> -> memref<128x128xf32, #tpu.memory_space<vmem_shared>>
      %dma_wait3A_170 = arith.constant 0 : i32
      %dma_wait3A_171 = tpu.memref_slice %arg8[%add3A_40, %dma_wait3A_170] : memref<10240x128xf32, #tpu.memory_space<vmem_shared>> -> memref<128x128xf32, #tpu.memory_space<vmem_shared>>
      tpu.wait_dma2 semaphore(%run_scoped3A : memref<!tpu.dma_semaphore, #tpu.memory_space<semaphore_mem>>) src(%arg6 : memref<128x128xf32, #tpu.memory_space<vmem>>) dst(%dma_wait3A_171 : memref<128x128xf32, #tpu.memory_space<vmem_shared>>)
      tpu.yield
    }) : () -> ()
    %mul3A_41 = arith.constant 640 : i32
    %mul3A_42 = arith.muli %arg1, %mul3A_41 : i32
    %add3A_43 = arith.constant 384 : i32
    %add3A_44 = arith.addi %mul3A_42, %add3A_43 : i32
    "tpu.region"() ({
      %run_scoped3A = tpu.sem_alloc : memref<!tpu.dma_semaphore, #tpu.memory_space<semaphore_mem>>
      %dma_start3A_164 = arith.constant 0 : i32
      %dma_start3A_165 = tpu.memref_slice %arg8[%add3A_44, %dma_start3A_164] : memref<10240x128xf32, #tpu.memory_space<vmem_shared>> -> memref<128x128xf32, #tpu.memory_space<vmem_shared>>
      %dma_start3A_166 = arith.constant 0 : i32
      %dma_start3A_167 = tpu.memref_slice %arg8[%add3A_44, %dma_start3A_166] : memref<10240x128xf32, #tpu.memory_space<vmem_shared>> -> memref<128x128xf32, #tpu.memory_space<vmem_shared>>
      tpu.enqueue_dma source(%arg6 : memref<128x128xf32, #tpu.memory_space<vmem>>) target(%dma_start3A_167 : memref<128x128xf32, #tpu.memory_space<vmem_shared>>) target_semaphore(%run_scoped3A : memref<!tpu.dma_semaphore, #tpu.memory_space<semaphore_mem>>)
      %dma_wait3A_168 = arith.constant 0 : i32
      %dma_wait3A_169 = tpu.memref_slice %arg8[%add3A_44, %dma_wait3A_168] : memref<10240x128xf32, #tpu.memory_space<vmem_shared>> -> memref<128x128xf32, #tpu.memory_space<vmem_shared>>
      %dma_wait3A_170 = arith.constant 0 : i32
      %dma_wait3A_171 = tpu.memref_slice %arg8[%add3A_44, %dma_wait3A_170] : memref<10240x128xf32, #tpu.memory_space<vmem_shared>> -> memref<128x128xf32, #tpu.memory_space<vmem_shared>>
      tpu.wait_dma2 semaphore(%run_scoped3A : memref<!tpu.dma_semaphore, #tpu.memory_space<semaphore_mem>>) src(%arg6 : memref<128x128xf32, #tpu.memory_space<vmem>>) dst(%dma_wait3A_171 : memref<128x128xf32, #tpu.memory_space<vmem_shared>>)
      tpu.yield
    }) : () -> ()
    %mul3A_45 = arith.constant 640 : i32
    %mul3A_46 = arith.muli %arg1, %mul3A_45 : i32
    %add3A_47 = arith.constant 512 : i32
    %add3A_48 = arith.addi %mul3A_46, %add3A_47 : i32
    "tpu.region"() ({
      %run_scoped3A = tpu.sem_alloc : memref<!tpu.dma_semaphore, #tpu.memory_space<semaphore_mem>>
      %dma_start3A_164 = arith.constant 0 : i32
      %dma_start3A_165 = tpu.memref_slice %arg8[%add3A_48, %dma_start3A_164] : memref<10240x128xf32, #tpu.memory_space<vmem_shared>> -> memref<128x128xf32, #tpu.memory_space<vmem_shared>>
      %dma_start3A_166 = arith.constant 0 : i32
      %dma_start3A_167 = tpu.memref_slice %arg8[%add3A_48, %dma_start3A_166] : memref<10240x128xf32, #tpu.memory_space<vmem_shared>> -> memref<128x128xf32, #tpu.memory_space<vmem_shared>>
      tpu.enqueue_dma source(%arg6 : memref<128x128xf32, #tpu.memory_space<vmem>>) target(%dma_start3A_167 : memref<128x128xf32, #tpu.memory_space<vmem_shared>>) target_semaphore(%run_scoped3A : memref<!tpu.dma_semaphore, #tpu.memory_space<semaphore_mem>>)
      %dma_wait3A_168 = arith.constant 0 : i32
      %dma_wait3A_169 = tpu.memref_slice %arg8[%add3A_48, %dma_wait3A_168] : memref<10240x128xf32, #tpu.memory_space<vmem_shared>> -> memref<128x128xf32, #tpu.memory_space<vmem_shared>>
      %dma_wait3A_170 = arith.constant 0 : i32
      %dma_wait3A_171 = tpu.memref_slice %arg8[%add3A_48, %dma_wait3A_170] : memref<10240x128xf32, #tpu.memory_space<vmem_shared>> -> memref<128x128xf32, #tpu.memory_space<vmem_shared>>
      tpu.wait_dma2 semaphore(%run_scoped3A : memref<!tpu.dma_semaphore, #tpu.memory_space<semaphore_mem>>) src(%arg6 : memref<128x128xf32, #tpu.memory_space<vmem>>) dst(%dma_wait3A_171 : memref<128x128xf32, #tpu.memory_space<vmem_shared>>)
      tpu.yield
    }) : () -> ()
    %dma_wait3A = arith.constant 0 : i32
    %dma_wait3A_49 = arith.constant 0 : i32
    %dma_wait3A_50 = arith.constant 0 : i32
    %dma_wait3A_51 = tpu.memref_slice %arg5[%dma_wait3A, %dma_wait3A_49, %dma_wait3A_50] : memref<4x3x128xi32, #tpu.memory_space<vmem>> -> memref<3x3x128xi32, #tpu.memory_space<vmem>>
    %dma_wait3A_52 = arith.constant 0 : i32
    %dma_wait3A_53 = arith.constant 0 : i32
    %dma_wait3A_54 = tpu.memref_slice %arg3[%select_n3A, %dma_wait3A_52, %dma_wait3A_53] : memref<2560x3x128xi32, #tpu.memory_space<hbm>> -> memref<3x3x128xi32, #tpu.memory_space<hbm>>
    %dma_wait3A_55 = arith.constant 0 : i32
    %dma_wait3A_56 = arith.constant 0 : i32
    %dma_wait3A_57 = arith.constant 0 : i32
    %dma_wait3A_58 = tpu.memref_slice %arg5[%dma_wait3A_55, %dma_wait3A_56, %dma_wait3A_57] : memref<4x3x128xi32, #tpu.memory_space<vmem>> -> memref<3x3x128xi32, #tpu.memory_space<vmem>>
    %dma_wait3A_59 = arith.constant 0 : i32
    %dma_wait3A_60 = arith.constant 0 : i32
    %dma_wait3A_61 = tpu.memref_slice %arg3[%select_n3A, %dma_wait3A_59, %dma_wait3A_60] : memref<2560x3x128xi32, #tpu.memory_space<hbm>> -> memref<3x3x128xi32, #tpu.memory_space<hbm>>
    tpu.wait_dma2 semaphore(%arg17 : memref<!tpu.dma_semaphore, #tpu.memory_space<semaphore_mem>>) src(%dma_wait3A_61 : memref<3x3x128xi32, #tpu.memory_space<hbm>>) dst(%dma_wait3A_58 : memref<3x3x128xi32, #tpu.memory_space<vmem>>)
    %barrier3A = arith.constant 0 : index
    tpu.barrier barrier_id(%barrier3A)
    %while3A = arith.constant 0 : i32
    %while3A_62 = arith.constant 0 : i32
    %while3A_63 = arith.subi %select_n3A_8, %while3A : i32
    %while3A_64 = arith.addi %while3A, %while3A_63 : i32
    %while3A_65 = arith.constant 1 : i32
    %while3A_66 = arith.divsi %while3A_63, %while3A_65 : i32
    %while3A_67 = arith.muli %while3A_66, %while3A_65 : i32
    %while3A_68 = arith.addi %while3A, %while3A_67 : i32
    %while3A_69 = arith.constant 1 : i32
    %while3A_70 = scf.for %while3A_164 = %while3A to %while3A_68 step %while3A_69 iter_args(%while3A_165 = %while3A_62) -> (i32)  : i32 {
      %mul3A_166 = arith.constant 4 : i32
      %mul3A_167 = arith.muli %while3A_164, %mul3A_166 : i32
      %add3A_168 = arith.constant 0 : i32
      %add3A_169 = arith.addi %mul3A_167, %add3A_168 : i32
      %gt3A = arith.constant 0 : i32
      %gt3A_170 = arith.cmpi sgt, %while3A_164, %gt3A : i32
      %convert_element_type3A = arith.extui %gt3A_170 : i1 to i32
      %cond3A = arith.constant 0 : i32
      %cond3A_171 = arith.cmpi ne, %convert_element_type3A, %cond3A : i32
      scf.if %cond3A_171 {
      } else {
      }
      %add3A_172 = arith.addi %select_n3A, %add3A_169 : i32
      %add3A_173 = arith.constant 3 : i32
      %add3A_174 = arith.addi %add3A_172, %add3A_173 : i32
      %dma_start3A_175 = arith.constant 3 : i32
      %dma_start3A_176 = arith.constant 0 : i32
      %dma_start3A_177 = arith.constant 0 : i32
      %dma_start3A_178 = tpu.memref_slice %arg5[%dma_start3A_175, %dma_start3A_176, %dma_start3A_177] : memref<4x3x128xi32, #tpu.memory_space<vmem>> -> memref<1x3x128xi32, #tpu.memory_space<vmem>>
      %dma_start3A_179 = tpu.memref_squeeze %dma_start3A_178 : memref<1x3x128xi32, #tpu.memory_space<vmem>> -> memref<3x128xi32, #tpu.memory_space<vmem>>
      %dma_start3A_180 = arith.constant 0 : i32
      %dma_start3A_181 = arith.constant 0 : i32
      %dma_start3A_182 = tpu.memref_slice %arg3[%add3A_174, %dma_start3A_180, %dma_start3A_181] : memref<2560x3x128xi32, #tpu.memory_space<hbm>> -> memref<1x3x128xi32, #tpu.memory_space<hbm>>
      %dma_start3A_183 = tpu.memref_squeeze %dma_start3A_182 : memref<1x3x128xi32, #tpu.memory_space<hbm>> -> memref<3x128xi32, #tpu.memory_space<hbm>>
      %dma_start3A_184 = arith.constant 0 : i32
      %dma_start3A_185 = arith.constant 0 : i32
      %dma_start3A_186 = tpu.memref_slice %arg5[%dma_start3A_175, %dma_start3A_184, %dma_start3A_185] : memref<4x3x128xi32, #tpu.memory_space<vmem>> -> memref<1x3x128xi32, #tpu.memory_space<vmem>>
      %dma_start3A_187 = tpu.memref_squeeze %dma_start3A_186 : memref<1x3x128xi32, #tpu.memory_space<vmem>> -> memref<3x128xi32, #tpu.memory_space<vmem>>
      %dma_start3A_188 = arith.constant 0 : i32
      %dma_start3A_189 = arith.constant 0 : i32
      %dma_start3A_190 = tpu.memref_slice %arg3[%add3A_174, %dma_start3A_188, %dma_start3A_189] : memref<2560x3x128xi32, #tpu.memory_space<hbm>> -> memref<1x3x128xi32, #tpu.memory_space<hbm>>
      %dma_start3A_191 = tpu.memref_squeeze %dma_start3A_190 : memref<1x3x128xi32, #tpu.memory_space<hbm>> -> memref<3x128xi32, #tpu.memory_space<hbm>>
      tpu.enqueue_dma source(%dma_start3A_191 : memref<3x128xi32, #tpu.memory_space<hbm>>) target(%dma_start3A_187 : memref<3x128xi32, #tpu.memory_space<vmem>>) target_semaphore(%arg16 : memref<!tpu.dma_semaphore, #tpu.memory_space<semaphore_mem>>)
      %gt3A_192 = arith.constant 0 : i32
      %gt3A_193 = arith.cmpi sgt, %while3A_164, %gt3A_192 : i32
      %convert_element_type3A_194 = arith.extui %gt3A_193 : i1 to i32
      %cond3A_195 = arith.constant 0 : i32
      %cond3A_196 = arith.cmpi ne, %convert_element_type3A_194, %cond3A_195 : i32
      scf.if %cond3A_196 {
        %add3A_257 = arith.addi %select_n3A, %add3A_169 : i32
        %add3A_258 = arith.constant 1 : i32
        %add3A_259 = arith.addi %add3A_257, %add3A_258 : i32
        %dma_wait3A_260 = arith.constant 1 : i32
        %dma_wait3A_261 = arith.constant 0 : i32
        %dma_wait3A_262 = arith.constant 0 : i32
        %dma_wait3A_263 = tpu.memref_slice %arg5[%dma_wait3A_260, %dma_wait3A_261, %dma_wait3A_262] : memref<4x3x128xi32, #tpu.memory_space<vmem>> -> memref<1x3x128xi32, #tpu.memory_space<vmem>>
        %dma_wait3A_264 = tpu.memref_squeeze %dma_wait3A_263 : memref<1x3x128xi32, #tpu.memory_space<vmem>> -> memref<3x128xi32, #tpu.memory_space<vmem>>
        %dma_wait3A_265 = arith.constant 0 : i32
        %dma_wait3A_266 = arith.constant 0 : i32
        %dma_wait3A_267 = tpu.memref_slice %arg3[%add3A_259, %dma_wait3A_265, %dma_wait3A_266] : memref<2560x3x128xi32, #tpu.memory_space<hbm>> -> memref<1x3x128xi32, #tpu.memory_space<hbm>>
        %dma_wait3A_268 = tpu.memref_squeeze %dma_wait3A_267 : memref<1x3x128xi32, #tpu.memory_space<hbm>> -> memref<3x128xi32, #tpu.memory_space<hbm>>
        %dma_wait3A_269 = arith.constant 0 : i32
        %dma_wait3A_270 = arith.constant 0 : i32
        %dma_wait3A_271 = tpu.memref_slice %arg5[%dma_wait3A_260, %dma_wait3A_269, %dma_wait3A_270] : memref<4x3x128xi32, #tpu.memory_space<vmem>> -> memref<1x3x128xi32, #tpu.memory_space<vmem>>
        %dma_wait3A_272 = tpu.memref_squeeze %dma_wait3A_271 : memref<1x3x128xi32, #tpu.memory_space<vmem>> -> memref<3x128xi32, #tpu.memory_space<vmem>>
        %dma_wait3A_273 = arith.constant 0 : i32
        %dma_wait3A_274 = arith.constant 0 : i32
        %dma_wait3A_275 = tpu.memref_slice %arg3[%add3A_259, %dma_wait3A_273, %dma_wait3A_274] : memref<2560x3x128xi32, #tpu.memory_space<hbm>> -> memref<1x3x128xi32, #tpu.memory_space<hbm>>
        %dma_wait3A_276 = tpu.memref_squeeze %dma_wait3A_275 : memref<1x3x128xi32, #tpu.memory_space<hbm>> -> memref<3x128xi32, #tpu.memory_space<hbm>>
        tpu.wait_dma2 semaphore(%arg14 : memref<!tpu.dma_semaphore, #tpu.memory_space<semaphore_mem>>) src(%dma_wait3A_276 : memref<3x128xi32, #tpu.memory_space<hbm>>) dst(%dma_wait3A_272 : memref<3x128xi32, #tpu.memory_space<vmem>>)
      } else {
      }
      %mul3A_197 = arith.constant 4 : i32
      %mul3A_198 = arith.muli %while3A_164, %mul3A_197 : i32
      %add3A_199 = arith.constant 1 : i32
      %add3A_200 = arith.addi %mul3A_198, %add3A_199 : i32
      %sub3A = arith.constant 1 : i32
      %sub3A_201 = arith.subi %select_n3A_8, %sub3A : i32
      %lt3A = arith.cmpi slt, %while3A_164, %sub3A_201 : i32
      %convert_element_type3A_202 = arith.extui %lt3A : i1 to i32
      %cond3A_203 = arith.constant 0 : i32
      %cond3A_204 = arith.cmpi ne, %convert_element_type3A_202, %cond3A_203 : i32
      scf.if %cond3A_204 {
        %add3A_257 = arith.addi %select_n3A, %add3A_200 : i32
        %add3A_258 = arith.constant 3 : i32
        %add3A_259 = arith.addi %add3A_257, %add3A_258 : i32
        %dma_start3A_260 = arith.constant 0 : i32
        %dma_start3A_261 = arith.constant 0 : i32
        %dma_start3A_262 = arith.constant 0 : i32
        %dma_start3A_263 = tpu.memref_slice %arg5[%dma_start3A_260, %dma_start3A_261, %dma_start3A_262] : memref<4x3x128xi32, #tpu.memory_space<vmem>> -> memref<1x3x128xi32, #tpu.memory_space<vmem>>
        %dma_start3A_264 = tpu.memref_squeeze %dma_start3A_263 : memref<1x3x128xi32, #tpu.memory_space<vmem>> -> memref<3x128xi32, #tpu.memory_space<vmem>>
        %dma_start3A_265 = arith.constant 0 : i32
        %dma_start3A_266 = arith.constant 0 : i32
        %dma_start3A_267 = tpu.memref_slice %arg3[%add3A_259, %dma_start3A_265, %dma_start3A_266] : memref<2560x3x128xi32, #tpu.memory_space<hbm>> -> memref<1x3x128xi32, #tpu.memory_space<hbm>>
        %dma_start3A_268 = tpu.memref_squeeze %dma_start3A_267 : memref<1x3x128xi32, #tpu.memory_space<hbm>> -> memref<3x128xi32, #tpu.memory_space<hbm>>
        %dma_start3A_269 = arith.constant 0 : i32
        %dma_start3A_270 = arith.constant 0 : i32
        %dma_start3A_271 = tpu.memref_slice %arg5[%dma_start3A_260, %dma_start3A_269, %dma_start3A_270] : memref<4x3x128xi32, #tpu.memory_space<vmem>> -> memref<1x3x128xi32, #tpu.memory_space<vmem>>
        %dma_start3A_272 = tpu.memref_squeeze %dma_start3A_271 : memref<1x3x128xi32, #tpu.memory_space<vmem>> -> memref<3x128xi32, #tpu.memory_space<vmem>>
        %dma_start3A_273 = arith.constant 0 : i32
        %dma_start3A_274 = arith.constant 0 : i32
        %dma_start3A_275 = tpu.memref_slice %arg3[%add3A_259, %dma_start3A_273, %dma_start3A_274] : memref<2560x3x128xi32, #tpu.memory_space<hbm>> -> memref<1x3x128xi32, #tpu.memory_space<hbm>>
        %dma_start3A_276 = tpu.memref_squeeze %dma_start3A_275 : memref<1x3x128xi32, #tpu.memory_space<hbm>> -> memref<3x128xi32, #tpu.memory_space<hbm>>
        tpu.enqueue_dma source(%dma_start3A_276 : memref<3x128xi32, #tpu.memory_space<hbm>>) target(%dma_start3A_272 : memref<3x128xi32, #tpu.memory_space<vmem>>) target_semaphore(%arg13 : memref<!tpu.dma_semaphore, #tpu.memory_space<semaphore_mem>>)
      } else {
      }
      %gt3A_205 = arith.constant 0 : i32
      %gt3A_206 = arith.cmpi sgt, %while3A_164, %gt3A_205 : i32
      %convert_element_type3A_207 = arith.extui %gt3A_206 : i1 to i32
      %cond3A_208 = arith.constant 0 : i32
      %cond3A_209 = arith.cmpi ne, %convert_element_type3A_207, %cond3A_208 : i32
      scf.if %cond3A_209 {
        %add3A_257 = arith.addi %select_n3A, %add3A_200 : i32
        %add3A_258 = arith.constant 1 : i32
        %add3A_259 = arith.addi %add3A_257, %add3A_258 : i32
        %dma_wait3A_260 = arith.constant 2 : i32
        %dma_wait3A_261 = arith.constant 0 : i32
        %dma_wait3A_262 = arith.constant 0 : i32
        %dma_wait3A_263 = tpu.memref_slice %arg5[%dma_wait3A_260, %dma_wait3A_261, %dma_wait3A_262] : memref<4x3x128xi32, #tpu.memory_space<vmem>> -> memref<1x3x128xi32, #tpu.memory_space<vmem>>
        %dma_wait3A_264 = tpu.memref_squeeze %dma_wait3A_263 : memref<1x3x128xi32, #tpu.memory_space<vmem>> -> memref<3x128xi32, #tpu.memory_space<vmem>>
        %dma_wait3A_265 = arith.constant 0 : i32
        %dma_wait3A_266 = arith.constant 0 : i32
        %dma_wait3A_267 = tpu.memref_slice %arg3[%add3A_259, %dma_wait3A_265, %dma_wait3A_266] : memref<2560x3x128xi32, #tpu.memory_space<hbm>> -> memref<1x3x128xi32, #tpu.memory_space<hbm>>
        %dma_wait3A_268 = tpu.memref_squeeze %dma_wait3A_267 : memref<1x3x128xi32, #tpu.memory_space<hbm>> -> memref<3x128xi32, #tpu.memory_space<hbm>>
        %dma_wait3A_269 = arith.constant 0 : i32
        %dma_wait3A_270 = arith.constant 0 : i32
        %dma_wait3A_271 = tpu.memref_slice %arg5[%dma_wait3A_260, %dma_wait3A_269, %dma_wait3A_270] : memref<4x3x128xi32, #tpu.memory_space<vmem>> -> memref<1x3x128xi32, #tpu.memory_space<vmem>>
        %dma_wait3A_272 = tpu.memref_squeeze %dma_wait3A_271 : memref<1x3x128xi32, #tpu.memory_space<vmem>> -> memref<3x128xi32, #tpu.memory_space<vmem>>
        %dma_wait3A_273 = arith.constant 0 : i32
        %dma_wait3A_274 = arith.constant 0 : i32
        %dma_wait3A_275 = tpu.memref_slice %arg3[%add3A_259, %dma_wait3A_273, %dma_wait3A_274] : memref<2560x3x128xi32, #tpu.memory_space<hbm>> -> memref<1x3x128xi32, #tpu.memory_space<hbm>>
        %dma_wait3A_276 = tpu.memref_squeeze %dma_wait3A_275 : memref<1x3x128xi32, #tpu.memory_space<hbm>> -> memref<3x128xi32, #tpu.memory_space<hbm>>
        tpu.wait_dma2 semaphore(%arg15 : memref<!tpu.dma_semaphore, #tpu.memory_space<semaphore_mem>>) src(%dma_wait3A_276 : memref<3x128xi32, #tpu.memory_space<hbm>>) dst(%dma_wait3A_272 : memref<3x128xi32, #tpu.memory_space<vmem>>)
      } else {
      }
      %mul3A_210 = arith.constant 4 : i32
      %mul3A_211 = arith.muli %while3A_164, %mul3A_210 : i32
      %add3A_212 = arith.constant 2 : i32
      %add3A_213 = arith.addi %mul3A_211, %add3A_212 : i32
      %sub3A_214 = arith.constant 1 : i32
      %sub3A_215 = arith.subi %select_n3A_8, %sub3A_214 : i32
      %lt3A_216 = arith.cmpi slt, %while3A_164, %sub3A_215 : i32
      %convert_element_type3A_217 = arith.extui %lt3A_216 : i1 to i32
      %cond3A_218 = arith.constant 0 : i32
      %cond3A_219 = arith.cmpi ne, %convert_element_type3A_217, %cond3A_218 : i32
      scf.if %cond3A_219 {
        %add3A_257 = arith.addi %select_n3A, %add3A_213 : i32
        %add3A_258 = arith.constant 3 : i32
        %add3A_259 = arith.addi %add3A_257, %add3A_258 : i32
        %dma_start3A_260 = arith.constant 1 : i32
        %dma_start3A_261 = arith.constant 0 : i32
        %dma_start3A_262 = arith.constant 0 : i32
        %dma_start3A_263 = tpu.memref_slice %arg5[%dma_start3A_260, %dma_start3A_261, %dma_start3A_262] : memref<4x3x128xi32, #tpu.memory_space<vmem>> -> memref<1x3x128xi32, #tpu.memory_space<vmem>>
        %dma_start3A_264 = tpu.memref_squeeze %dma_start3A_263 : memref<1x3x128xi32, #tpu.memory_space<vmem>> -> memref<3x128xi32, #tpu.memory_space<vmem>>
        %dma_start3A_265 = arith.constant 0 : i32
        %dma_start3A_266 = arith.constant 0 : i32
        %dma_start3A_267 = tpu.memref_slice %arg3[%add3A_259, %dma_start3A_265, %dma_start3A_266] : memref<2560x3x128xi32, #tpu.memory_space<hbm>> -> memref<1x3x128xi32, #tpu.memory_space<hbm>>
        %dma_start3A_268 = tpu.memref_squeeze %dma_start3A_267 : memref<1x3x128xi32, #tpu.memory_space<hbm>> -> memref<3x128xi32, #tpu.memory_space<hbm>>
        %dma_start3A_269 = arith.constant 0 : i32
        %dma_start3A_270 = arith.constant 0 : i32
        %dma_start3A_271 = tpu.memref_slice %arg5[%dma_start3A_260, %dma_start3A_269, %dma_start3A_270] : memref<4x3x128xi32, #tpu.memory_space<vmem>> -> memref<1x3x128xi32, #tpu.memory_space<vmem>>
        %dma_start3A_272 = tpu.memref_squeeze %dma_start3A_271 : memref<1x3x128xi32, #tpu.memory_space<vmem>> -> memref<3x128xi32, #tpu.memory_space<vmem>>
        %dma_start3A_273 = arith.constant 0 : i32
        %dma_start3A_274 = arith.constant 0 : i32
        %dma_start3A_275 = tpu.memref_slice %arg3[%add3A_259, %dma_start3A_273, %dma_start3A_274] : memref<2560x3x128xi32, #tpu.memory_space<hbm>> -> memref<1x3x128xi32, #tpu.memory_space<hbm>>
        %dma_start3A_276 = tpu.memref_squeeze %dma_start3A_275 : memref<1x3x128xi32, #tpu.memory_space<hbm>> -> memref<3x128xi32, #tpu.memory_space<hbm>>
        tpu.enqueue_dma source(%dma_start3A_276 : memref<3x128xi32, #tpu.memory_space<hbm>>) target(%dma_start3A_272 : memref<3x128xi32, #tpu.memory_space<vmem>>) target_semaphore(%arg14 : memref<!tpu.dma_semaphore, #tpu.memory_space<semaphore_mem>>)
      } else {
      }
      %add3A_220 = arith.addi %select_n3A, %add3A_213 : i32
      %add3A_221 = arith.constant 1 : i32
      %add3A_222 = arith.addi %add3A_220, %add3A_221 : i32
      %dma_wait3A_223 = arith.constant 3 : i32
      %dma_wait3A_224 = arith.constant 0 : i32
      %dma_wait3A_225 = arith.constant 0 : i32
      %dma_wait3A_226 = tpu.memref_slice %arg5[%dma_wait3A_223, %dma_wait3A_224, %dma_wait3A_225] : memref<4x3x128xi32, #tpu.memory_space<vmem>> -> memref<1x3x128xi32, #tpu.memory_space<vmem>>
      %dma_wait3A_227 = tpu.memref_squeeze %dma_wait3A_226 : memref<1x3x128xi32, #tpu.memory_space<vmem>> -> memref<3x128xi32, #tpu.memory_space<vmem>>
      %dma_wait3A_228 = arith.constant 0 : i32
      %dma_wait3A_229 = arith.constant 0 : i32
      %dma_wait3A_230 = tpu.memref_slice %arg3[%add3A_222, %dma_wait3A_228, %dma_wait3A_229] : memref<2560x3x128xi32, #tpu.memory_space<hbm>> -> memref<1x3x128xi32, #tpu.memory_space<hbm>>
      %dma_wait3A_231 = tpu.memref_squeeze %dma_wait3A_230 : memref<1x3x128xi32, #tpu.memory_space<hbm>> -> memref<3x128xi32, #tpu.memory_space<hbm>>
      %dma_wait3A_232 = arith.constant 0 : i32
      %dma_wait3A_233 = arith.constant 0 : i32
      %dma_wait3A_234 = tpu.memref_slice %arg5[%dma_wait3A_223, %dma_wait3A_232, %dma_wait3A_233] : memref<4x3x128xi32, #tpu.memory_space<vmem>> -> memref<1x3x128xi32, #tpu.memory_space<vmem>>
      %dma_wait3A_235 = tpu.memref_squeeze %dma_wait3A_234 : memref<1x3x128xi32, #tpu.memory_space<vmem>> -> memref<3x128xi32, #tpu.memory_space<vmem>>
      %dma_wait3A_236 = arith.constant 0 : i32
      %dma_wait3A_237 = arith.constant 0 : i32
      %dma_wait3A_238 = tpu.memref_slice %arg3[%add3A_222, %dma_wait3A_236, %dma_wait3A_237] : memref<2560x3x128xi32, #tpu.memory_space<hbm>> -> memref<1x3x128xi32, #tpu.memory_space<hbm>>
      %dma_wait3A_239 = tpu.memref_squeeze %dma_wait3A_238 : memref<1x3x128xi32, #tpu.memory_space<hbm>> -> memref<3x128xi32, #tpu.memory_space<hbm>>
      tpu.wait_dma2 semaphore(%arg16 : memref<!tpu.dma_semaphore, #tpu.memory_space<semaphore_mem>>) src(%dma_wait3A_239 : memref<3x128xi32, #tpu.memory_space<hbm>>) dst(%dma_wait3A_235 : memref<3x128xi32, #tpu.memory_space<vmem>>)
      %mul3A_240 = arith.constant 4 : i32
      %mul3A_241 = arith.muli %while3A_164, %mul3A_240 : i32
      %add3A_242 = arith.constant 3 : i32
      %add3A_243 = arith.addi %mul3A_241, %add3A_242 : i32
      %sub3A_244 = arith.constant 1 : i32
      %sub3A_245 = arith.subi %select_n3A_8, %sub3A_244 : i32
      %lt3A_246 = arith.cmpi slt, %while3A_164, %sub3A_245 : i32
      %convert_element_type3A_247 = arith.extui %lt3A_246 : i1 to i32
      %cond3A_248 = arith.constant 0 : i32
      %cond3A_249 = arith.cmpi ne, %convert_element_type3A_247, %cond3A_248 : i32
      scf.if %cond3A_249 {
        %add3A_257 = arith.addi %select_n3A, %add3A_243 : i32
        %add3A_258 = arith.constant 3 : i32
        %add3A_259 = arith.addi %add3A_257, %add3A_258 : i32
        %dma_start3A_260 = arith.constant 2 : i32
        %dma_start3A_261 = arith.constant 0 : i32
        %dma_start3A_262 = arith.constant 0 : i32
        %dma_start3A_263 = tpu.memref_slice %arg5[%dma_start3A_260, %dma_start3A_261, %dma_start3A_262] : memref<4x3x128xi32, #tpu.memory_space<vmem>> -> memref<1x3x128xi32, #tpu.memory_space<vmem>>
        %dma_start3A_264 = tpu.memref_squeeze %dma_start3A_263 : memref<1x3x128xi32, #tpu.memory_space<vmem>> -> memref<3x128xi32, #tpu.memory_space<vmem>>
        %dma_start3A_265 = arith.constant 0 : i32
        %dma_start3A_266 = arith.constant 0 : i32
        %dma_start3A_267 = tpu.memref_slice %arg3[%add3A_259, %dma_start3A_265, %dma_start3A_266] : memref<2560x3x128xi32, #tpu.memory_space<hbm>> -> memref<1x3x128xi32, #tpu.memory_space<hbm>>
        %dma_start3A_268 = tpu.memref_squeeze %dma_start3A_267 : memref<1x3x128xi32, #tpu.memory_space<hbm>> -> memref<3x128xi32, #tpu.memory_space<hbm>>
        %dma_start3A_269 = arith.constant 0 : i32
        %dma_start3A_270 = arith.constant 0 : i32
        %dma_start3A_271 = tpu.memref_slice %arg5[%dma_start3A_260, %dma_start3A_269, %dma_start3A_270] : memref<4x3x128xi32, #tpu.memory_space<vmem>> -> memref<1x3x128xi32, #tpu.memory_space<vmem>>
        %dma_start3A_272 = tpu.memref_squeeze %dma_start3A_271 : memref<1x3x128xi32, #tpu.memory_space<vmem>> -> memref<3x128xi32, #tpu.memory_space<vmem>>
        %dma_start3A_273 = arith.constant 0 : i32
        %dma_start3A_274 = arith.constant 0 : i32
        %dma_start3A_275 = tpu.memref_slice %arg3[%add3A_259, %dma_start3A_273, %dma_start3A_274] : memref<2560x3x128xi32, #tpu.memory_space<hbm>> -> memref<1x3x128xi32, #tpu.memory_space<hbm>>
        %dma_start3A_276 = tpu.memref_squeeze %dma_start3A_275 : memref<1x3x128xi32, #tpu.memory_space<hbm>> -> memref<3x128xi32, #tpu.memory_space<hbm>>
        tpu.enqueue_dma source(%dma_start3A_276 : memref<3x128xi32, #tpu.memory_space<hbm>>) target(%dma_start3A_272 : memref<3x128xi32, #tpu.memory_space<vmem>>) target_semaphore(%arg15 : memref<!tpu.dma_semaphore, #tpu.memory_space<semaphore_mem>>)
      } else {
      }
      %sub3A_250 = arith.constant 1 : i32
      %sub3A_251 = arith.subi %select_n3A_8, %sub3A_250 : i32
      %lt3A_252 = arith.cmpi slt, %while3A_164, %sub3A_251 : i32
      %convert_element_type3A_253 = arith.extui %lt3A_252 : i1 to i32
      %cond3A_254 = arith.constant 0 : i32
      %cond3A_255 = arith.cmpi ne, %convert_element_type3A_253, %cond3A_254 : i32
      scf.if %cond3A_255 {
        %add3A_257 = arith.addi %select_n3A, %add3A_243 : i32
        %add3A_258 = arith.constant 1 : i32
        %add3A_259 = arith.addi %add3A_257, %add3A_258 : i32
        %dma_wait3A_260 = arith.constant 0 : i32
        %dma_wait3A_261 = arith.constant 0 : i32
        %dma_wait3A_262 = arith.constant 0 : i32
        %dma_wait3A_263 = tpu.memref_slice %arg5[%dma_wait3A_260, %dma_wait3A_261, %dma_wait3A_262] : memref<4x3x128xi32, #tpu.memory_space<vmem>> -> memref<1x3x128xi32, #tpu.memory_space<vmem>>
        %dma_wait3A_264 = tpu.memref_squeeze %dma_wait3A_263 : memref<1x3x128xi32, #tpu.memory_space<vmem>> -> memref<3x128xi32, #tpu.memory_space<vmem>>
        %dma_wait3A_265 = arith.constant 0 : i32
        %dma_wait3A_266 = arith.constant 0 : i32
        %dma_wait3A_267 = tpu.memref_slice %arg3[%add3A_259, %dma_wait3A_265, %dma_wait3A_266] : memref<2560x3x128xi32, #tpu.memory_space<hbm>> -> memref<1x3x128xi32, #tpu.memory_space<hbm>>
        %dma_wait3A_268 = tpu.memref_squeeze %dma_wait3A_267 : memref<1x3x128xi32, #tpu.memory_space<hbm>> -> memref<3x128xi32, #tpu.memory_space<hbm>>
        %dma_wait3A_269 = arith.constant 0 : i32
        %dma_wait3A_270 = arith.constant 0 : i32
        %dma_wait3A_271 = tpu.memref_slice %arg5[%dma_wait3A_260, %dma_wait3A_269, %dma_wait3A_270] : memref<4x3x128xi32, #tpu.memory_space<vmem>> -> memref<1x3x128xi32, #tpu.memory_space<vmem>>
        %dma_wait3A_272 = tpu.memref_squeeze %dma_wait3A_271 : memref<1x3x128xi32, #tpu.memory_space<vmem>> -> memref<3x128xi32, #tpu.memory_space<vmem>>
        %dma_wait3A_273 = arith.constant 0 : i32
        %dma_wait3A_274 = arith.constant 0 : i32
        %dma_wait3A_275 = tpu.memref_slice %arg3[%add3A_259, %dma_wait3A_273, %dma_wait3A_274] : memref<2560x3x128xi32, #tpu.memory_space<hbm>> -> memref<1x3x128xi32, #tpu.memory_space<hbm>>
        %dma_wait3A_276 = tpu.memref_squeeze %dma_wait3A_275 : memref<1x3x128xi32, #tpu.memory_space<hbm>> -> memref<3x128xi32, #tpu.memory_space<hbm>>
        tpu.wait_dma2 semaphore(%arg13 : memref<!tpu.dma_semaphore, #tpu.memory_space<semaphore_mem>>) src(%dma_wait3A_276 : memref<3x128xi32, #tpu.memory_space<hbm>>) dst(%dma_wait3A_272 : memref<3x128xi32, #tpu.memory_space<vmem>>)
      } else {
      }
      %while3A_256 = arith.constant 0 : i32
      scf.yield %while3A_256 : i32
    }
    %while3A_71 = arith.constant 1 : i32
    %while3A_72 = scf.for %while3A_164 = %while3A_68 to %while3A_64 step %while3A_71 iter_args(%while3A_165 = %while3A_70) -> (i32)  : i32 {
      %mul3A_166 = arith.constant 4 : i32
      %mul3A_167 = arith.muli %while3A_164, %mul3A_166 : i32
      %add3A_168 = arith.constant 0 : i32
      %add3A_169 = arith.addi %mul3A_167, %add3A_168 : i32
      %gt3A = arith.constant 0 : i32
      %gt3A_170 = arith.cmpi sgt, %while3A_164, %gt3A : i32
      %convert_element_type3A = arith.extui %gt3A_170 : i1 to i32
      %cond3A = arith.constant 0 : i32
      %cond3A_171 = arith.cmpi ne, %convert_element_type3A, %cond3A : i32
      scf.if %cond3A_171 {
      } else {
      }
      %add3A_172 = arith.addi %select_n3A, %add3A_169 : i32
      %add3A_173 = arith.constant 3 : i32
      %add3A_174 = arith.addi %add3A_172, %add3A_173 : i32
      %dma_start3A_175 = arith.constant 3 : i32
      %dma_start3A_176 = arith.constant 0 : i32
      %dma_start3A_177 = arith.constant 0 : i32
      %dma_start3A_178 = tpu.memref_slice %arg5[%dma_start3A_175, %dma_start3A_176, %dma_start3A_177] : memref<4x3x128xi32, #tpu.memory_space<vmem>> -> memref<1x3x128xi32, #tpu.memory_space<vmem>>
      %dma_start3A_179 = tpu.memref_squeeze %dma_start3A_178 : memref<1x3x128xi32, #tpu.memory_space<vmem>> -> memref<3x128xi32, #tpu.memory_space<vmem>>
      %dma_start3A_180 = arith.constant 0 : i32
      %dma_start3A_181 = arith.constant 0 : i32
      %dma_start3A_182 = tpu.memref_slice %arg3[%add3A_174, %dma_start3A_180, %dma_start3A_181] : memref<2560x3x128xi32, #tpu.memory_space<hbm>> -> memref<1x3x128xi32, #tpu.memory_space<hbm>>
      %dma_start3A_183 = tpu.memref_squeeze %dma_start3A_182 : memref<1x3x128xi32, #tpu.memory_space<hbm>> -> memref<3x128xi32, #tpu.memory_space<hbm>>
      %dma_start3A_184 = arith.constant 0 : i32
      %dma_start3A_185 = arith.constant 0 : i32
      %dma_start3A_186 = tpu.memref_slice %arg5[%dma_start3A_175, %dma_start3A_184, %dma_start3A_185] : memref<4x3x128xi32, #tpu.memory_space<vmem>> -> memref<1x3x128xi32, #tpu.memory_space<vmem>>
      %dma_start3A_187 = tpu.memref_squeeze %dma_start3A_186 : memref<1x3x128xi32, #tpu.memory_space<vmem>> -> memref<3x128xi32, #tpu.memory_space<vmem>>
      %dma_start3A_188 = arith.constant 0 : i32
      %dma_start3A_189 = arith.constant 0 : i32
      %dma_start3A_190 = tpu.memref_slice %arg3[%add3A_174, %dma_start3A_188, %dma_start3A_189] : memref<2560x3x128xi32, #tpu.memory_space<hbm>> -> memref<1x3x128xi32, #tpu.memory_space<hbm>>
      %dma_start3A_191 = tpu.memref_squeeze %dma_start3A_190 : memref<1x3x128xi32, #tpu.memory_space<hbm>> -> memref<3x128xi32, #tpu.memory_space<hbm>>
      tpu.enqueue_dma source(%dma_start3A_191 : memref<3x128xi32, #tpu.memory_space<hbm>>) target(%dma_start3A_187 : memref<3x128xi32, #tpu.memory_space<vmem>>) target_semaphore(%arg16 : memref<!tpu.dma_semaphore, #tpu.memory_space<semaphore_mem>>)
      %gt3A_192 = arith.constant 0 : i32
      %gt3A_193 = arith.cmpi sgt, %while3A_164, %gt3A_192 : i32
      %convert_element_type3A_194 = arith.extui %gt3A_193 : i1 to i32
      %cond3A_195 = arith.constant 0 : i32
      %cond3A_196 = arith.cmpi ne, %convert_element_type3A_194, %cond3A_195 : i32
      scf.if %cond3A_196 {
        %add3A_257 = arith.addi %select_n3A, %add3A_169 : i32
        %add3A_258 = arith.constant 1 : i32
        %add3A_259 = arith.addi %add3A_257, %add3A_258 : i32
        %dma_wait3A_260 = arith.constant 1 : i32
        %dma_wait3A_261 = arith.constant 0 : i32
        %dma_wait3A_262 = arith.constant 0 : i32
        %dma_wait3A_263 = tpu.memref_slice %arg5[%dma_wait3A_260, %dma_wait3A_261, %dma_wait3A_262] : memref<4x3x128xi32, #tpu.memory_space<vmem>> -> memref<1x3x128xi32, #tpu.memory_space<vmem>>
        %dma_wait3A_264 = tpu.memref_squeeze %dma_wait3A_263 : memref<1x3x128xi32, #tpu.memory_space<vmem>> -> memref<3x128xi32, #tpu.memory_space<vmem>>
        %dma_wait3A_265 = arith.constant 0 : i32
        %dma_wait3A_266 = arith.constant 0 : i32
        %dma_wait3A_267 = tpu.memref_slice %arg3[%add3A_259, %dma_wait3A_265, %dma_wait3A_266] : memref<2560x3x128xi32, #tpu.memory_space<hbm>> -> memref<1x3x128xi32, #tpu.memory_space<hbm>>
        %dma_wait3A_268 = tpu.memref_squeeze %dma_wait3A_267 : memref<1x3x128xi32, #tpu.memory_space<hbm>> -> memref<3x128xi32, #tpu.memory_space<hbm>>
        %dma_wait3A_269 = arith.constant 0 : i32
        %dma_wait3A_270 = arith.constant 0 : i32
        %dma_wait3A_271 = tpu.memref_slice %arg5[%dma_wait3A_260, %dma_wait3A_269, %dma_wait3A_270] : memref<4x3x128xi32, #tpu.memory_space<vmem>> -> memref<1x3x128xi32, #tpu.memory_space<vmem>>
        %dma_wait3A_272 = tpu.memref_squeeze %dma_wait3A_271 : memref<1x3x128xi32, #tpu.memory_space<vmem>> -> memref<3x128xi32, #tpu.memory_space<vmem>>
        %dma_wait3A_273 = arith.constant 0 : i32
        %dma_wait3A_274 = arith.constant 0 : i32
        %dma_wait3A_275 = tpu.memref_slice %arg3[%add3A_259, %dma_wait3A_273, %dma_wait3A_274] : memref<2560x3x128xi32, #tpu.memory_space<hbm>> -> memref<1x3x128xi32, #tpu.memory_space<hbm>>
        %dma_wait3A_276 = tpu.memref_squeeze %dma_wait3A_275 : memref<1x3x128xi32, #tpu.memory_space<hbm>> -> memref<3x128xi32, #tpu.memory_space<hbm>>
        tpu.wait_dma2 semaphore(%arg14 : memref<!tpu.dma_semaphore, #tpu.memory_space<semaphore_mem>>) src(%dma_wait3A_276 : memref<3x128xi32, #tpu.memory_space<hbm>>) dst(%dma_wait3A_272 : memref<3x128xi32, #tpu.memory_space<vmem>>)
      } else {
      }
      %mul3A_197 = arith.constant 4 : i32
      %mul3A_198 = arith.muli %while3A_164, %mul3A_197 : i32
      %add3A_199 = arith.constant 1 : i32
      %add3A_200 = arith.addi %mul3A_198, %add3A_199 : i32
      %sub3A = arith.constant 1 : i32
      %sub3A_201 = arith.subi %select_n3A_8, %sub3A : i32
      %lt3A = arith.cmpi slt, %while3A_164, %sub3A_201 : i32
      %convert_element_type3A_202 = arith.extui %lt3A : i1 to i32
      %cond3A_203 = arith.constant 0 : i32
      %cond3A_204 = arith.cmpi ne, %convert_element_type3A_202, %cond3A_203 : i32
      scf.if %cond3A_204 {
        %add3A_257 = arith.addi %select_n3A, %add3A_200 : i32
        %add3A_258 = arith.constant 3 : i32
        %add3A_259 = arith.addi %add3A_257, %add3A_258 : i32
        %dma_start3A_260 = arith.constant 0 : i32
        %dma_start3A_261 = arith.constant 0 : i32
        %dma_start3A_262 = arith.constant 0 : i32
        %dma_start3A_263 = tpu.memref_slice %arg5[%dma_start3A_260, %dma_start3A_261, %dma_start3A_262] : memref<4x3x128xi32, #tpu.memory_space<vmem>> -> memref<1x3x128xi32, #tpu.memory_space<vmem>>
        %dma_start3A_264 = tpu.memref_squeeze %dma_start3A_263 : memref<1x3x128xi32, #tpu.memory_space<vmem>> -> memref<3x128xi32, #tpu.memory_space<vmem>>
        %dma_start3A_265 = arith.constant 0 : i32
        %dma_start3A_266 = arith.constant 0 : i32
        %dma_start3A_267 = tpu.memref_slice %arg3[%add3A_259, %dma_start3A_265, %dma_start3A_266] : memref<2560x3x128xi32, #tpu.memory_space<hbm>> -> memref<1x3x128xi32, #tpu.memory_space<hbm>>
        %dma_start3A_268 = tpu.memref_squeeze %dma_start3A_267 : memref<1x3x128xi32, #tpu.memory_space<hbm>> -> memref<3x128xi32, #tpu.memory_space<hbm>>
        %dma_start3A_269 = arith.constant 0 : i32
        %dma_start3A_270 = arith.constant 0 : i32
        %dma_start3A_271 = tpu.memref_slice %arg5[%dma_start3A_260, %dma_start3A_269, %dma_start3A_270] : memref<4x3x128xi32, #tpu.memory_space<vmem>> -> memref<1x3x128xi32, #tpu.memory_space<vmem>>
        %dma_start3A_272 = tpu.memref_squeeze %dma_start3A_271 : memref<1x3x128xi32, #tpu.memory_space<vmem>> -> memref<3x128xi32, #tpu.memory_space<vmem>>
        %dma_start3A_273 = arith.constant 0 : i32
        %dma_start3A_274 = arith.constant 0 : i32
        %dma_start3A_275 = tpu.memref_slice %arg3[%add3A_259, %dma_start3A_273, %dma_start3A_274] : memref<2560x3x128xi32, #tpu.memory_space<hbm>> -> memref<1x3x128xi32, #tpu.memory_space<hbm>>
        %dma_start3A_276 = tpu.memref_squeeze %dma_start3A_275 : memref<1x3x128xi32, #tpu.memory_space<hbm>> -> memref<3x128xi32, #tpu.memory_space<hbm>>
        tpu.enqueue_dma source(%dma_start3A_276 : memref<3x128xi32, #tpu.memory_space<hbm>>) target(%dma_start3A_272 : memref<3x128xi32, #tpu.memory_space<vmem>>) target_semaphore(%arg13 : memref<!tpu.dma_semaphore, #tpu.memory_space<semaphore_mem>>)
      } else {
      }
      %gt3A_205 = arith.constant 0 : i32
      %gt3A_206 = arith.cmpi sgt, %while3A_164, %gt3A_205 : i32
      %convert_element_type3A_207 = arith.extui %gt3A_206 : i1 to i32
      %cond3A_208 = arith.constant 0 : i32
      %cond3A_209 = arith.cmpi ne, %convert_element_type3A_207, %cond3A_208 : i32
      scf.if %cond3A_209 {
        %add3A_257 = arith.addi %select_n3A, %add3A_200 : i32
        %add3A_258 = arith.constant 1 : i32
        %add3A_259 = arith.addi %add3A_257, %add3A_258 : i32
        %dma_wait3A_260 = arith.constant 2 : i32
        %dma_wait3A_261 = arith.constant 0 : i32
        %dma_wait3A_262 = arith.constant 0 : i32
        %dma_wait3A_263 = tpu.memref_slice %arg5[%dma_wait3A_260, %dma_wait3A_261, %dma_wait3A_262] : memref<4x3x128xi32, #tpu.memory_space<vmem>> -> memref<1x3x128xi32, #tpu.memory_space<vmem>>
        %dma_wait3A_264 = tpu.memref_squeeze %dma_wait3A_263 : memref<1x3x128xi32, #tpu.memory_space<vmem>> -> memref<3x128xi32, #tpu.memory_space<vmem>>
        %dma_wait3A_265 = arith.constant 0 : i32
        %dma_wait3A_266 = arith.constant 0 : i32
        %dma_wait3A_267 = tpu.memref_slice %arg3[%add3A_259, %dma_wait3A_265, %dma_wait3A_266] : memref<2560x3x128xi32, #tpu.memory_space<hbm>> -> memref<1x3x128xi32, #tpu.memory_space<hbm>>
        %dma_wait3A_268 = tpu.memref_squeeze %dma_wait3A_267 : memref<1x3x128xi32, #tpu.memory_space<hbm>> -> memref<3x128xi32, #tpu.memory_space<hbm>>
        %dma_wait3A_269 = arith.constant 0 : i32
        %dma_wait3A_270 = arith.constant 0 : i32
        %dma_wait3A_271 = tpu.memref_slice %arg5[%dma_wait3A_260, %dma_wait3A_269, %dma_wait3A_270] : memref<4x3x128xi32, #tpu.memory_space<vmem>> -> memref<1x3x128xi32, #tpu.memory_space<vmem>>
        %dma_wait3A_272 = tpu.memref_squeeze %dma_wait3A_271 : memref<1x3x128xi32, #tpu.memory_space<vmem>> -> memref<3x128xi32, #tpu.memory_space<vmem>>
        %dma_wait3A_273 = arith.constant 0 : i32
        %dma_wait3A_274 = arith.constant 0 : i32
        %dma_wait3A_275 = tpu.memref_slice %arg3[%add3A_259, %dma_wait3A_273, %dma_wait3A_274] : memref<2560x3x128xi32, #tpu.memory_space<hbm>> -> memref<1x3x128xi32, #tpu.memory_space<hbm>>
        %dma_wait3A_276 = tpu.memref_squeeze %dma_wait3A_275 : memref<1x3x128xi32, #tpu.memory_space<hbm>> -> memref<3x128xi32, #tpu.memory_space<hbm>>
        tpu.wait_dma2 semaphore(%arg15 : memref<!tpu.dma_semaphore, #tpu.memory_space<semaphore_mem>>) src(%dma_wait3A_276 : memref<3x128xi32, #tpu.memory_space<hbm>>) dst(%dma_wait3A_272 : memref<3x128xi32, #tpu.memory_space<vmem>>)
      } else {
      }
      %mul3A_210 = arith.constant 4 : i32
      %mul3A_211 = arith.muli %while3A_164, %mul3A_210 : i32
      %add3A_212 = arith.constant 2 : i32
      %add3A_213 = arith.addi %mul3A_211, %add3A_212 : i32
      %sub3A_214 = arith.constant 1 : i32
      %sub3A_215 = arith.subi %select_n3A_8, %sub3A_214 : i32
      %lt3A_216 = arith.cmpi slt, %while3A_164, %sub3A_215 : i32
      %convert_element_type3A_217 = arith.extui %lt3A_216 : i1 to i32
      %cond3A_218 = arith.constant 0 : i32
      %cond3A_219 = arith.cmpi ne, %convert_element_type3A_217, %cond3A_218 : i32
      scf.if %cond3A_219 {
        %add3A_257 = arith.addi %select_n3A, %add3A_213 : i32
        %add3A_258 = arith.constant 3 : i32
        %add3A_259 = arith.addi %add3A_257, %add3A_258 : i32
        %dma_start3A_260 = arith.constant 1 : i32
        %dma_start3A_261 = arith.constant 0 : i32
        %dma_start3A_262 = arith.constant 0 : i32
        %dma_start3A_263 = tpu.memref_slice %arg5[%dma_start3A_260, %dma_start3A_261, %dma_start3A_262] : memref<4x3x128xi32, #tpu.memory_space<vmem>> -> memref<1x3x128xi32, #tpu.memory_space<vmem>>
        %dma_start3A_264 = tpu.memref_squeeze %dma_start3A_263 : memref<1x3x128xi32, #tpu.memory_space<vmem>> -> memref<3x128xi32, #tpu.memory_space<vmem>>
        %dma_start3A_265 = arith.constant 0 : i32
        %dma_start3A_266 = arith.constant 0 : i32
        %dma_start3A_267 = tpu.memref_slice %arg3[%add3A_259, %dma_start3A_265, %dma_start3A_266] : memref<2560x3x128xi32, #tpu.memory_space<hbm>> -> memref<1x3x128xi32, #tpu.memory_space<hbm>>
        %dma_start3A_268 = tpu.memref_squeeze %dma_start3A_267 : memref<1x3x128xi32, #tpu.memory_space<hbm>> -> memref<3x128xi32, #tpu.memory_space<hbm>>
        %dma_start3A_269 = arith.constant 0 : i32
        %dma_start3A_270 = arith.constant 0 : i32
        %dma_start3A_271 = tpu.memref_slice %arg5[%dma_start3A_260, %dma_start3A_269, %dma_start3A_270] : memref<4x3x128xi32, #tpu.memory_space<vmem>> -> memref<1x3x128xi32, #tpu.memory_space<vmem>>
        %dma_start3A_272 = tpu.memref_squeeze %dma_start3A_271 : memref<1x3x128xi32, #tpu.memory_space<vmem>> -> memref<3x128xi32, #tpu.memory_space<vmem>>
        %dma_start3A_273 = arith.constant 0 : i32
        %dma_start3A_274 = arith.constant 0 : i32
        %dma_start3A_275 = tpu.memref_slice %arg3[%add3A_259, %dma_start3A_273, %dma_start3A_274] : memref<2560x3x128xi32, #tpu.memory_space<hbm>> -> memref<1x3x128xi32, #tpu.memory_space<hbm>>
        %dma_start3A_276 = tpu.memref_squeeze %dma_start3A_275 : memref<1x3x128xi32, #tpu.memory_space<hbm>> -> memref<3x128xi32, #tpu.memory_space<hbm>>
        tpu.enqueue_dma source(%dma_start3A_276 : memref<3x128xi32, #tpu.memory_space<hbm>>) target(%dma_start3A_272 : memref<3x128xi32, #tpu.memory_space<vmem>>) target_semaphore(%arg14 : memref<!tpu.dma_semaphore, #tpu.memory_space<semaphore_mem>>)
      } else {
      }
      %add3A_220 = arith.addi %select_n3A, %add3A_213 : i32
      %add3A_221 = arith.constant 1 : i32
      %add3A_222 = arith.addi %add3A_220, %add3A_221 : i32
      %dma_wait3A_223 = arith.constant 3 : i32
      %dma_wait3A_224 = arith.constant 0 : i32
      %dma_wait3A_225 = arith.constant 0 : i32
      %dma_wait3A_226 = tpu.memref_slice %arg5[%dma_wait3A_223, %dma_wait3A_224, %dma_wait3A_225] : memref<4x3x128xi32, #tpu.memory_space<vmem>> -> memref<1x3x128xi32, #tpu.memory_space<vmem>>
      %dma_wait3A_227 = tpu.memref_squeeze %dma_wait3A_226 : memref<1x3x128xi32, #tpu.memory_space<vmem>> -> memref<3x128xi32, #tpu.memory_space<vmem>>
      %dma_wait3A_228 = arith.constant 0 : i32
      %dma_wait3A_229 = arith.constant 0 : i32
      %dma_wait3A_230 = tpu.memref_slice %arg3[%add3A_222, %dma_wait3A_228, %dma_wait3A_229] : memref<2560x3x128xi32, #tpu.memory_space<hbm>> -> memref<1x3x128xi32, #tpu.memory_space<hbm>>
      %dma_wait3A_231 = tpu.memref_squeeze %dma_wait3A_230 : memref<1x3x128xi32, #tpu.memory_space<hbm>> -> memref<3x128xi32, #tpu.memory_space<hbm>>
      %dma_wait3A_232 = arith.constant 0 : i32
      %dma_wait3A_233 = arith.constant 0 : i32
      %dma_wait3A_234 = tpu.memref_slice %arg5[%dma_wait3A_223, %dma_wait3A_232, %dma_wait3A_233] : memref<4x3x128xi32, #tpu.memory_space<vmem>> -> memref<1x3x128xi32, #tpu.memory_space<vmem>>
      %dma_wait3A_235 = tpu.memref_squeeze %dma_wait3A_234 : memref<1x3x128xi32, #tpu.memory_space<vmem>> -> memref<3x128xi32, #tpu.memory_space<vmem>>
      %dma_wait3A_236 = arith.constant 0 : i32
      %dma_wait3A_237 = arith.constant 0 : i32
      %dma_wait3A_238 = tpu.memref_slice %arg3[%add3A_222, %dma_wait3A_236, %dma_wait3A_237] : memref<2560x3x128xi32, #tpu.memory_space<hbm>> -> memref<1x3x128xi32, #tpu.memory_space<hbm>>
      %dma_wait3A_239 = tpu.memref_squeeze %dma_wait3A_238 : memref<1x3x128xi32, #tpu.memory_space<hbm>> -> memref<3x128xi32, #tpu.memory_space<hbm>>
      tpu.wait_dma2 semaphore(%arg16 : memref<!tpu.dma_semaphore, #tpu.memory_space<semaphore_mem>>) src(%dma_wait3A_239 : memref<3x128xi32, #tpu.memory_space<hbm>>) dst(%dma_wait3A_235 : memref<3x128xi32, #tpu.memory_space<vmem>>)
      %mul3A_240 = arith.constant 4 : i32
      %mul3A_241 = arith.muli %while3A_164, %mul3A_240 : i32
      %add3A_242 = arith.constant 3 : i32
      %add3A_243 = arith.addi %mul3A_241, %add3A_242 : i32
      %sub3A_244 = arith.constant 1 : i32
      %sub3A_245 = arith.subi %select_n3A_8, %sub3A_244 : i32
      %lt3A_246 = arith.cmpi slt, %while3A_164, %sub3A_245 : i32
      %convert_element_type3A_247 = arith.extui %lt3A_246 : i1 to i32
      %cond3A_248 = arith.constant 0 : i32
      %cond3A_249 = arith.cmpi ne, %convert_element_type3A_247, %cond3A_248 : i32
      scf.if %cond3A_249 {
        %add3A_257 = arith.addi %select_n3A, %add3A_243 : i32
        %add3A_258 = arith.constant 3 : i32
        %add3A_259 = arith.addi %add3A_257, %add3A_258 : i32
        %dma_start3A_260 = arith.constant 2 : i32
        %dma_start3A_261 = arith.constant 0 : i32
        %dma_start3A_262 = arith.constant 0 : i32
        %dma_start3A_263 = tpu.memref_slice %arg5[%dma_start3A_260, %dma_start3A_261, %dma_start3A_262] : memref<4x3x128xi32, #tpu.memory_space<vmem>> -> memref<1x3x128xi32, #tpu.memory_space<vmem>>
        %dma_start3A_264 = tpu.memref_squeeze %dma_start3A_263 : memref<1x3x128xi32, #tpu.memory_space<vmem>> -> memref<3x128xi32, #tpu.memory_space<vmem>>
        %dma_start3A_265 = arith.constant 0 : i32
        %dma_start3A_266 = arith.constant 0 : i32
        %dma_start3A_267 = tpu.memref_slice %arg3[%add3A_259, %dma_start3A_265, %dma_start3A_266] : memref<2560x3x128xi32, #tpu.memory_space<hbm>> -> memref<1x3x128xi32, #tpu.memory_space<hbm>>
        %dma_start3A_268 = tpu.memref_squeeze %dma_start3A_267 : memref<1x3x128xi32, #tpu.memory_space<hbm>> -> memref<3x128xi32, #tpu.memory_space<hbm>>
        %dma_start3A_269 = arith.constant 0 : i32
        %dma_start3A_270 = arith.constant 0 : i32
        %dma_start3A_271 = tpu.memref_slice %arg5[%dma_start3A_260, %dma_start3A_269, %dma_start3A_270] : memref<4x3x128xi32, #tpu.memory_space<vmem>> -> memref<1x3x128xi32, #tpu.memory_space<vmem>>
        %dma_start3A_272 = tpu.memref_squeeze %dma_start3A_271 : memref<1x3x128xi32, #tpu.memory_space<vmem>> -> memref<3x128xi32, #tpu.memory_space<vmem>>
        %dma_start3A_273 = arith.constant 0 : i32
        %dma_start3A_274 = arith.constant 0 : i32
        %dma_start3A_275 = tpu.memref_slice %arg3[%add3A_259, %dma_start3A_273, %dma_start3A_274] : memref<2560x3x128xi32, #tpu.memory_space<hbm>> -> memref<1x3x128xi32, #tpu.memory_space<hbm>>
        %dma_start3A_276 = tpu.memref_squeeze %dma_start3A_275 : memref<1x3x128xi32, #tpu.memory_space<hbm>> -> memref<3x128xi32, #tpu.memory_space<hbm>>
        tpu.enqueue_dma source(%dma_start3A_276 : memref<3x128xi32, #tpu.memory_space<hbm>>) target(%dma_start3A_272 : memref<3x128xi32, #tpu.memory_space<vmem>>) target_semaphore(%arg15 : memref<!tpu.dma_semaphore, #tpu.memory_space<semaphore_mem>>)
      } else {
      }
      %sub3A_250 = arith.constant 1 : i32
      %sub3A_251 = arith.subi %select_n3A_8, %sub3A_250 : i32
      %lt3A_252 = arith.cmpi slt, %while3A_164, %sub3A_251 : i32
      %convert_element_type3A_253 = arith.extui %lt3A_252 : i1 to i32
      %cond3A_254 = arith.constant 0 : i32
      %cond3A_255 = arith.cmpi ne, %convert_element_type3A_253, %cond3A_254 : i32
      scf.if %cond3A_255 {
        %add3A_257 = arith.addi %select_n3A, %add3A_243 : i32
        %add3A_258 = arith.constant 1 : i32
        %add3A_259 = arith.addi %add3A_257, %add3A_258 : i32
        %dma_wait3A_260 = arith.constant 0 : i32
        %dma_wait3A_261 = arith.constant 0 : i32
        %dma_wait3A_262 = arith.constant 0 : i32
        %dma_wait3A_263 = tpu.memref_slice %arg5[%dma_wait3A_260, %dma_wait3A_261, %dma_wait3A_262] : memref<4x3x128xi32, #tpu.memory_space<vmem>> -> memref<1x3x128xi32, #tpu.memory_space<vmem>>
        %dma_wait3A_264 = tpu.memref_squeeze %dma_wait3A_263 : memref<1x3x128xi32, #tpu.memory_space<vmem>> -> memref<3x128xi32, #tpu.memory_space<vmem>>
        %dma_wait3A_265 = arith.constant 0 : i32
        %dma_wait3A_266 = arith.constant 0 : i32
        %dma_wait3A_267 = tpu.memref_slice %arg3[%add3A_259, %dma_wait3A_265, %dma_wait3A_266] : memref<2560x3x128xi32, #tpu.memory_space<hbm>> -> memref<1x3x128xi32, #tpu.memory_space<hbm>>
        %dma_wait3A_268 = tpu.memref_squeeze %dma_wait3A_267 : memref<1x3x128xi32, #tpu.memory_space<hbm>> -> memref<3x128xi32, #tpu.memory_space<hbm>>
        %dma_wait3A_269 = arith.constant 0 : i32
        %dma_wait3A_270 = arith.constant 0 : i32
        %dma_wait3A_271 = tpu.memref_slice %arg5[%dma_wait3A_260, %dma_wait3A_269, %dma_wait3A_270] : memref<4x3x128xi32, #tpu.memory_space<vmem>> -> memref<1x3x128xi32, #tpu.memory_space<vmem>>
        %dma_wait3A_272 = tpu.memref_squeeze %dma_wait3A_271 : memref<1x3x128xi32, #tpu.memory_space<vmem>> -> memref<3x128xi32, #tpu.memory_space<vmem>>
        %dma_wait3A_273 = arith.constant 0 : i32
        %dma_wait3A_274 = arith.constant 0 : i32
        %dma_wait3A_275 = tpu.memref_slice %arg3[%add3A_259, %dma_wait3A_273, %dma_wait3A_274] : memref<2560x3x128xi32, #tpu.memory_space<hbm>> -> memref<1x3x128xi32, #tpu.memory_space<hbm>>
        %dma_wait3A_276 = tpu.memref_squeeze %dma_wait3A_275 : memref<1x3x128xi32, #tpu.memory_space<hbm>> -> memref<3x128xi32, #tpu.memory_space<hbm>>
        tpu.wait_dma2 semaphore(%arg13 : memref<!tpu.dma_semaphore, #tpu.memory_space<semaphore_mem>>) src(%dma_wait3A_276 : memref<3x128xi32, #tpu.memory_space<hbm>>) dst(%dma_wait3A_272 : memref<3x128xi32, #tpu.memory_space<vmem>>)
      } else {
      }
      %while3A_256 = arith.constant 0 : i32
      scf.yield %while3A_256 : i32
    }
    %barrier3A_73 = arith.constant 0 : index
    tpu.barrier barrier_id(%barrier3A_73)
    %mul3A_74 = arith.constant 640 : i32
    %mul3A_75 = arith.muli %arg1, %mul3A_74 : i32
    %add3A_76 = arith.constant 0 : i32
    %add3A_77 = arith.addi %mul3A_75, %add3A_76 : i32
    %dma_start3A_78 = arith.constant 0 : i32
    %dma_start3A_79 = tpu.memref_slice %arg4[%arg0, %add3A_77, %dma_start3A_78] : memref<2x10240x128xf32, #tpu.memory_space<hbm>> -> memref<1x128x128xf32, #tpu.memory_space<hbm>>
    %dma_start3A_80 = tpu.memref_squeeze %dma_start3A_79 : memref<1x128x128xf32, #tpu.memory_space<hbm>> -> memref<128x128xf32, #tpu.memory_space<hbm>>
    %dma_start3A_81 = arith.constant 0 : i32
    %dma_start3A_82 = tpu.memref_slice %arg8[%add3A_77, %dma_start3A_81] : memref<10240x128xf32, #tpu.memory_space<vmem_shared>> -> memref<128x128xf32, #tpu.memory_space<vmem_shared>>
    tpu.enqueue_dma source(%dma_start3A_82 : memref<128x128xf32, #tpu.memory_space<vmem_shared>>) target(%dma_start3A_80 : memref<128x128xf32, #tpu.memory_space<hbm>>) target_semaphore(%arg17 : memref<!tpu.dma_semaphore, #tpu.memory_space<semaphore_mem>>)
    %mul3A_83 = arith.constant 640 : i32
    %mul3A_84 = arith.muli %arg1, %mul3A_83 : i32
    %add3A_85 = arith.constant 128 : i32
    %add3A_86 = arith.addi %mul3A_84, %add3A_85 : i32
    %dma_start3A_87 = arith.constant 0 : i32
    %dma_start3A_88 = tpu.memref_slice %arg4[%arg0, %add3A_86, %dma_start3A_87] : memref<2x10240x128xf32, #tpu.memory_space<hbm>> -> memref<1x128x128xf32, #tpu.memory_space<hbm>>
    %dma_start3A_89 = tpu.memref_squeeze %dma_start3A_88 : memref<1x128x128xf32, #tpu.memory_space<hbm>> -> memref<128x128xf32, #tpu.memory_space<hbm>>
    %dma_start3A_90 = arith.constant 0 : i32
    %dma_start3A_91 = tpu.memref_slice %arg8[%add3A_86, %dma_start3A_90] : memref<10240x128xf32, #tpu.memory_space<vmem_shared>> -> memref<128x128xf32, #tpu.memory_space<vmem_shared>>
    tpu.enqueue_dma source(%dma_start3A_91 : memref<128x128xf32, #tpu.memory_space<vmem_shared>>) target(%dma_start3A_89 : memref<128x128xf32, #tpu.memory_space<hbm>>) target_semaphore(%arg17 : memref<!tpu.dma_semaphore, #tpu.memory_space<semaphore_mem>>)
    %mul3A_92 = arith.constant 640 : i32
    %mul3A_93 = arith.muli %arg1, %mul3A_92 : i32
    %add3A_94 = arith.constant 256 : i32
    %add3A_95 = arith.addi %mul3A_93, %add3A_94 : i32
    %dma_start3A_96 = arith.constant 0 : i32
    %dma_start3A_97 = tpu.memref_slice %arg4[%arg0, %add3A_95, %dma_start3A_96] : memref<2x10240x128xf32, #tpu.memory_space<hbm>> -> memref<1x128x128xf32, #tpu.memory_space<hbm>>
    %dma_start3A_98 = tpu.memref_squeeze %dma_start3A_97 : memref<1x128x128xf32, #tpu.memory_space<hbm>> -> memref<128x128xf32, #tpu.memory_space<hbm>>
    %dma_start3A_99 = arith.constant 0 : i32
    %dma_start3A_100 = tpu.memref_slice %arg8[%add3A_95, %dma_start3A_99] : memref<10240x128xf32, #tpu.memory_space<vmem_shared>> -> memref<128x128xf32, #tpu.memory_space<vmem_shared>>
    tpu.enqueue_dma source(%dma_start3A_100 : memref<128x128xf32, #tpu.memory_space<vmem_shared>>) target(%dma_start3A_98 : memref<128x128xf32, #tpu.memory_space<hbm>>) target_semaphore(%arg17 : memref<!tpu.dma_semaphore, #tpu.memory_space<semaphore_mem>>)
    %mul3A_101 = arith.constant 640 : i32
    %mul3A_102 = arith.muli %arg1, %mul3A_101 : i32
    %add3A_103 = arith.constant 384 : i32
    %add3A_104 = arith.addi %mul3A_102, %add3A_103 : i32
    %dma_start3A_105 = arith.constant 0 : i32
    %dma_start3A_106 = tpu.memref_slice %arg4[%arg0, %add3A_104, %dma_start3A_105] : memref<2x10240x128xf32, #tpu.memory_space<hbm>> -> memref<1x128x128xf32, #tpu.memory_space<hbm>>
    %dma_start3A_107 = tpu.memref_squeeze %dma_start3A_106 : memref<1x128x128xf32, #tpu.memory_space<hbm>> -> memref<128x128xf32, #tpu.memory_space<hbm>>
    %dma_start3A_108 = arith.constant 0 : i32
    %dma_start3A_109 = tpu.memref_slice %arg8[%add3A_104, %dma_start3A_108] : memref<10240x128xf32, #tpu.memory_space<vmem_shared>> -> memref<128x128xf32, #tpu.memory_space<vmem_shared>>
    tpu.enqueue_dma source(%dma_start3A_109 : memref<128x128xf32, #tpu.memory_space<vmem_shared>>) target(%dma_start3A_107 : memref<128x128xf32, #tpu.memory_space<hbm>>) target_semaphore(%arg17 : memref<!tpu.dma_semaphore, #tpu.memory_space<semaphore_mem>>)
    %mul3A_110 = arith.constant 640 : i32
    %mul3A_111 = arith.muli %arg1, %mul3A_110 : i32
    %add3A_112 = arith.constant 512 : i32
    %add3A_113 = arith.addi %mul3A_111, %add3A_112 : i32
    %dma_start3A_114 = arith.constant 0 : i32
    %dma_start3A_115 = tpu.memref_slice %arg4[%arg0, %add3A_113, %dma_start3A_114] : memref<2x10240x128xf32, #tpu.memory_space<hbm>> -> memref<1x128x128xf32, #tpu.memory_space<hbm>>
    %dma_start3A_116 = tpu.memref_squeeze %dma_start3A_115 : memref<1x128x128xf32, #tpu.memory_space<hbm>> -> memref<128x128xf32, #tpu.memory_space<hbm>>
    %dma_start3A_117 = arith.constant 0 : i32
    %dma_start3A_118 = tpu.memref_slice %arg8[%add3A_113, %dma_start3A_117] : memref<10240x128xf32, #tpu.memory_space<vmem_shared>> -> memref<128x128xf32, #tpu.memory_space<vmem_shared>>
    tpu.enqueue_dma source(%dma_start3A_118 : memref<128x128xf32, #tpu.memory_space<vmem_shared>>) target(%dma_start3A_116 : memref<128x128xf32, #tpu.memory_space<hbm>>) target_semaphore(%arg17 : memref<!tpu.dma_semaphore, #tpu.memory_space<semaphore_mem>>)
    %mul3A_119 = arith.constant 640 : i32
    %mul3A_120 = arith.muli %arg1, %mul3A_119 : i32
    %add3A_121 = arith.constant 0 : i32
    %add3A_122 = arith.addi %mul3A_120, %add3A_121 : i32
    %dma_wait3A_123 = arith.constant 0 : i32
    %dma_wait3A_124 = tpu.memref_slice %arg4[%arg0, %add3A_122, %dma_wait3A_123] : memref<2x10240x128xf32, #tpu.memory_space<hbm>> -> memref<1x128x128xf32, #tpu.memory_space<hbm>>
    %dma_wait3A_125 = tpu.memref_squeeze %dma_wait3A_124 : memref<1x128x128xf32, #tpu.memory_space<hbm>> -> memref<128x128xf32, #tpu.memory_space<hbm>>
    %dma_wait3A_126 = arith.constant 0 : i32
    %dma_wait3A_127 = tpu.memref_slice %arg8[%add3A_122, %dma_wait3A_126] : memref<10240x128xf32, #tpu.memory_space<vmem_shared>> -> memref<128x128xf32, #tpu.memory_space<vmem_shared>>
    tpu.wait_dma2 semaphore(%arg17 : memref<!tpu.dma_semaphore, #tpu.memory_space<semaphore_mem>>) src(%dma_wait3A_127 : memref<128x128xf32, #tpu.memory_space<vmem_shared>>) dst(%dma_wait3A_125 : memref<128x128xf32, #tpu.memory_space<hbm>>)
    %mul3A_128 = arith.constant 640 : i32
    %mul3A_129 = arith.muli %arg1, %mul3A_128 : i32
    %add3A_130 = arith.constant 128 : i32
    %add3A_131 = arith.addi %mul3A_129, %add3A_130 : i32
    %dma_wait3A_132 = arith.constant 0 : i32
    %dma_wait3A_133 = tpu.memref_slice %arg4[%arg0, %add3A_131, %dma_wait3A_132] : memref<2x10240x128xf32, #tpu.memory_space<hbm>> -> memref<1x128x128xf32, #tpu.memory_space<hbm>>
    %dma_wait3A_134 = tpu.memref_squeeze %dma_wait3A_133 : memref<1x128x128xf32, #tpu.memory_space<hbm>> -> memref<128x128xf32, #tpu.memory_space<hbm>>
    %dma_wait3A_135 = arith.constant 0 : i32
    %dma_wait3A_136 = tpu.memref_slice %arg8[%add3A_131, %dma_wait3A_135] : memref<10240x128xf32, #tpu.memory_space<vmem_shared>> -> memref<128x128xf32, #tpu.memory_space<vmem_shared>>
    tpu.wait_dma2 semaphore(%arg17 : memref<!tpu.dma_semaphore, #tpu.memory_space<semaphore_mem>>) src(%dma_wait3A_136 : memref<128x128xf32, #tpu.memory_space<vmem_shared>>) dst(%dma_wait3A_134 : memref<128x128xf32, #tpu.memory_space<hbm>>)
    %mul3A_137 = arith.constant 640 : i32
    %mul3A_138 = arith.muli %arg1, %mul3A_137 : i32
    %add3A_139 = arith.constant 256 : i32
    %add3A_140 = arith.addi %mul3A_138, %add3A_139 : i32
    %dma_wait3A_141 = arith.constant 0 : i32
    %dma_wait3A_142 = tpu.memref_slice %arg4[%arg0, %add3A_140, %dma_wait3A_141] : memref<2x10240x128xf32, #tpu.memory_space<hbm>> -> memref<1x128x128xf32, #tpu.memory_space<hbm>>
    %dma_wait3A_143 = tpu.memref_squeeze %dma_wait3A_142 : memref<1x128x128xf32, #tpu.memory_space<hbm>> -> memref<128x128xf32, #tpu.memory_space<hbm>>
    %dma_wait3A_144 = arith.constant 0 : i32
    %dma_wait3A_145 = tpu.memref_slice %arg8[%add3A_140, %dma_wait3A_144] : memref<10240x128xf32, #tpu.memory_space<vmem_shared>> -> memref<128x128xf32, #tpu.memory_space<vmem_shared>>
    tpu.wait_dma2 semaphore(%arg17 : memref<!tpu.dma_semaphore, #tpu.memory_space<semaphore_mem>>) src(%dma_wait3A_145 : memref<128x128xf32, #tpu.memory_space<vmem_shared>>) dst(%dma_wait3A_143 : memref<128x128xf32, #tpu.memory_space<hbm>>)
    %mul3A_146 = arith.constant 640 : i32
    %mul3A_147 = arith.muli %arg1, %mul3A_146 : i32
    %add3A_148 = arith.constant 384 : i32
    %add3A_149 = arith.addi %mul3A_147, %add3A_148 : i32
    %dma_wait3A_150 = arith.constant 0 : i32
    %dma_wait3A_151 = tpu.memref_slice %arg4[%arg0, %add3A_149, %dma_wait3A_150] : memref<2x10240x128xf32, #tpu.memory_space<hbm>> -> memref<1x128x128xf32, #tpu.memory_space<hbm>>
    %dma_wait3A_152 = tpu.memref_squeeze %dma_wait3A_151 : memref<1x128x128xf32, #tpu.memory_space<hbm>> -> memref<128x128xf32, #tpu.memory_space<hbm>>
    %dma_wait3A_153 = arith.constant 0 : i32
    %dma_wait3A_154 = tpu.memref_slice %arg8[%add3A_149, %dma_wait3A_153] : memref<10240x128xf32, #tpu.memory_space<vmem_shared>> -> memref<128x128xf32, #tpu.memory_space<vmem_shared>>
    tpu.wait_dma2 semaphore(%arg17 : memref<!tpu.dma_semaphore, #tpu.memory_space<semaphore_mem>>) src(%dma_wait3A_154 : memref<128x128xf32, #tpu.memory_space<vmem_shared>>) dst(%dma_wait3A_152 : memref<128x128xf32, #tpu.memory_space<hbm>>)
    %mul3A_155 = arith.constant 640 : i32
    %mul3A_156 = arith.muli %arg1, %mul3A_155 : i32
    %add3A_157 = arith.constant 512 : i32
    %add3A_158 = arith.addi %mul3A_156, %add3A_157 : i32
    %dma_wait3A_159 = arith.constant 0 : i32
    %dma_wait3A_160 = tpu.memref_slice %arg4[%arg0, %add3A_158, %dma_wait3A_159] : memref<2x10240x128xf32, #tpu.memory_space<hbm>> -> memref<1x128x128xf32, #tpu.memory_space<hbm>>
    %dma_wait3A_161 = tpu.memref_squeeze %dma_wait3A_160 : memref<1x128x128xf32, #tpu.memory_space<hbm>> -> memref<128x128xf32, #tpu.memory_space<hbm>>
    %dma_wait3A_162 = arith.constant 0 : i32
    %dma_wait3A_163 = tpu.memref_slice %arg8[%add3A_158, %dma_wait3A_162] : memref<10240x128xf32, #tpu.memory_space<vmem_shared>> -> memref<128x128xf32, #tpu.memory_space<vmem_shared>>
    tpu.wait_dma2 semaphore(%arg17 : memref<!tpu.dma_semaphore, #tpu.memory_space<semaphore_mem>>) src(%dma_wait3A_163 : memref<128x128xf32, #tpu.memory_space<vmem_shared>>) dst(%dma_wait3A_161 : memref<128x128xf32, #tpu.memory_space<hbm>>)
    return
  }
}

#map = affine_map<(d0, d1) -> (0, 0)>
#map1 = affine_map<(d0, d1) -> (0)>
module attributes {stable_mosaic.version = 14 : i64} {
  func.func @deg_kernel(%arg0: i32, %arg1: i32, %arg2: memref<2560x128xi32, #tpu.memory_space<hbm>>, %arg3: memref<2560x128xf32, #tpu.memory_space<hbm>>, %arg4: memref<20480xf32, #tpu.memory_space<hbm>>, %arg5: memref<80x128xi32, #tpu.memory_space<vmem>>, %arg6: memref<80x128xf32, #tpu.memory_space<vmem>>, %arg7: memref<640xf32, #tpu.memory_space<vmem>>, %arg8: memref<10240xf32, #tpu.memory_space<vmem_shared>>) attributes {dimension_semantics = [#tpu.dimension_semantics<core_parallel>, #tpu.dimension_semantics<subcore_parallel>], iteration_bounds = array<i64: 2, 16>, scalar_prefetch = 0 : i64, scratch_operands = 4 : i64, tpu.core_type = #tpu.core_type<sc_vector_subcore>, window_params = [{transform_indices = #map}, {transform_indices = #map}, {transform_indices = #map1}]} {
    %mul3A = arith.constant 16 : i32
    %mul3A_0 = arith.muli %arg0, %mul3A : i32
    %add3A = arith.addi %mul3A_0, %arg1 : i32
    %broadcast_in_dim3A = arith.constant 0.000000e+00 : f32
    %broadcast_in_dim3A_1 = vector.broadcast %broadcast_in_dim3A : f32 to vector<16xf32>
    %scan3A = arith.constant 0 : i32
    %scan3A_2 = arith.constant 0 : i32
    %scan3A_3 = arith.constant 40 : i32
    %scan3A_4 = arith.addi %scan3A_2, %scan3A_3 : i32
    %scan3A_5 = arith.constant 1 : i32
    %scan3A_6 = scf.for %scan3A_27 = %scan3A_2 to %scan3A_4 step %scan3A_5 iter_args(%scan3A_28 = %scan3A) -> (i32)  : i32 {
      %mul3A_29 = arith.constant 16 : i32
      %mul3A_30 = arith.muli %scan3A_27, %mul3A_29 : i32
      %swap3A = arith.index_cast %mul3A_30 : i32 to index
      %swap3A_31 = tpu.vector_load %arg7[%swap3A] {strides = array<i32>} : memref<640xf32, #tpu.memory_space<vmem>>, vector<16xf32>,
      %swap3A_32 = vector.shape_cast %swap3A_31 : vector<16xf32> to vector<16xf32>
      %swap3A_33 = vector.shape_cast %broadcast_in_dim3A_1 : vector<16xf32> to vector<16xf32>
      tpu.vector_store %arg7[%swap3A], %swap3A_33 {strides = array<i32>} : memref<640xf32, #tpu.memory_space<vmem>>, vector<16xf32>,
      %scan3A_34 = arith.constant 0 : i32
      scf.yield %scan3A_34 : i32
    }
    %scan3A_7 = arith.constant 40 : i32
    %mul3A_8 = arith.constant 640 : i32
    %mul3A_9 = arith.muli %arg1, %mul3A_8 : i32
    "tpu.region"() ({
      %run_scoped3A = tpu.sem_alloc : memref<!tpu.dma_semaphore, #tpu.memory_space<semaphore_mem>>
      %dma_start3A = tpu.memref_slice %arg8[%mul3A_9] : memref<10240xf32, #tpu.memory_space<vmem_shared>> -> memref<640xf32, #tpu.memory_space<vmem_shared>>
      %dma_start3A_27 = tpu.memref_slice %arg8[%mul3A_9] : memref<10240xf32, #tpu.memory_space<vmem_shared>> -> memref<640xf32, #tpu.memory_space<vmem_shared>>
      tpu.enqueue_dma source(%arg7 : memref<640xf32, #tpu.memory_space<vmem>>) target(%dma_start3A_27 : memref<640xf32, #tpu.memory_space<vmem_shared>>) target_semaphore(%run_scoped3A : memref<!tpu.dma_semaphore, #tpu.memory_space<semaphore_mem>>)
      %dma_wait3A = tpu.memref_slice %arg8[%mul3A_9] : memref<10240xf32, #tpu.memory_space<vmem_shared>> -> memref<640xf32, #tpu.memory_space<vmem_shared>>
      %dma_wait3A_28 = tpu.memref_slice %arg8[%mul3A_9] : memref<10240xf32, #tpu.memory_space<vmem_shared>> -> memref<640xf32, #tpu.memory_space<vmem_shared>>
      tpu.wait_dma2 semaphore(%run_scoped3A : memref<!tpu.dma_semaphore, #tpu.memory_space<semaphore_mem>>) src(%arg7 : memref<640xf32, #tpu.memory_space<vmem>>) dst(%dma_wait3A_28 : memref<640xf32, #tpu.memory_space<vmem_shared>>)
      tpu.yield
    }) : () -> ()
    %barrier3A = arith.constant 0 : index
    tpu.barrier barrier_id(%barrier3A)
    %mul3A_10 = arith.constant 80 : i32
    %mul3A_11 = arith.muli %add3A, %mul3A_10 : i32
    "tpu.region"() ({
      %run_scoped3A = tpu.sem_alloc : memref<!tpu.dma_semaphore, #tpu.memory_space<semaphore_mem>>
      %dma_start3A = arith.constant 0 : i32
      %dma_start3A_27 = tpu.memref_slice %arg2[%mul3A_11, %dma_start3A] : memref<2560x128xi32, #tpu.memory_space<hbm>> -> memref<80x128xi32, #tpu.memory_space<hbm>>
      %dma_start3A_28 = arith.constant 0 : i32
      %dma_start3A_29 = tpu.memref_slice %arg2[%mul3A_11, %dma_start3A_28] : memref<2560x128xi32, #tpu.memory_space<hbm>> -> memref<80x128xi32, #tpu.memory_space<hbm>>
      tpu.enqueue_dma source(%dma_start3A_29 : memref<80x128xi32, #tpu.memory_space<hbm>>) target(%arg5 : memref<80x128xi32, #tpu.memory_space<vmem>>) target_semaphore(%run_scoped3A : memref<!tpu.dma_semaphore, #tpu.memory_space<semaphore_mem>>)
      %dma_wait3A = arith.constant 0 : i32
      %dma_wait3A_30 = tpu.memref_slice %arg2[%mul3A_11, %dma_wait3A] : memref<2560x128xi32, #tpu.memory_space<hbm>> -> memref<80x128xi32, #tpu.memory_space<hbm>>
      %dma_wait3A_31 = arith.constant 0 : i32
      %dma_wait3A_32 = tpu.memref_slice %arg2[%mul3A_11, %dma_wait3A_31] : memref<2560x128xi32, #tpu.memory_space<hbm>> -> memref<80x128xi32, #tpu.memory_space<hbm>>
      tpu.wait_dma2 semaphore(%run_scoped3A : memref<!tpu.dma_semaphore, #tpu.memory_space<semaphore_mem>>) src(%dma_wait3A_32 : memref<80x128xi32, #tpu.memory_space<hbm>>) dst(%arg5 : memref<80x128xi32, #tpu.memory_space<vmem>>)
      tpu.yield
    }) : () -> ()
    "tpu.region"() ({
      %run_scoped3A = tpu.sem_alloc : memref<!tpu.dma_semaphore, #tpu.memory_space<semaphore_mem>>
      %dma_start3A = arith.constant 0 : i32
      %dma_start3A_27 = tpu.memref_slice %arg3[%mul3A_11, %dma_start3A] : memref<2560x128xf32, #tpu.memory_space<hbm>> -> memref<80x128xf32, #tpu.memory_space<hbm>>
      %dma_start3A_28 = arith.constant 0 : i32
      %dma_start3A_29 = tpu.memref_slice %arg3[%mul3A_11, %dma_start3A_28] : memref<2560x128xf32, #tpu.memory_space<hbm>> -> memref<80x128xf32, #tpu.memory_space<hbm>>
      tpu.enqueue_dma source(%dma_start3A_29 : memref<80x128xf32, #tpu.memory_space<hbm>>) target(%arg6 : memref<80x128xf32, #tpu.memory_space<vmem>>) target_semaphore(%run_scoped3A : memref<!tpu.dma_semaphore, #tpu.memory_space<semaphore_mem>>)
      %dma_wait3A = arith.constant 0 : i32
      %dma_wait3A_30 = tpu.memref_slice %arg3[%mul3A_11, %dma_wait3A] : memref<2560x128xf32, #tpu.memory_space<hbm>> -> memref<80x128xf32, #tpu.memory_space<hbm>>
      %dma_wait3A_31 = arith.constant 0 : i32
      %dma_wait3A_32 = tpu.memref_slice %arg3[%mul3A_11, %dma_wait3A_31] : memref<2560x128xf32, #tpu.memory_space<hbm>> -> memref<80x128xf32, #tpu.memory_space<hbm>>
      tpu.wait_dma2 semaphore(%run_scoped3A : memref<!tpu.dma_semaphore, #tpu.memory_space<semaphore_mem>>) src(%dma_wait3A_32 : memref<80x128xf32, #tpu.memory_space<hbm>>) dst(%arg6 : memref<80x128xf32, #tpu.memory_space<vmem>>)
      tpu.yield
    }) : () -> ()
    %scan3A_12 = arith.constant 0 : i32
    %scan3A_13 = arith.constant 0 : i32
    %scan3A_14 = arith.constant 80 : i32
    %scan3A_15 = arith.addi %scan3A_13, %scan3A_14 : i32
    %scan3A_16 = arith.constant 1 : i32
    %scan3A_17 = scf.for %scan3A_27 = %scan3A_13 to %scan3A_15 step %scan3A_16 iter_args(%scan3A_28 = %scan3A_12) -> (i32)  : i32 {
      "tpu.region"() ({
        %run_scoped3A = tpu.sem_alloc : memref<!tpu.dma_semaphore, #tpu.memory_space<semaphore_mem>>
        %dma_start3A = arith.constant 0 : i32
        %dma_start3A_30 = tpu.memref_slice %arg6[%scan3A_27, %dma_start3A] : memref<80x128xf32, #tpu.memory_space<vmem>> -> memref<1x128xf32, #tpu.memory_space<vmem>>
        %dma_start3A_31 = tpu.memref_squeeze %dma_start3A_30 : memref<1x128xf32, #tpu.memory_space<vmem>> -> memref<128xf32, #tpu.memory_space<vmem>>
        %dma_start3A_32 = arith.constant 0 : i32
        %dma_start3A_33 = tpu.memref_slice %arg5[%scan3A_27, %dma_start3A_32] : memref<80x128xi32, #tpu.memory_space<vmem>> -> memref<1x128xi32, #tpu.memory_space<vmem>>
        %dma_start3A_34 = tpu.memref_squeeze %dma_start3A_33 : memref<1x128xi32, #tpu.memory_space<vmem>> -> memref<128xi32, #tpu.memory_space<vmem>>
        %dma_start3A_35 = arith.constant 0 : i32
        %dma_start3A_36 = tpu.memref_slice %arg8[%dma_start3A_35] : memref<10240xf32, #tpu.memory_space<vmem_shared>> -> memref<10240xf32, #tpu.memory_space<vmem_shared>>
        tpu.enqueue_indirect_dma source(%dma_start3A_31 : memref<128xf32, #tpu.memory_space<vmem>>) target(%dma_start3A_36 : memref<10240xf32, #tpu.memory_space<vmem_shared>>) offsets(%dma_start3A_34 : memref<128xi32, #tpu.memory_space<vmem>>) semaphore(%run_scoped3A : memref<!tpu.dma_semaphore, #tpu.memory_space<semaphore_mem>>) {add = true}
        %dma_wait3A = arith.constant 0 : i32
        %dma_wait3A_37 = tpu.memref_slice %arg6[%scan3A_27, %dma_wait3A] : memref<80x128xf32, #tpu.memory_space<vmem>> -> memref<1x128xf32, #tpu.memory_space<vmem>>
        %dma_wait3A_38 = tpu.memref_squeeze %dma_wait3A_37 : memref<1x128xf32, #tpu.memory_space<vmem>> -> memref<128xf32, #tpu.memory_space<vmem>>
        %dma_wait3A_39 = arith.constant 0 : i32
        %dma_wait3A_40 = tpu.memref_slice %arg5[%scan3A_27, %dma_wait3A_39] : memref<80x128xi32, #tpu.memory_space<vmem>> -> memref<1x128xi32, #tpu.memory_space<vmem>>
        %dma_wait3A_41 = tpu.memref_squeeze %dma_wait3A_40 : memref<1x128xi32, #tpu.memory_space<vmem>> -> memref<128xi32, #tpu.memory_space<vmem>>
        %dma_wait3A_42 = arith.constant 0 : i32
        %dma_wait3A_43 = tpu.memref_slice %arg8[%dma_wait3A_42] : memref<10240xf32, #tpu.memory_space<vmem_shared>> -> memref<10240xf32, #tpu.memory_space<vmem_shared>>
        tpu.wait_indirect_dma semaphore(%run_scoped3A : memref<!tpu.dma_semaphore, #tpu.memory_space<semaphore_mem>>) src(%dma_wait3A_38 : memref<128xf32, #tpu.memory_space<vmem>>) dst(%dma_wait3A_43 : memref<10240xf32, #tpu.memory_space<vmem_shared>>)
        tpu.yield
      }) : () -> ()
      %scan3A_29 = arith.constant 0 : i32
      scf.yield %scan3A_29 : i32
    }
    %scan3A_18 = arith.constant 80 : i32
    %barrier3A_19 = arith.constant 0 : index
    tpu.barrier barrier_id(%barrier3A_19)
    %mul3A_20 = arith.constant 640 : i32
    %mul3A_21 = arith.muli %arg1, %mul3A_20 : i32
    %mul3A_22 = arith.constant 10240 : i32
    %mul3A_23 = arith.muli %arg0, %mul3A_22 : i32
    %mul3A_24 = arith.constant 640 : i32
    %mul3A_25 = arith.muli %arg1, %mul3A_24 : i32
    %add3A_26 = arith.addi %mul3A_23, %mul3A_25 : i32
    "tpu.region"() ({
      %run_scoped3A = tpu.sem_alloc : memref<!tpu.dma_semaphore, #tpu.memory_space<semaphore_mem>>
      %dma_start3A = tpu.memref_slice %arg4[%add3A_26] : memref<20480xf32, #tpu.memory_space<hbm>> -> memref<640xf32, #tpu.memory_space<hbm>>
      %dma_start3A_27 = tpu.memref_slice %arg8[%mul3A_21] : memref<10240xf32, #tpu.memory_space<vmem_shared>> -> memref<640xf32, #tpu.memory_space<vmem_shared>>
      tpu.enqueue_dma source(%dma_start3A_27 : memref<640xf32, #tpu.memory_space<vmem_shared>>) target(%dma_start3A : memref<640xf32, #tpu.memory_space<hbm>>) target_semaphore(%run_scoped3A : memref<!tpu.dma_semaphore, #tpu.memory_space<semaphore_mem>>)
      %dma_wait3A = tpu.memref_slice %arg4[%add3A_26] : memref<20480xf32, #tpu.memory_space<hbm>> -> memref<640xf32, #tpu.memory_space<hbm>>
      %dma_wait3A_28 = tpu.memref_slice %arg8[%mul3A_21] : memref<10240xf32, #tpu.memory_space<vmem_shared>> -> memref<640xf32, #tpu.memory_space<vmem_shared>>
      tpu.wait_dma2 semaphore(%run_scoped3A : memref<!tpu.dma_semaphore, #tpu.memory_space<semaphore_mem>>) src(%dma_wait3A_28 : memref<640xf32, #tpu.memory_space<vmem_shared>>) dst(%dma_wait3A : memref<640xf32, #tpu.memory_space<hbm>>)
      tpu.yield
    }) : () -> ()
    return
  }
}

#map = affine_map<(d0, d1) -> (0, 0)>
#map1 = affine_map<(d0, d1) -> (0, 0, 0)>
module attributes {stable_mosaic.version = 14 : i64} {
  func.func @edge_kernel(%arg0: i32, %arg1: i32, %arg2: memref<10240x128xf32, #tpu.memory_space<hbm>>, %arg3: memref<2560x3x128xi32, #tpu.memory_space<hbm>>, %arg4: memref<2x10240x128xf32, #tpu.memory_space<hbm>>, %arg5: memref<4x3x128xi32, #tpu.memory_space<vmem>>, %arg6: memref<128x128xf32, #tpu.memory_space<vmem>>, %arg7: memref<128x128xf32, #tpu.memory_space<vmem>>, %arg8: memref<10240x128xf32, #tpu.memory_space<vmem_shared>>, %arg9: memref<!tpu.dma_semaphore, #tpu.memory_space<semaphore_mem>>, %arg10: memref<!tpu.dma_semaphore, #tpu.memory_space<semaphore_mem>>, %arg11: memref<!tpu.dma_semaphore, #tpu.memory_space<semaphore_mem>>, %arg12: memref<!tpu.dma_semaphore, #tpu.memory_space<semaphore_mem>>, %arg13: memref<!tpu.dma_semaphore, #tpu.memory_space<semaphore_mem>>, %arg14: memref<!tpu.dma_semaphore, #tpu.memory_space<semaphore_mem>>, %arg15: memref<!tpu.dma_semaphore, #tpu.memory_space<semaphore_mem>>, %arg16: memref<!tpu.dma_semaphore, #tpu.memory_space<semaphore_mem>>, %arg17: memref<!tpu.dma_semaphore, #tpu.memory_space<semaphore_mem>>) attributes {dimension_semantics = [#tpu.dimension_semantics<core_parallel>, #tpu.dimension_semantics<subcore_parallel>], iteration_bounds = array<i64: 2, 16>, scalar_prefetch = 0 : i64, scratch_operands = 13 : i64, tpu.core_type = #tpu.core_type<sc_vector_subcore>, window_params = [{transform_indices = #map}, {transform_indices = #map1}, {transform_indices = #map1}]} {
    %eq3A = arith.constant 0 : i32
    %eq3A_0 = arith.cmpi eq, %arg0, %eq3A : i32
    %mul3A = arith.constant 144 : i32
    %mul3A_1 = arith.muli %arg1, %mul3A : i32
    %mul3A_2 = arith.constant 16 : i32
    %mul3A_3 = arith.muli %arg1, %mul3A_2 : i32
    %add3A = arith.constant 2304 : i32
    %add3A_4 = arith.addi %add3A, %mul3A_3 : i32
    %select_n3A = arith.select %eq3A_0, %mul3A_1, %add3A_4 : i32
    %eq3A_5 = arith.constant 0 : i32
    %eq3A_6 = arith.cmpi eq, %arg0, %eq3A_5 : i32
    %jit3A = arith.constant 36 : i32
    %jit3A_7 = arith.constant 4 : i32
    %select_n3A_8 = arith.select %eq3A_6, %jit3A, %jit3A_7 : i32
    %broadcast_in_dim3A = arith.constant 0.000000e+00 : f32
    %broadcast_in_dim3A_9 = vector.broadcast %broadcast_in_dim3A : f32 to vector<16xf32>
    %dma_start3A = arith.constant 0 : i32
    %dma_start3A_10 = arith.constant 0 : i32
    %dma_start3A_11 = arith.constant 0 : i32
    %dma_start3A_12 = tpu.memref_slice %arg5[%dma_start3A, %dma_start3A_10, %dma_start3A_11] : memref<4x3x128xi32, #tpu.memory_space<vmem>> -> memref<3x3x128xi32, #tpu.memory_space<vmem>>
    %dma_start3A_13 = arith.constant 0 : i32
    %dma_start3A_14 = arith.constant 0 : i32
    %dma_start3A_15 = tpu.memref_slice %arg3[%select_n3A, %dma_start3A_13, %dma_start3A_14] : memref<2560x3x128xi32, #tpu.memory_space<hbm>> -> memref<3x3x128xi32, #tpu.memory_space<hbm>>
    %dma_start3A_16 = arith.constant 0 : i32
    %dma_start3A_17 = arith.constant 0 : i32
    %dma_start3A_18 = arith.constant 0 : i32
    %dma_start3A_19 = tpu.memref_slice %arg5[%dma_start3A_16, %dma_start3A_17, %dma_start3A_18] : memref<4x3x128xi32, #tpu.memory_space<vmem>> -> memref<3x3x128xi32, #tpu.memory_space<vmem>>
    %dma_start3A_20 = arith.constant 0 : i32
    %dma_start3A_21 = arith.constant 0 : i32
    %dma_start3A_22 = tpu.memref_slice %arg3[%select_n3A, %dma_start3A_20, %dma_start3A_21] : memref<2560x3x128xi32, #tpu.memory_space<hbm>> -> memref<3x3x128xi32, #tpu.memory_space<hbm>>
    tpu.enqueue_dma source(%dma_start3A_22 : memref<3x3x128xi32, #tpu.memory_space<hbm>>) target(%dma_start3A_19 : memref<3x3x128xi32, #tpu.memory_space<vmem>>) target_semaphore(%arg17 : memref<!tpu.dma_semaphore, #tpu.memory_space<semaphore_mem>>)
    %scan3A = arith.constant 0 : i32
    %scan3A_23 = arith.constant 0 : i32
    %scan3A_24 = arith.constant 128 : i32
    %scan3A_25 = arith.addi %scan3A_23, %scan3A_24 : i32
    %scan3A_26 = arith.constant 1 : i32
    %scan3A_27 = scf.for %scan3A_164 = %scan3A_23 to %scan3A_25 step %scan3A_26 iter_args(%scan3A_165 = %scan3A) -> (i32)  : i32 {
      %swap3A = arith.index_cast %scan3A_164 : i32 to index
      %swap3A_166 = arith.constant 0 : index
      %swap3A_167 = tpu.vector_load %arg6[%swap3A, %swap3A_166] {strides = array<i32>} : memref<128x128xf32, #tpu.memory_space<vmem>>, vector<1x16xf32>,
      %swap3A_168 = vector.shape_cast %swap3A_167 : vector<1x16xf32> to vector<16xf32>
      %swap3A_169 = vector.shape_cast %broadcast_in_dim3A_9 : vector<16xf32> to vector<1x16xf32>
      tpu.vector_store %arg6[%swap3A, %swap3A_166], %swap3A_169 {strides = array<i32>} : memref<128x128xf32, #tpu.memory_space<vmem>>, vector<1x16xf32>,
      %swap3A_170 = arith.index_cast %scan3A_164 : i32 to index
      %swap3A_171 = arith.constant 16 : index
      %swap3A_172 = tpu.vector_load %arg6[%swap3A_170, %swap3A_171] {strides = array<i32>} : memref<128x128xf32, #tpu.memory_space<vmem>>, vector<1x16xf32>,
      %swap3A_173 = vector.shape_cast %swap3A_172 : vector<1x16xf32> to vector<16xf32>
      %swap3A_174 = vector.shape_cast %broadcast_in_dim3A_9 : vector<16xf32> to vector<1x16xf32>
      tpu.vector_store %arg6[%swap3A_170, %swap3A_171], %swap3A_174 {strides = array<i32>} : memref<128x128xf32, #tpu.memory_space<vmem>>, vector<1x16xf32>,
      %swap3A_175 = arith.index_cast %scan3A_164 : i32 to index
      %swap3A_176 = arith.constant 32 : index
      %swap3A_177 = tpu.vector_load %arg6[%swap3A_175, %swap3A_176] {strides = array<i32>} : memref<128x128xf32, #tpu.memory_space<vmem>>, vector<1x16xf32>,
      %swap3A_178 = vector.shape_cast %swap3A_177 : vector<1x16xf32> to vector<16xf32>
      %swap3A_179 = vector.shape_cast %broadcast_in_dim3A_9 : vector<16xf32> to vector<1x16xf32>
      tpu.vector_store %arg6[%swap3A_175, %swap3A_176], %swap3A_179 {strides = array<i32>} : memref<128x128xf32, #tpu.memory_space<vmem>>, vector<1x16xf32>,
      %swap3A_180 = arith.index_cast %scan3A_164 : i32 to index
      %swap3A_181 = arith.constant 48 : index
      %swap3A_182 = tpu.vector_load %arg6[%swap3A_180, %swap3A_181] {strides = array<i32>} : memref<128x128xf32, #tpu.memory_space<vmem>>, vector<1x16xf32>,
      %swap3A_183 = vector.shape_cast %swap3A_182 : vector<1x16xf32> to vector<16xf32>
      %swap3A_184 = vector.shape_cast %broadcast_in_dim3A_9 : vector<16xf32> to vector<1x16xf32>
      tpu.vector_store %arg6[%swap3A_180, %swap3A_181], %swap3A_184 {strides = array<i32>} : memref<128x128xf32, #tpu.memory_space<vmem>>, vector<1x16xf32>,
      %swap3A_185 = arith.index_cast %scan3A_164 : i32 to index
      %swap3A_186 = arith.constant 64 : index
      %swap3A_187 = tpu.vector_load %arg6[%swap3A_185, %swap3A_186] {strides = array<i32>} : memref<128x128xf32, #tpu.memory_space<vmem>>, vector<1x16xf32>,
      %swap3A_188 = vector.shape_cast %swap3A_187 : vector<1x16xf32> to vector<16xf32>
      %swap3A_189 = vector.shape_cast %broadcast_in_dim3A_9 : vector<16xf32> to vector<1x16xf32>
      tpu.vector_store %arg6[%swap3A_185, %swap3A_186], %swap3A_189 {strides = array<i32>} : memref<128x128xf32, #tpu.memory_space<vmem>>, vector<1x16xf32>,
      %swap3A_190 = arith.index_cast %scan3A_164 : i32 to index
      %swap3A_191 = arith.constant 80 : index
      %swap3A_192 = tpu.vector_load %arg6[%swap3A_190, %swap3A_191] {strides = array<i32>} : memref<128x128xf32, #tpu.memory_space<vmem>>, vector<1x16xf32>,
      %swap3A_193 = vector.shape_cast %swap3A_192 : vector<1x16xf32> to vector<16xf32>
      %swap3A_194 = vector.shape_cast %broadcast_in_dim3A_9 : vector<16xf32> to vector<1x16xf32>
      tpu.vector_store %arg6[%swap3A_190, %swap3A_191], %swap3A_194 {strides = array<i32>} : memref<128x128xf32, #tpu.memory_space<vmem>>, vector<1x16xf32>,
      %swap3A_195 = arith.index_cast %scan3A_164 : i32 to index
      %swap3A_196 = arith.constant 96 : index
      %swap3A_197 = tpu.vector_load %arg6[%swap3A_195, %swap3A_196] {strides = array<i32>} : memref<128x128xf32, #tpu.memory_space<vmem>>, vector<1x16xf32>,
      %swap3A_198 = vector.shape_cast %swap3A_197 : vector<1x16xf32> to vector<16xf32>
      %swap3A_199 = vector.shape_cast %broadcast_in_dim3A_9 : vector<16xf32> to vector<1x16xf32>
      tpu.vector_store %arg6[%swap3A_195, %swap3A_196], %swap3A_199 {strides = array<i32>} : memref<128x128xf32, #tpu.memory_space<vmem>>, vector<1x16xf32>,
      %swap3A_200 = arith.index_cast %scan3A_164 : i32 to index
      %swap3A_201 = arith.constant 112 : index
      %swap3A_202 = tpu.vector_load %arg6[%swap3A_200, %swap3A_201] {strides = array<i32>} : memref<128x128xf32, #tpu.memory_space<vmem>>, vector<1x16xf32>,
      %swap3A_203 = vector.shape_cast %swap3A_202 : vector<1x16xf32> to vector<16xf32>
      %swap3A_204 = vector.shape_cast %broadcast_in_dim3A_9 : vector<16xf32> to vector<1x16xf32>
      tpu.vector_store %arg6[%swap3A_200, %swap3A_201], %swap3A_204 {strides = array<i32>} : memref<128x128xf32, #tpu.memory_space<vmem>>, vector<1x16xf32>,
      %scan3A_205 = arith.constant 0 : i32
      scf.yield %scan3A_205 : i32
    }
    %scan3A_28 = arith.constant 128 : i32
    %mul3A_29 = arith.constant 640 : i32
    %mul3A_30 = arith.muli %arg1, %mul3A_29 : i32
    %add3A_31 = arith.constant 0 : i32
    %add3A_32 = arith.addi %mul3A_30, %add3A_31 : i32
    "tpu.region"() ({
      %run_scoped3A = tpu.sem_alloc : memref<!tpu.dma_semaphore, #tpu.memory_space<semaphore_mem>>
      %dma_start3A_164 = arith.constant 0 : i32
      %dma_start3A_165 = tpu.memref_slice %arg8[%add3A_32, %dma_start3A_164] : memref<10240x128xf32, #tpu.memory_space<vmem_shared>> -> memref<128x128xf32, #tpu.memory_space<vmem_shared>>
      %dma_start3A_166 = arith.constant 0 : i32
      %dma_start3A_167 = tpu.memref_slice %arg8[%add3A_32, %dma_start3A_166] : memref<10240x128xf32, #tpu.memory_space<vmem_shared>> -> memref<128x128xf32, #tpu.memory_space<vmem_shared>>
      tpu.enqueue_dma source(%arg6 : memref<128x128xf32, #tpu.memory_space<vmem>>) target(%dma_start3A_167 : memref<128x128xf32, #tpu.memory_space<vmem_shared>>) target_semaphore(%run_scoped3A : memref<!tpu.dma_semaphore, #tpu.memory_space<semaphore_mem>>)
      %dma_wait3A_168 = arith.constant 0 : i32
      %dma_wait3A_169 = tpu.memref_slice %arg8[%add3A_32, %dma_wait3A_168] : memref<10240x128xf32, #tpu.memory_space<vmem_shared>> -> memref<128x128xf32, #tpu.memory_space<vmem_shared>>
      %dma_wait3A_170 = arith.constant 0 : i32
      %dma_wait3A_171 = tpu.memref_slice %arg8[%add3A_32, %dma_wait3A_170] : memref<10240x128xf32, #tpu.memory_space<vmem_shared>> -> memref<128x128xf32, #tpu.memory_space<vmem_shared>>
      tpu.wait_dma2 semaphore(%run_scoped3A : memref<!tpu.dma_semaphore, #tpu.memory_space<semaphore_mem>>) src(%arg6 : memref<128x128xf32, #tpu.memory_space<vmem>>) dst(%dma_wait3A_171 : memref<128x128xf32, #tpu.memory_space<vmem_shared>>)
      tpu.yield
    }) : () -> ()
    %mul3A_33 = arith.constant 640 : i32
    %mul3A_34 = arith.muli %arg1, %mul3A_33 : i32
    %add3A_35 = arith.constant 128 : i32
    %add3A_36 = arith.addi %mul3A_34, %add3A_35 : i32
    "tpu.region"() ({
      %run_scoped3A = tpu.sem_alloc : memref<!tpu.dma_semaphore, #tpu.memory_space<semaphore_mem>>
      %dma_start3A_164 = arith.constant 0 : i32
      %dma_start3A_165 = tpu.memref_slice %arg8[%add3A_36, %dma_start3A_164] : memref<10240x128xf32, #tpu.memory_space<vmem_shared>> -> memref<128x128xf32, #tpu.memory_space<vmem_shared>>
      %dma_start3A_166 = arith.constant 0 : i32
      %dma_start3A_167 = tpu.memref_slice %arg8[%add3A_36, %dma_start3A_166] : memref<10240x128xf32, #tpu.memory_space<vmem_shared>> -> memref<128x128xf32, #tpu.memory_space<vmem_shared>>
      tpu.enqueue_dma source(%arg6 : memref<128x128xf32, #tpu.memory_space<vmem>>) target(%dma_start3A_167 : memref<128x128xf32, #tpu.memory_space<vmem_shared>>) target_semaphore(%run_scoped3A : memref<!tpu.dma_semaphore, #tpu.memory_space<semaphore_mem>>)
      %dma_wait3A_168 = arith.constant 0 : i32
      %dma_wait3A_169 = tpu.memref_slice %arg8[%add3A_36, %dma_wait3A_168] : memref<10240x128xf32, #tpu.memory_space<vmem_shared>> -> memref<128x128xf32, #tpu.memory_space<vmem_shared>>
      %dma_wait3A_170 = arith.constant 0 : i32
      %dma_wait3A_171 = tpu.memref_slice %arg8[%add3A_36, %dma_wait3A_170] : memref<10240x128xf32, #tpu.memory_space<vmem_shared>> -> memref<128x128xf32, #tpu.memory_space<vmem_shared>>
      tpu.wait_dma2 semaphore(%run_scoped3A : memref<!tpu.dma_semaphore, #tpu.memory_space<semaphore_mem>>) src(%arg6 : memref<128x128xf32, #tpu.memory_space<vmem>>) dst(%dma_wait3A_171 : memref<128x128xf32, #tpu.memory_space<vmem_shared>>)
      tpu.yield
    }) : () -> ()
    %mul3A_37 = arith.constant 640 : i32
    %mul3A_38 = arith.muli %arg1, %mul3A_37 : i32
    %add3A_39 = arith.constant 256 : i32
    %add3A_40 = arith.addi %mul3A_38, %add3A_39 : i32
    "tpu.region"() ({
      %run_scoped3A = tpu.sem_alloc : memref<!tpu.dma_semaphore, #tpu.memory_space<semaphore_mem>>
      %dma_start3A_164 = arith.constant 0 : i32
      %dma_start3A_165 = tpu.memref_slice %arg8[%add3A_40, %dma_start3A_164] : memref<10240x128xf32, #tpu.memory_space<vmem_shared>> -> memref<128x128xf32, #tpu.memory_space<vmem_shared>>
      %dma_start3A_166 = arith.constant 0 : i32
      %dma_start3A_167 = tpu.memref_slice %arg8[%add3A_40, %dma_start3A_166] : memref<10240x128xf32, #tpu.memory_space<vmem_shared>> -> memref<128x128xf32, #tpu.memory_space<vmem_shared>>
      tpu.enqueue_dma source(%arg6 : memref<128x128xf32, #tpu.memory_space<vmem>>) target(%dma_start3A_167 : memref<128x128xf32, #tpu.memory_space<vmem_shared>>) target_semaphore(%run_scoped3A : memref<!tpu.dma_semaphore, #tpu.memory_space<semaphore_mem>>)
      %dma_wait3A_168 = arith.constant 0 : i32
      %dma_wait3A_169 = tpu.memref_slice %arg8[%add3A_40, %dma_wait3A_168] : memref<10240x128xf32, #tpu.memory_space<vmem_shared>> -> memref<128x128xf32, #tpu.memory_space<vmem_shared>>
      %dma_wait3A_170 = arith.constant 0 : i32
      %dma_wait3A_171 = tpu.memref_slice %arg8[%add3A_40, %dma_wait3A_170] : memref<10240x128xf32, #tpu.memory_space<vmem_shared>> -> memref<128x128xf32, #tpu.memory_space<vmem_shared>>
      tpu.wait_dma2 semaphore(%run_scoped3A : memref<!tpu.dma_semaphore, #tpu.memory_space<semaphore_mem>>) src(%arg6 : memref<128x128xf32, #tpu.memory_space<vmem>>) dst(%dma_wait3A_171 : memref<128x128xf32, #tpu.memory_space<vmem_shared>>)
      tpu.yield
    }) : () -> ()
    %mul3A_41 = arith.constant 640 : i32
    %mul3A_42 = arith.muli %arg1, %mul3A_41 : i32
    %add3A_43 = arith.constant 384 : i32
    %add3A_44 = arith.addi %mul3A_42, %add3A_43 : i32
    "tpu.region"() ({
      %run_scoped3A = tpu.sem_alloc : memref<!tpu.dma_semaphore, #tpu.memory_space<semaphore_mem>>
      %dma_start3A_164 = arith.constant 0 : i32
      %dma_start3A_165 = tpu.memref_slice %arg8[%add3A_44, %dma_start3A_164] : memref<10240x128xf32, #tpu.memory_space<vmem_shared>> -> memref<128x128xf32, #tpu.memory_space<vmem_shared>>
      %dma_start3A_166 = arith.constant 0 : i32
      %dma_start3A_167 = tpu.memref_slice %arg8[%add3A_44, %dma_start3A_166] : memref<10240x128xf32, #tpu.memory_space<vmem_shared>> -> memref<128x128xf32, #tpu.memory_space<vmem_shared>>
      tpu.enqueue_dma source(%arg6 : memref<128x128xf32, #tpu.memory_space<vmem>>) target(%dma_start3A_167 : memref<128x128xf32, #tpu.memory_space<vmem_shared>>) target_semaphore(%run_scoped3A : memref<!tpu.dma_semaphore, #tpu.memory_space<semaphore_mem>>)
      %dma_wait3A_168 = arith.constant 0 : i32
      %dma_wait3A_169 = tpu.memref_slice %arg8[%add3A_44, %dma_wait3A_168] : memref<10240x128xf32, #tpu.memory_space<vmem_shared>> -> memref<128x128xf32, #tpu.memory_space<vmem_shared>>
      %dma_wait3A_170 = arith.constant 0 : i32
      %dma_wait3A_171 = tpu.memref_slice %arg8[%add3A_44, %dma_wait3A_170] : memref<10240x128xf32, #tpu.memory_space<vmem_shared>> -> memref<128x128xf32, #tpu.memory_space<vmem_shared>>
      tpu.wait_dma2 semaphore(%run_scoped3A : memref<!tpu.dma_semaphore, #tpu.memory_space<semaphore_mem>>) src(%arg6 : memref<128x128xf32, #tpu.memory_space<vmem>>) dst(%dma_wait3A_171 : memref<128x128xf32, #tpu.memory_space<vmem_shared>>)
      tpu.yield
    }) : () -> ()
    %mul3A_45 = arith.constant 640 : i32
    %mul3A_46 = arith.muli %arg1, %mul3A_45 : i32
    %add3A_47 = arith.constant 512 : i32
    %add3A_48 = arith.addi %mul3A_46, %add3A_47 : i32
    "tpu.region"() ({
      %run_scoped3A = tpu.sem_alloc : memref<!tpu.dma_semaphore, #tpu.memory_space<semaphore_mem>>
      %dma_start3A_164 = arith.constant 0 : i32
      %dma_start3A_165 = tpu.memref_slice %arg8[%add3A_48, %dma_start3A_164] : memref<10240x128xf32, #tpu.memory_space<vmem_shared>> -> memref<128x128xf32, #tpu.memory_space<vmem_shared>>
      %dma_start3A_166 = arith.constant 0 : i32
      %dma_start3A_167 = tpu.memref_slice %arg8[%add3A_48, %dma_start3A_166] : memref<10240x128xf32, #tpu.memory_space<vmem_shared>> -> memref<128x128xf32, #tpu.memory_space<vmem_shared>>
      tpu.enqueue_dma source(%arg6 : memref<128x128xf32, #tpu.memory_space<vmem>>) target(%dma_start3A_167 : memref<128x128xf32, #tpu.memory_space<vmem_shared>>) target_semaphore(%run_scoped3A : memref<!tpu.dma_semaphore, #tpu.memory_space<semaphore_mem>>)
      %dma_wait3A_168 = arith.constant 0 : i32
      %dma_wait3A_169 = tpu.memref_slice %arg8[%add3A_48, %dma_wait3A_168] : memref<10240x128xf32, #tpu.memory_space<vmem_shared>> -> memref<128x128xf32, #tpu.memory_space<vmem_shared>>
      %dma_wait3A_170 = arith.constant 0 : i32
      %dma_wait3A_171 = tpu.memref_slice %arg8[%add3A_48, %dma_wait3A_170] : memref<10240x128xf32, #tpu.memory_space<vmem_shared>> -> memref<128x128xf32, #tpu.memory_space<vmem_shared>>
      tpu.wait_dma2 semaphore(%run_scoped3A : memref<!tpu.dma_semaphore, #tpu.memory_space<semaphore_mem>>) src(%arg6 : memref<128x128xf32, #tpu.memory_space<vmem>>) dst(%dma_wait3A_171 : memref<128x128xf32, #tpu.memory_space<vmem_shared>>)
      tpu.yield
    }) : () -> ()
    %dma_wait3A = arith.constant 0 : i32
    %dma_wait3A_49 = arith.constant 0 : i32
    %dma_wait3A_50 = arith.constant 0 : i32
    %dma_wait3A_51 = tpu.memref_slice %arg5[%dma_wait3A, %dma_wait3A_49, %dma_wait3A_50] : memref<4x3x128xi32, #tpu.memory_space<vmem>> -> memref<3x3x128xi32, #tpu.memory_space<vmem>>
    %dma_wait3A_52 = arith.constant 0 : i32
    %dma_wait3A_53 = arith.constant 0 : i32
    %dma_wait3A_54 = tpu.memref_slice %arg3[%select_n3A, %dma_wait3A_52, %dma_wait3A_53] : memref<2560x3x128xi32, #tpu.memory_space<hbm>> -> memref<3x3x128xi32, #tpu.memory_space<hbm>>
    %dma_wait3A_55 = arith.constant 0 : i32
    %dma_wait3A_56 = arith.constant 0 : i32
    %dma_wait3A_57 = arith.constant 0 : i32
    %dma_wait3A_58 = tpu.memref_slice %arg5[%dma_wait3A_55, %dma_wait3A_56, %dma_wait3A_57] : memref<4x3x128xi32, #tpu.memory_space<vmem>> -> memref<3x3x128xi32, #tpu.memory_space<vmem>>
    %dma_wait3A_59 = arith.constant 0 : i32
    %dma_wait3A_60 = arith.constant 0 : i32
    %dma_wait3A_61 = tpu.memref_slice %arg3[%select_n3A, %dma_wait3A_59, %dma_wait3A_60] : memref<2560x3x128xi32, #tpu.memory_space<hbm>> -> memref<3x3x128xi32, #tpu.memory_space<hbm>>
    tpu.wait_dma2 semaphore(%arg17 : memref<!tpu.dma_semaphore, #tpu.memory_space<semaphore_mem>>) src(%dma_wait3A_61 : memref<3x3x128xi32, #tpu.memory_space<hbm>>) dst(%dma_wait3A_58 : memref<3x3x128xi32, #tpu.memory_space<vmem>>)
    %barrier3A = arith.constant 0 : index
    tpu.barrier barrier_id(%barrier3A)
    %while3A = arith.constant 0 : i32
    %while3A_62 = arith.constant 0 : i32
    %while3A_63 = arith.subi %select_n3A_8, %while3A : i32
    %while3A_64 = arith.addi %while3A, %while3A_63 : i32
    %while3A_65 = arith.constant 1 : i32
    %while3A_66 = arith.divsi %while3A_63, %while3A_65 : i32
    %while3A_67 = arith.muli %while3A_66, %while3A_65 : i32
    %while3A_68 = arith.addi %while3A, %while3A_67 : i32
    %while3A_69 = arith.constant 1 : i32
    %while3A_70 = scf.for %while3A_164 = %while3A to %while3A_68 step %while3A_69 iter_args(%while3A_165 = %while3A_62) -> (i32)  : i32 {
      %mul3A_166 = arith.constant 4 : i32
      %mul3A_167 = arith.muli %while3A_164, %mul3A_166 : i32
      %add3A_168 = arith.constant 0 : i32
      %add3A_169 = arith.addi %mul3A_167, %add3A_168 : i32
      %gt3A = arith.constant 0 : i32
      %gt3A_170 = arith.cmpi sgt, %while3A_164, %gt3A : i32
      %convert_element_type3A = arith.extui %gt3A_170 : i1 to i32
      %cond3A = arith.constant 0 : i32
      %cond3A_171 = arith.cmpi ne, %convert_element_type3A, %cond3A : i32
      scf.if %cond3A_171 {
      } else {
      }
      %add3A_172 = arith.addi %select_n3A, %add3A_169 : i32
      %add3A_173 = arith.constant 3 : i32
      %add3A_174 = arith.addi %add3A_172, %add3A_173 : i32
      %dma_start3A_175 = arith.constant 3 : i32
      %dma_start3A_176 = arith.constant 0 : i32
      %dma_start3A_177 = arith.constant 0 : i32
      %dma_start3A_178 = tpu.memref_slice %arg5[%dma_start3A_175, %dma_start3A_176, %dma_start3A_177] : memref<4x3x128xi32, #tpu.memory_space<vmem>> -> memref<1x3x128xi32, #tpu.memory_space<vmem>>
      %dma_start3A_179 = tpu.memref_squeeze %dma_start3A_178 : memref<1x3x128xi32, #tpu.memory_space<vmem>> -> memref<3x128xi32, #tpu.memory_space<vmem>>
      %dma_start3A_180 = arith.constant 0 : i32
      %dma_start3A_181 = arith.constant 0 : i32
      %dma_start3A_182 = tpu.memref_slice %arg3[%add3A_174, %dma_start3A_180, %dma_start3A_181] : memref<2560x3x128xi32, #tpu.memory_space<hbm>> -> memref<1x3x128xi32, #tpu.memory_space<hbm>>
      %dma_start3A_183 = tpu.memref_squeeze %dma_start3A_182 : memref<1x3x128xi32, #tpu.memory_space<hbm>> -> memref<3x128xi32, #tpu.memory_space<hbm>>
      %dma_start3A_184 = arith.constant 0 : i32
      %dma_start3A_185 = arith.constant 0 : i32
      %dma_start3A_186 = tpu.memref_slice %arg5[%dma_start3A_175, %dma_start3A_184, %dma_start3A_185] : memref<4x3x128xi32, #tpu.memory_space<vmem>> -> memref<1x3x128xi32, #tpu.memory_space<vmem>>
      %dma_start3A_187 = tpu.memref_squeeze %dma_start3A_186 : memref<1x3x128xi32, #tpu.memory_space<vmem>> -> memref<3x128xi32, #tpu.memory_space<vmem>>
      %dma_start3A_188 = arith.constant 0 : i32
      %dma_start3A_189 = arith.constant 0 : i32
      %dma_start3A_190 = tpu.memref_slice %arg3[%add3A_174, %dma_start3A_188, %dma_start3A_189] : memref<2560x3x128xi32, #tpu.memory_space<hbm>> -> memref<1x3x128xi32, #tpu.memory_space<hbm>>
      %dma_start3A_191 = tpu.memref_squeeze %dma_start3A_190 : memref<1x3x128xi32, #tpu.memory_space<hbm>> -> memref<3x128xi32, #tpu.memory_space<hbm>>
      tpu.enqueue_dma source(%dma_start3A_191 : memref<3x128xi32, #tpu.memory_space<hbm>>) target(%dma_start3A_187 : memref<3x128xi32, #tpu.memory_space<vmem>>) target_semaphore(%arg16 : memref<!tpu.dma_semaphore, #tpu.memory_space<semaphore_mem>>)
      %gt3A_192 = arith.constant 0 : i32
      %gt3A_193 = arith.cmpi sgt, %while3A_164, %gt3A_192 : i32
      %convert_element_type3A_194 = arith.extui %gt3A_193 : i1 to i32
      %cond3A_195 = arith.constant 0 : i32
      %cond3A_196 = arith.cmpi ne, %convert_element_type3A_194, %cond3A_195 : i32
      scf.if %cond3A_196 {
        %add3A_257 = arith.addi %select_n3A, %add3A_169 : i32
        %add3A_258 = arith.constant 1 : i32
        %add3A_259 = arith.addi %add3A_257, %add3A_258 : i32
        %dma_wait3A_260 = arith.constant 1 : i32
        %dma_wait3A_261 = arith.constant 0 : i32
        %dma_wait3A_262 = arith.constant 0 : i32
        %dma_wait3A_263 = tpu.memref_slice %arg5[%dma_wait3A_260, %dma_wait3A_261, %dma_wait3A_262] : memref<4x3x128xi32, #tpu.memory_space<vmem>> -> memref<1x3x128xi32, #tpu.memory_space<vmem>>
        %dma_wait3A_264 = tpu.memref_squeeze %dma_wait3A_263 : memref<1x3x128xi32, #tpu.memory_space<vmem>> -> memref<3x128xi32, #tpu.memory_space<vmem>>
        %dma_wait3A_265 = arith.constant 0 : i32
        %dma_wait3A_266 = arith.constant 0 : i32
        %dma_wait3A_267 = tpu.memref_slice %arg3[%add3A_259, %dma_wait3A_265, %dma_wait3A_266] : memref<2560x3x128xi32, #tpu.memory_space<hbm>> -> memref<1x3x128xi32, #tpu.memory_space<hbm>>
        %dma_wait3A_268 = tpu.memref_squeeze %dma_wait3A_267 : memref<1x3x128xi32, #tpu.memory_space<hbm>> -> memref<3x128xi32, #tpu.memory_space<hbm>>
        %dma_wait3A_269 = arith.constant 0 : i32
        %dma_wait3A_270 = arith.constant 0 : i32
        %dma_wait3A_271 = tpu.memref_slice %arg5[%dma_wait3A_260, %dma_wait3A_269, %dma_wait3A_270] : memref<4x3x128xi32, #tpu.memory_space<vmem>> -> memref<1x3x128xi32, #tpu.memory_space<vmem>>
        %dma_wait3A_272 = tpu.memref_squeeze %dma_wait3A_271 : memref<1x3x128xi32, #tpu.memory_space<vmem>> -> memref<3x128xi32, #tpu.memory_space<vmem>>
        %dma_wait3A_273 = arith.constant 0 : i32
        %dma_wait3A_274 = arith.constant 0 : i32
        %dma_wait3A_275 = tpu.memref_slice %arg3[%add3A_259, %dma_wait3A_273, %dma_wait3A_274] : memref<2560x3x128xi32, #tpu.memory_space<hbm>> -> memref<1x3x128xi32, #tpu.memory_space<hbm>>
        %dma_wait3A_276 = tpu.memref_squeeze %dma_wait3A_275 : memref<1x3x128xi32, #tpu.memory_space<hbm>> -> memref<3x128xi32, #tpu.memory_space<hbm>>
        tpu.wait_dma2 semaphore(%arg14 : memref<!tpu.dma_semaphore, #tpu.memory_space<semaphore_mem>>) src(%dma_wait3A_276 : memref<3x128xi32, #tpu.memory_space<hbm>>) dst(%dma_wait3A_272 : memref<3x128xi32, #tpu.memory_space<vmem>>)
      } else {
      }
      %mul3A_197 = arith.constant 4 : i32
      %mul3A_198 = arith.muli %while3A_164, %mul3A_197 : i32
      %add3A_199 = arith.constant 1 : i32
      %add3A_200 = arith.addi %mul3A_198, %add3A_199 : i32
      %sub3A = arith.constant 1 : i32
      %sub3A_201 = arith.subi %select_n3A_8, %sub3A : i32
      %lt3A = arith.cmpi slt, %while3A_164, %sub3A_201 : i32
      %convert_element_type3A_202 = arith.extui %lt3A : i1 to i32
      %cond3A_203 = arith.constant 0 : i32
      %cond3A_204 = arith.cmpi ne, %convert_element_type3A_202, %cond3A_203 : i32
      scf.if %cond3A_204 {
        %add3A_257 = arith.addi %select_n3A, %add3A_200 : i32
        %add3A_258 = arith.constant 3 : i32
        %add3A_259 = arith.addi %add3A_257, %add3A_258 : i32
        %dma_start3A_260 = arith.constant 0 : i32
        %dma_start3A_261 = arith.constant 0 : i32
        %dma_start3A_262 = arith.constant 0 : i32
        %dma_start3A_263 = tpu.memref_slice %arg5[%dma_start3A_260, %dma_start3A_261, %dma_start3A_262] : memref<4x3x128xi32, #tpu.memory_space<vmem>> -> memref<1x3x128xi32, #tpu.memory_space<vmem>>
        %dma_start3A_264 = tpu.memref_squeeze %dma_start3A_263 : memref<1x3x128xi32, #tpu.memory_space<vmem>> -> memref<3x128xi32, #tpu.memory_space<vmem>>
        %dma_start3A_265 = arith.constant 0 : i32
        %dma_start3A_266 = arith.constant 0 : i32
        %dma_start3A_267 = tpu.memref_slice %arg3[%add3A_259, %dma_start3A_265, %dma_start3A_266] : memref<2560x3x128xi32, #tpu.memory_space<hbm>> -> memref<1x3x128xi32, #tpu.memory_space<hbm>>
        %dma_start3A_268 = tpu.memref_squeeze %dma_start3A_267 : memref<1x3x128xi32, #tpu.memory_space<hbm>> -> memref<3x128xi32, #tpu.memory_space<hbm>>
        %dma_start3A_269 = arith.constant 0 : i32
        %dma_start3A_270 = arith.constant 0 : i32
        %dma_start3A_271 = tpu.memref_slice %arg5[%dma_start3A_260, %dma_start3A_269, %dma_start3A_270] : memref<4x3x128xi32, #tpu.memory_space<vmem>> -> memref<1x3x128xi32, #tpu.memory_space<vmem>>
        %dma_start3A_272 = tpu.memref_squeeze %dma_start3A_271 : memref<1x3x128xi32, #tpu.memory_space<vmem>> -> memref<3x128xi32, #tpu.memory_space<vmem>>
        %dma_start3A_273 = arith.constant 0 : i32
        %dma_start3A_274 = arith.constant 0 : i32
        %dma_start3A_275 = tpu.memref_slice %arg3[%add3A_259, %dma_start3A_273, %dma_start3A_274] : memref<2560x3x128xi32, #tpu.memory_space<hbm>> -> memref<1x3x128xi32, #tpu.memory_space<hbm>>
        %dma_start3A_276 = tpu.memref_squeeze %dma_start3A_275 : memref<1x3x128xi32, #tpu.memory_space<hbm>> -> memref<3x128xi32, #tpu.memory_space<hbm>>
        tpu.enqueue_dma source(%dma_start3A_276 : memref<3x128xi32, #tpu.memory_space<hbm>>) target(%dma_start3A_272 : memref<3x128xi32, #tpu.memory_space<vmem>>) target_semaphore(%arg13 : memref<!tpu.dma_semaphore, #tpu.memory_space<semaphore_mem>>)
      } else {
      }
      %gt3A_205 = arith.constant 0 : i32
      %gt3A_206 = arith.cmpi sgt, %while3A_164, %gt3A_205 : i32
      %convert_element_type3A_207 = arith.extui %gt3A_206 : i1 to i32
      %cond3A_208 = arith.constant 0 : i32
      %cond3A_209 = arith.cmpi ne, %convert_element_type3A_207, %cond3A_208 : i32
      scf.if %cond3A_209 {
        %add3A_257 = arith.addi %select_n3A, %add3A_200 : i32
        %add3A_258 = arith.constant 1 : i32
        %add3A_259 = arith.addi %add3A_257, %add3A_258 : i32
        %dma_wait3A_260 = arith.constant 2 : i32
        %dma_wait3A_261 = arith.constant 0 : i32
        %dma_wait3A_262 = arith.constant 0 : i32
        %dma_wait3A_263 = tpu.memref_slice %arg5[%dma_wait3A_260, %dma_wait3A_261, %dma_wait3A_262] : memref<4x3x128xi32, #tpu.memory_space<vmem>> -> memref<1x3x128xi32, #tpu.memory_space<vmem>>
        %dma_wait3A_264 = tpu.memref_squeeze %dma_wait3A_263 : memref<1x3x128xi32, #tpu.memory_space<vmem>> -> memref<3x128xi32, #tpu.memory_space<vmem>>
        %dma_wait3A_265 = arith.constant 0 : i32
        %dma_wait3A_266 = arith.constant 0 : i32
        %dma_wait3A_267 = tpu.memref_slice %arg3[%add3A_259, %dma_wait3A_265, %dma_wait3A_266] : memref<2560x3x128xi32, #tpu.memory_space<hbm>> -> memref<1x3x128xi32, #tpu.memory_space<hbm>>
        %dma_wait3A_268 = tpu.memref_squeeze %dma_wait3A_267 : memref<1x3x128xi32, #tpu.memory_space<hbm>> -> memref<3x128xi32, #tpu.memory_space<hbm>>
        %dma_wait3A_269 = arith.constant 0 : i32
        %dma_wait3A_270 = arith.constant 0 : i32
        %dma_wait3A_271 = tpu.memref_slice %arg5[%dma_wait3A_260, %dma_wait3A_269, %dma_wait3A_270] : memref<4x3x128xi32, #tpu.memory_space<vmem>> -> memref<1x3x128xi32, #tpu.memory_space<vmem>>
        %dma_wait3A_272 = tpu.memref_squeeze %dma_wait3A_271 : memref<1x3x128xi32, #tpu.memory_space<vmem>> -> memref<3x128xi32, #tpu.memory_space<vmem>>
        %dma_wait3A_273 = arith.constant 0 : i32
        %dma_wait3A_274 = arith.constant 0 : i32
        %dma_wait3A_275 = tpu.memref_slice %arg3[%add3A_259, %dma_wait3A_273, %dma_wait3A_274] : memref<2560x3x128xi32, #tpu.memory_space<hbm>> -> memref<1x3x128xi32, #tpu.memory_space<hbm>>
        %dma_wait3A_276 = tpu.memref_squeeze %dma_wait3A_275 : memref<1x3x128xi32, #tpu.memory_space<hbm>> -> memref<3x128xi32, #tpu.memory_space<hbm>>
        tpu.wait_dma2 semaphore(%arg15 : memref<!tpu.dma_semaphore, #tpu.memory_space<semaphore_mem>>) src(%dma_wait3A_276 : memref<3x128xi32, #tpu.memory_space<hbm>>) dst(%dma_wait3A_272 : memref<3x128xi32, #tpu.memory_space<vmem>>)
      } else {
      }
      %mul3A_210 = arith.constant 4 : i32
      %mul3A_211 = arith.muli %while3A_164, %mul3A_210 : i32
      %add3A_212 = arith.constant 2 : i32
      %add3A_213 = arith.addi %mul3A_211, %add3A_212 : i32
      %sub3A_214 = arith.constant 1 : i32
      %sub3A_215 = arith.subi %select_n3A_8, %sub3A_214 : i32
      %lt3A_216 = arith.cmpi slt, %while3A_164, %sub3A_215 : i32
      %convert_element_type3A_217 = arith.extui %lt3A_216 : i1 to i32
      %cond3A_218 = arith.constant 0 : i32
      %cond3A_219 = arith.cmpi ne, %convert_element_type3A_217, %cond3A_218 : i32
      scf.if %cond3A_219 {
        %add3A_257 = arith.addi %select_n3A, %add3A_213 : i32
        %add3A_258 = arith.constant 3 : i32
        %add3A_259 = arith.addi %add3A_257, %add3A_258 : i32
        %dma_start3A_260 = arith.constant 1 : i32
        %dma_start3A_261 = arith.constant 0 : i32
        %dma_start3A_262 = arith.constant 0 : i32
        %dma_start3A_263 = tpu.memref_slice %arg5[%dma_start3A_260, %dma_start3A_261, %dma_start3A_262] : memref<4x3x128xi32, #tpu.memory_space<vmem>> -> memref<1x3x128xi32, #tpu.memory_space<vmem>>
        %dma_start3A_264 = tpu.memref_squeeze %dma_start3A_263 : memref<1x3x128xi32, #tpu.memory_space<vmem>> -> memref<3x128xi32, #tpu.memory_space<vmem>>
        %dma_start3A_265 = arith.constant 0 : i32
        %dma_start3A_266 = arith.constant 0 : i32
        %dma_start3A_267 = tpu.memref_slice %arg3[%add3A_259, %dma_start3A_265, %dma_start3A_266] : memref<2560x3x128xi32, #tpu.memory_space<hbm>> -> memref<1x3x128xi32, #tpu.memory_space<hbm>>
        %dma_start3A_268 = tpu.memref_squeeze %dma_start3A_267 : memref<1x3x128xi32, #tpu.memory_space<hbm>> -> memref<3x128xi32, #tpu.memory_space<hbm>>
        %dma_start3A_269 = arith.constant 0 : i32
        %dma_start3A_270 = arith.constant 0 : i32
        %dma_start3A_271 = tpu.memref_slice %arg5[%dma_start3A_260, %dma_start3A_269, %dma_start3A_270] : memref<4x3x128xi32, #tpu.memory_space<vmem>> -> memref<1x3x128xi32, #tpu.memory_space<vmem>>
        %dma_start3A_272 = tpu.memref_squeeze %dma_start3A_271 : memref<1x3x128xi32, #tpu.memory_space<vmem>> -> memref<3x128xi32, #tpu.memory_space<vmem>>
        %dma_start3A_273 = arith.constant 0 : i32
        %dma_start3A_274 = arith.constant 0 : i32
        %dma_start3A_275 = tpu.memref_slice %arg3[%add3A_259, %dma_start3A_273, %dma_start3A_274] : memref<2560x3x128xi32, #tpu.memory_space<hbm>> -> memref<1x3x128xi32, #tpu.memory_space<hbm>>
        %dma_start3A_276 = tpu.memref_squeeze %dma_start3A_275 : memref<1x3x128xi32, #tpu.memory_space<hbm>> -> memref<3x128xi32, #tpu.memory_space<hbm>>
        tpu.enqueue_dma source(%dma_start3A_276 : memref<3x128xi32, #tpu.memory_space<hbm>>) target(%dma_start3A_272 : memref<3x128xi32, #tpu.memory_space<vmem>>) target_semaphore(%arg14 : memref<!tpu.dma_semaphore, #tpu.memory_space<semaphore_mem>>)
      } else {
      }
      %add3A_220 = arith.addi %select_n3A, %add3A_213 : i32
      %add3A_221 = arith.constant 1 : i32
      %add3A_222 = arith.addi %add3A_220, %add3A_221 : i32
      %dma_wait3A_223 = arith.constant 3 : i32
      %dma_wait3A_224 = arith.constant 0 : i32
      %dma_wait3A_225 = arith.constant 0 : i32
      %dma_wait3A_226 = tpu.memref_slice %arg5[%dma_wait3A_223, %dma_wait3A_224, %dma_wait3A_225] : memref<4x3x128xi32, #tpu.memory_space<vmem>> -> memref<1x3x128xi32, #tpu.memory_space<vmem>>
      %dma_wait3A_227 = tpu.memref_squeeze %dma_wait3A_226 : memref<1x3x128xi32, #tpu.memory_space<vmem>> -> memref<3x128xi32, #tpu.memory_space<vmem>>
      %dma_wait3A_228 = arith.constant 0 : i32
      %dma_wait3A_229 = arith.constant 0 : i32
      %dma_wait3A_230 = tpu.memref_slice %arg3[%add3A_222, %dma_wait3A_228, %dma_wait3A_229] : memref<2560x3x128xi32, #tpu.memory_space<hbm>> -> memref<1x3x128xi32, #tpu.memory_space<hbm>>
      %dma_wait3A_231 = tpu.memref_squeeze %dma_wait3A_230 : memref<1x3x128xi32, #tpu.memory_space<hbm>> -> memref<3x128xi32, #tpu.memory_space<hbm>>
      %dma_wait3A_232 = arith.constant 0 : i32
      %dma_wait3A_233 = arith.constant 0 : i32
      %dma_wait3A_234 = tpu.memref_slice %arg5[%dma_wait3A_223, %dma_wait3A_232, %dma_wait3A_233] : memref<4x3x128xi32, #tpu.memory_space<vmem>> -> memref<1x3x128xi32, #tpu.memory_space<vmem>>
      %dma_wait3A_235 = tpu.memref_squeeze %dma_wait3A_234 : memref<1x3x128xi32, #tpu.memory_space<vmem>> -> memref<3x128xi32, #tpu.memory_space<vmem>>
      %dma_wait3A_236 = arith.constant 0 : i32
      %dma_wait3A_237 = arith.constant 0 : i32
      %dma_wait3A_238 = tpu.memref_slice %arg3[%add3A_222, %dma_wait3A_236, %dma_wait3A_237] : memref<2560x3x128xi32, #tpu.memory_space<hbm>> -> memref<1x3x128xi32, #tpu.memory_space<hbm>>
      %dma_wait3A_239 = tpu.memref_squeeze %dma_wait3A_238 : memref<1x3x128xi32, #tpu.memory_space<hbm>> -> memref<3x128xi32, #tpu.memory_space<hbm>>
      tpu.wait_dma2 semaphore(%arg16 : memref<!tpu.dma_semaphore, #tpu.memory_space<semaphore_mem>>) src(%dma_wait3A_239 : memref<3x128xi32, #tpu.memory_space<hbm>>) dst(%dma_wait3A_235 : memref<3x128xi32, #tpu.memory_space<vmem>>)
      %mul3A_240 = arith.constant 4 : i32
      %mul3A_241 = arith.muli %while3A_164, %mul3A_240 : i32
      %add3A_242 = arith.constant 3 : i32
      %add3A_243 = arith.addi %mul3A_241, %add3A_242 : i32
      %sub3A_244 = arith.constant 1 : i32
      %sub3A_245 = arith.subi %select_n3A_8, %sub3A_244 : i32
      %lt3A_246 = arith.cmpi slt, %while3A_164, %sub3A_245 : i32
      %convert_element_type3A_247 = arith.extui %lt3A_246 : i1 to i32
      %cond3A_248 = arith.constant 0 : i32
      %cond3A_249 = arith.cmpi ne, %convert_element_type3A_247, %cond3A_248 : i32
      scf.if %cond3A_249 {
        %add3A_257 = arith.addi %select_n3A, %add3A_243 : i32
        %add3A_258 = arith.constant 3 : i32
        %add3A_259 = arith.addi %add3A_257, %add3A_258 : i32
        %dma_start3A_260 = arith.constant 2 : i32
        %dma_start3A_261 = arith.constant 0 : i32
        %dma_start3A_262 = arith.constant 0 : i32
        %dma_start3A_263 = tpu.memref_slice %arg5[%dma_start3A_260, %dma_start3A_261, %dma_start3A_262] : memref<4x3x128xi32, #tpu.memory_space<vmem>> -> memref<1x3x128xi32, #tpu.memory_space<vmem>>
        %dma_start3A_264 = tpu.memref_squeeze %dma_start3A_263 : memref<1x3x128xi32, #tpu.memory_space<vmem>> -> memref<3x128xi32, #tpu.memory_space<vmem>>
        %dma_start3A_265 = arith.constant 0 : i32
        %dma_start3A_266 = arith.constant 0 : i32
        %dma_start3A_267 = tpu.memref_slice %arg3[%add3A_259, %dma_start3A_265, %dma_start3A_266] : memref<2560x3x128xi32, #tpu.memory_space<hbm>> -> memref<1x3x128xi32, #tpu.memory_space<hbm>>
        %dma_start3A_268 = tpu.memref_squeeze %dma_start3A_267 : memref<1x3x128xi32, #tpu.memory_space<hbm>> -> memref<3x128xi32, #tpu.memory_space<hbm>>
        %dma_start3A_269 = arith.constant 0 : i32
        %dma_start3A_270 = arith.constant 0 : i32
        %dma_start3A_271 = tpu.memref_slice %arg5[%dma_start3A_260, %dma_start3A_269, %dma_start3A_270] : memref<4x3x128xi32, #tpu.memory_space<vmem>> -> memref<1x3x128xi32, #tpu.memory_space<vmem>>
        %dma_start3A_272 = tpu.memref_squeeze %dma_start3A_271 : memref<1x3x128xi32, #tpu.memory_space<vmem>> -> memref<3x128xi32, #tpu.memory_space<vmem>>
        %dma_start3A_273 = arith.constant 0 : i32
        %dma_start3A_274 = arith.constant 0 : i32
        %dma_start3A_275 = tpu.memref_slice %arg3[%add3A_259, %dma_start3A_273, %dma_start3A_274] : memref<2560x3x128xi32, #tpu.memory_space<hbm>> -> memref<1x3x128xi32, #tpu.memory_space<hbm>>
        %dma_start3A_276 = tpu.memref_squeeze %dma_start3A_275 : memref<1x3x128xi32, #tpu.memory_space<hbm>> -> memref<3x128xi32, #tpu.memory_space<hbm>>
        tpu.enqueue_dma source(%dma_start3A_276 : memref<3x128xi32, #tpu.memory_space<hbm>>) target(%dma_start3A_272 : memref<3x128xi32, #tpu.memory_space<vmem>>) target_semaphore(%arg15 : memref<!tpu.dma_semaphore, #tpu.memory_space<semaphore_mem>>)
      } else {
      }
      %sub3A_250 = arith.constant 1 : i32
      %sub3A_251 = arith.subi %select_n3A_8, %sub3A_250 : i32
      %lt3A_252 = arith.cmpi slt, %while3A_164, %sub3A_251 : i32
      %convert_element_type3A_253 = arith.extui %lt3A_252 : i1 to i32
      %cond3A_254 = arith.constant 0 : i32
      %cond3A_255 = arith.cmpi ne, %convert_element_type3A_253, %cond3A_254 : i32
      scf.if %cond3A_255 {
        %add3A_257 = arith.addi %select_n3A, %add3A_243 : i32
        %add3A_258 = arith.constant 1 : i32
        %add3A_259 = arith.addi %add3A_257, %add3A_258 : i32
        %dma_wait3A_260 = arith.constant 0 : i32
        %dma_wait3A_261 = arith.constant 0 : i32
        %dma_wait3A_262 = arith.constant 0 : i32
        %dma_wait3A_263 = tpu.memref_slice %arg5[%dma_wait3A_260, %dma_wait3A_261, %dma_wait3A_262] : memref<4x3x128xi32, #tpu.memory_space<vmem>> -> memref<1x3x128xi32, #tpu.memory_space<vmem>>
        %dma_wait3A_264 = tpu.memref_squeeze %dma_wait3A_263 : memref<1x3x128xi32, #tpu.memory_space<vmem>> -> memref<3x128xi32, #tpu.memory_space<vmem>>
        %dma_wait3A_265 = arith.constant 0 : i32
        %dma_wait3A_266 = arith.constant 0 : i32
        %dma_wait3A_267 = tpu.memref_slice %arg3[%add3A_259, %dma_wait3A_265, %dma_wait3A_266] : memref<2560x3x128xi32, #tpu.memory_space<hbm>> -> memref<1x3x128xi32, #tpu.memory_space<hbm>>
        %dma_wait3A_268 = tpu.memref_squeeze %dma_wait3A_267 : memref<1x3x128xi32, #tpu.memory_space<hbm>> -> memref<3x128xi32, #tpu.memory_space<hbm>>
        %dma_wait3A_269 = arith.constant 0 : i32
        %dma_wait3A_270 = arith.constant 0 : i32
        %dma_wait3A_271 = tpu.memref_slice %arg5[%dma_wait3A_260, %dma_wait3A_269, %dma_wait3A_270] : memref<4x3x128xi32, #tpu.memory_space<vmem>> -> memref<1x3x128xi32, #tpu.memory_space<vmem>>
        %dma_wait3A_272 = tpu.memref_squeeze %dma_wait3A_271 : memref<1x3x128xi32, #tpu.memory_space<vmem>> -> memref<3x128xi32, #tpu.memory_space<vmem>>
        %dma_wait3A_273 = arith.constant 0 : i32
        %dma_wait3A_274 = arith.constant 0 : i32
        %dma_wait3A_275 = tpu.memref_slice %arg3[%add3A_259, %dma_wait3A_273, %dma_wait3A_274] : memref<2560x3x128xi32, #tpu.memory_space<hbm>> -> memref<1x3x128xi32, #tpu.memory_space<hbm>>
        %dma_wait3A_276 = tpu.memref_squeeze %dma_wait3A_275 : memref<1x3x128xi32, #tpu.memory_space<hbm>> -> memref<3x128xi32, #tpu.memory_space<hbm>>
        tpu.wait_dma2 semaphore(%arg13 : memref<!tpu.dma_semaphore, #tpu.memory_space<semaphore_mem>>) src(%dma_wait3A_276 : memref<3x128xi32, #tpu.memory_space<hbm>>) dst(%dma_wait3A_272 : memref<3x128xi32, #tpu.memory_space<vmem>>)
      } else {
      }
      %while3A_256 = arith.constant 0 : i32
      scf.yield %while3A_256 : i32
    }
    %while3A_71 = arith.constant 1 : i32
    %while3A_72 = scf.for %while3A_164 = %while3A_68 to %while3A_64 step %while3A_71 iter_args(%while3A_165 = %while3A_70) -> (i32)  : i32 {
      %mul3A_166 = arith.constant 4 : i32
      %mul3A_167 = arith.muli %while3A_164, %mul3A_166 : i32
      %add3A_168 = arith.constant 0 : i32
      %add3A_169 = arith.addi %mul3A_167, %add3A_168 : i32
      %gt3A = arith.constant 0 : i32
      %gt3A_170 = arith.cmpi sgt, %while3A_164, %gt3A : i32
      %convert_element_type3A = arith.extui %gt3A_170 : i1 to i32
      %cond3A = arith.constant 0 : i32
      %cond3A_171 = arith.cmpi ne, %convert_element_type3A, %cond3A : i32
      scf.if %cond3A_171 {
      } else {
      }
      %add3A_172 = arith.addi %select_n3A, %add3A_169 : i32
      %add3A_173 = arith.constant 3 : i32
      %add3A_174 = arith.addi %add3A_172, %add3A_173 : i32
      %dma_start3A_175 = arith.constant 3 : i32
      %dma_start3A_176 = arith.constant 0 : i32
      %dma_start3A_177 = arith.constant 0 : i32
      %dma_start3A_178 = tpu.memref_slice %arg5[%dma_start3A_175, %dma_start3A_176, %dma_start3A_177] : memref<4x3x128xi32, #tpu.memory_space<vmem>> -> memref<1x3x128xi32, #tpu.memory_space<vmem>>
      %dma_start3A_179 = tpu.memref_squeeze %dma_start3A_178 : memref<1x3x128xi32, #tpu.memory_space<vmem>> -> memref<3x128xi32, #tpu.memory_space<vmem>>
      %dma_start3A_180 = arith.constant 0 : i32
      %dma_start3A_181 = arith.constant 0 : i32
      %dma_start3A_182 = tpu.memref_slice %arg3[%add3A_174, %dma_start3A_180, %dma_start3A_181] : memref<2560x3x128xi32, #tpu.memory_space<hbm>> -> memref<1x3x128xi32, #tpu.memory_space<hbm>>
      %dma_start3A_183 = tpu.memref_squeeze %dma_start3A_182 : memref<1x3x128xi32, #tpu.memory_space<hbm>> -> memref<3x128xi32, #tpu.memory_space<hbm>>
      %dma_start3A_184 = arith.constant 0 : i32
      %dma_start3A_185 = arith.constant 0 : i32
      %dma_start3A_186 = tpu.memref_slice %arg5[%dma_start3A_175, %dma_start3A_184, %dma_start3A_185] : memref<4x3x128xi32, #tpu.memory_space<vmem>> -> memref<1x3x128xi32, #tpu.memory_space<vmem>>
      %dma_start3A_187 = tpu.memref_squeeze %dma_start3A_186 : memref<1x3x128xi32, #tpu.memory_space<vmem>> -> memref<3x128xi32, #tpu.memory_space<vmem>>
      %dma_start3A_188 = arith.constant 0 : i32
      %dma_start3A_189 = arith.constant 0 : i32
      %dma_start3A_190 = tpu.memref_slice %arg3[%add3A_174, %dma_start3A_188, %dma_start3A_189] : memref<2560x3x128xi32, #tpu.memory_space<hbm>> -> memref<1x3x128xi32, #tpu.memory_space<hbm>>
      %dma_start3A_191 = tpu.memref_squeeze %dma_start3A_190 : memref<1x3x128xi32, #tpu.memory_space<hbm>> -> memref<3x128xi32, #tpu.memory_space<hbm>>
      tpu.enqueue_dma source(%dma_start3A_191 : memref<3x128xi32, #tpu.memory_space<hbm>>) target(%dma_start3A_187 : memref<3x128xi32, #tpu.memory_space<vmem>>) target_semaphore(%arg16 : memref<!tpu.dma_semaphore, #tpu.memory_space<semaphore_mem>>)
      %gt3A_192 = arith.constant 0 : i32
      %gt3A_193 = arith.cmpi sgt, %while3A_164, %gt3A_192 : i32
      %convert_element_type3A_194 = arith.extui %gt3A_193 : i1 to i32
      %cond3A_195 = arith.constant 0 : i32
      %cond3A_196 = arith.cmpi ne, %convert_element_type3A_194, %cond3A_195 : i32
      scf.if %cond3A_196 {
        %add3A_257 = arith.addi %select_n3A, %add3A_169 : i32
        %add3A_258 = arith.constant 1 : i32
        %add3A_259 = arith.addi %add3A_257, %add3A_258 : i32
        %dma_wait3A_260 = arith.constant 1 : i32
        %dma_wait3A_261 = arith.constant 0 : i32
        %dma_wait3A_262 = arith.constant 0 : i32
        %dma_wait3A_263 = tpu.memref_slice %arg5[%dma_wait3A_260, %dma_wait3A_261, %dma_wait3A_262] : memref<4x3x128xi32, #tpu.memory_space<vmem>> -> memref<1x3x128xi32, #tpu.memory_space<vmem>>
        %dma_wait3A_264 = tpu.memref_squeeze %dma_wait3A_263 : memref<1x3x128xi32, #tpu.memory_space<vmem>> -> memref<3x128xi32, #tpu.memory_space<vmem>>
        %dma_wait3A_265 = arith.constant 0 : i32
        %dma_wait3A_266 = arith.constant 0 : i32
        %dma_wait3A_267 = tpu.memref_slice %arg3[%add3A_259, %dma_wait3A_265, %dma_wait3A_266] : memref<2560x3x128xi32, #tpu.memory_space<hbm>> -> memref<1x3x128xi32, #tpu.memory_space<hbm>>
        %dma_wait3A_268 = tpu.memref_squeeze %dma_wait3A_267 : memref<1x3x128xi32, #tpu.memory_space<hbm>> -> memref<3x128xi32, #tpu.memory_space<hbm>>
        %dma_wait3A_269 = arith.constant 0 : i32
        %dma_wait3A_270 = arith.constant 0 : i32
        %dma_wait3A_271 = tpu.memref_slice %arg5[%dma_wait3A_260, %dma_wait3A_269, %dma_wait3A_270] : memref<4x3x128xi32, #tpu.memory_space<vmem>> -> memref<1x3x128xi32, #tpu.memory_space<vmem>>
        %dma_wait3A_272 = tpu.memref_squeeze %dma_wait3A_271 : memref<1x3x128xi32, #tpu.memory_space<vmem>> -> memref<3x128xi32, #tpu.memory_space<vmem>>
        %dma_wait3A_273 = arith.constant 0 : i32
        %dma_wait3A_274 = arith.constant 0 : i32
        %dma_wait3A_275 = tpu.memref_slice %arg3[%add3A_259, %dma_wait3A_273, %dma_wait3A_274] : memref<2560x3x128xi32, #tpu.memory_space<hbm>> -> memref<1x3x128xi32, #tpu.memory_space<hbm>>
        %dma_wait3A_276 = tpu.memref_squeeze %dma_wait3A_275 : memref<1x3x128xi32, #tpu.memory_space<hbm>> -> memref<3x128xi32, #tpu.memory_space<hbm>>
        tpu.wait_dma2 semaphore(%arg14 : memref<!tpu.dma_semaphore, #tpu.memory_space<semaphore_mem>>) src(%dma_wait3A_276 : memref<3x128xi32, #tpu.memory_space<hbm>>) dst(%dma_wait3A_272 : memref<3x128xi32, #tpu.memory_space<vmem>>)
      } else {
      }
      %mul3A_197 = arith.constant 4 : i32
      %mul3A_198 = arith.muli %while3A_164, %mul3A_197 : i32
      %add3A_199 = arith.constant 1 : i32
      %add3A_200 = arith.addi %mul3A_198, %add3A_199 : i32
      %sub3A = arith.constant 1 : i32
      %sub3A_201 = arith.subi %select_n3A_8, %sub3A : i32
      %lt3A = arith.cmpi slt, %while3A_164, %sub3A_201 : i32
      %convert_element_type3A_202 = arith.extui %lt3A : i1 to i32
      %cond3A_203 = arith.constant 0 : i32
      %cond3A_204 = arith.cmpi ne, %convert_element_type3A_202, %cond3A_203 : i32
      scf.if %cond3A_204 {
        %add3A_257 = arith.addi %select_n3A, %add3A_200 : i32
        %add3A_258 = arith.constant 3 : i32
        %add3A_259 = arith.addi %add3A_257, %add3A_258 : i32
        %dma_start3A_260 = arith.constant 0 : i32
        %dma_start3A_261 = arith.constant 0 : i32
        %dma_start3A_262 = arith.constant 0 : i32
        %dma_start3A_263 = tpu.memref_slice %arg5[%dma_start3A_260, %dma_start3A_261, %dma_start3A_262] : memref<4x3x128xi32, #tpu.memory_space<vmem>> -> memref<1x3x128xi32, #tpu.memory_space<vmem>>
        %dma_start3A_264 = tpu.memref_squeeze %dma_start3A_263 : memref<1x3x128xi32, #tpu.memory_space<vmem>> -> memref<3x128xi32, #tpu.memory_space<vmem>>
        %dma_start3A_265 = arith.constant 0 : i32
        %dma_start3A_266 = arith.constant 0 : i32
        %dma_start3A_267 = tpu.memref_slice %arg3[%add3A_259, %dma_start3A_265, %dma_start3A_266] : memref<2560x3x128xi32, #tpu.memory_space<hbm>> -> memref<1x3x128xi32, #tpu.memory_space<hbm>>
        %dma_start3A_268 = tpu.memref_squeeze %dma_start3A_267 : memref<1x3x128xi32, #tpu.memory_space<hbm>> -> memref<3x128xi32, #tpu.memory_space<hbm>>
        %dma_start3A_269 = arith.constant 0 : i32
        %dma_start3A_270 = arith.constant 0 : i32
        %dma_start3A_271 = tpu.memref_slice %arg5[%dma_start3A_260, %dma_start3A_269, %dma_start3A_270] : memref<4x3x128xi32, #tpu.memory_space<vmem>> -> memref<1x3x128xi32, #tpu.memory_space<vmem>>
        %dma_start3A_272 = tpu.memref_squeeze %dma_start3A_271 : memref<1x3x128xi32, #tpu.memory_space<vmem>> -> memref<3x128xi32, #tpu.memory_space<vmem>>
        %dma_start3A_273 = arith.constant 0 : i32
        %dma_start3A_274 = arith.constant 0 : i32
        %dma_start3A_275 = tpu.memref_slice %arg3[%add3A_259, %dma_start3A_273, %dma_start3A_274] : memref<2560x3x128xi32, #tpu.memory_space<hbm>> -> memref<1x3x128xi32, #tpu.memory_space<hbm>>
        %dma_start3A_276 = tpu.memref_squeeze %dma_start3A_275 : memref<1x3x128xi32, #tpu.memory_space<hbm>> -> memref<3x128xi32, #tpu.memory_space<hbm>>
        tpu.enqueue_dma source(%dma_start3A_276 : memref<3x128xi32, #tpu.memory_space<hbm>>) target(%dma_start3A_272 : memref<3x128xi32, #tpu.memory_space<vmem>>) target_semaphore(%arg13 : memref<!tpu.dma_semaphore, #tpu.memory_space<semaphore_mem>>)
      } else {
      }
      %gt3A_205 = arith.constant 0 : i32
      %gt3A_206 = arith.cmpi sgt, %while3A_164, %gt3A_205 : i32
      %convert_element_type3A_207 = arith.extui %gt3A_206 : i1 to i32
      %cond3A_208 = arith.constant 0 : i32
      %cond3A_209 = arith.cmpi ne, %convert_element_type3A_207, %cond3A_208 : i32
      scf.if %cond3A_209 {
        %add3A_257 = arith.addi %select_n3A, %add3A_200 : i32
        %add3A_258 = arith.constant 1 : i32
        %add3A_259 = arith.addi %add3A_257, %add3A_258 : i32
        %dma_wait3A_260 = arith.constant 2 : i32
        %dma_wait3A_261 = arith.constant 0 : i32
        %dma_wait3A_262 = arith.constant 0 : i32
        %dma_wait3A_263 = tpu.memref_slice %arg5[%dma_wait3A_260, %dma_wait3A_261, %dma_wait3A_262] : memref<4x3x128xi32, #tpu.memory_space<vmem>> -> memref<1x3x128xi32, #tpu.memory_space<vmem>>
        %dma_wait3A_264 = tpu.memref_squeeze %dma_wait3A_263 : memref<1x3x128xi32, #tpu.memory_space<vmem>> -> memref<3x128xi32, #tpu.memory_space<vmem>>
        %dma_wait3A_265 = arith.constant 0 : i32
        %dma_wait3A_266 = arith.constant 0 : i32
        %dma_wait3A_267 = tpu.memref_slice %arg3[%add3A_259, %dma_wait3A_265, %dma_wait3A_266] : memref<2560x3x128xi32, #tpu.memory_space<hbm>> -> memref<1x3x128xi32, #tpu.memory_space<hbm>>
        %dma_wait3A_268 = tpu.memref_squeeze %dma_wait3A_267 : memref<1x3x128xi32, #tpu.memory_space<hbm>> -> memref<3x128xi32, #tpu.memory_space<hbm>>
        %dma_wait3A_269 = arith.constant 0 : i32
        %dma_wait3A_270 = arith.constant 0 : i32
        %dma_wait3A_271 = tpu.memref_slice %arg5[%dma_wait3A_260, %dma_wait3A_269, %dma_wait3A_270] : memref<4x3x128xi32, #tpu.memory_space<vmem>> -> memref<1x3x128xi32, #tpu.memory_space<vmem>>
        %dma_wait3A_272 = tpu.memref_squeeze %dma_wait3A_271 : memref<1x3x128xi32, #tpu.memory_space<vmem>> -> memref<3x128xi32, #tpu.memory_space<vmem>>
        %dma_wait3A_273 = arith.constant 0 : i32
        %dma_wait3A_274 = arith.constant 0 : i32
        %dma_wait3A_275 = tpu.memref_slice %arg3[%add3A_259, %dma_wait3A_273, %dma_wait3A_274] : memref<2560x3x128xi32, #tpu.memory_space<hbm>> -> memref<1x3x128xi32, #tpu.memory_space<hbm>>
        %dma_wait3A_276 = tpu.memref_squeeze %dma_wait3A_275 : memref<1x3x128xi32, #tpu.memory_space<hbm>> -> memref<3x128xi32, #tpu.memory_space<hbm>>
        tpu.wait_dma2 semaphore(%arg15 : memref<!tpu.dma_semaphore, #tpu.memory_space<semaphore_mem>>) src(%dma_wait3A_276 : memref<3x128xi32, #tpu.memory_space<hbm>>) dst(%dma_wait3A_272 : memref<3x128xi32, #tpu.memory_space<vmem>>)
      } else {
      }
      %mul3A_210 = arith.constant 4 : i32
      %mul3A_211 = arith.muli %while3A_164, %mul3A_210 : i32
      %add3A_212 = arith.constant 2 : i32
      %add3A_213 = arith.addi %mul3A_211, %add3A_212 : i32
      %sub3A_214 = arith.constant 1 : i32
      %sub3A_215 = arith.subi %select_n3A_8, %sub3A_214 : i32
      %lt3A_216 = arith.cmpi slt, %while3A_164, %sub3A_215 : i32
      %convert_element_type3A_217 = arith.extui %lt3A_216 : i1 to i32
      %cond3A_218 = arith.constant 0 : i32
      %cond3A_219 = arith.cmpi ne, %convert_element_type3A_217, %cond3A_218 : i32
      scf.if %cond3A_219 {
        %add3A_257 = arith.addi %select_n3A, %add3A_213 : i32
        %add3A_258 = arith.constant 3 : i32
        %add3A_259 = arith.addi %add3A_257, %add3A_258 : i32
        %dma_start3A_260 = arith.constant 1 : i32
        %dma_start3A_261 = arith.constant 0 : i32
        %dma_start3A_262 = arith.constant 0 : i32
        %dma_start3A_263 = tpu.memref_slice %arg5[%dma_start3A_260, %dma_start3A_261, %dma_start3A_262] : memref<4x3x128xi32, #tpu.memory_space<vmem>> -> memref<1x3x128xi32, #tpu.memory_space<vmem>>
        %dma_start3A_264 = tpu.memref_squeeze %dma_start3A_263 : memref<1x3x128xi32, #tpu.memory_space<vmem>> -> memref<3x128xi32, #tpu.memory_space<vmem>>
        %dma_start3A_265 = arith.constant 0 : i32
        %dma_start3A_266 = arith.constant 0 : i32
        %dma_start3A_267 = tpu.memref_slice %arg3[%add3A_259, %dma_start3A_265, %dma_start3A_266] : memref<2560x3x128xi32, #tpu.memory_space<hbm>> -> memref<1x3x128xi32, #tpu.memory_space<hbm>>
        %dma_start3A_268 = tpu.memref_squeeze %dma_start3A_267 : memref<1x3x128xi32, #tpu.memory_space<hbm>> -> memref<3x128xi32, #tpu.memory_space<hbm>>
        %dma_start3A_269 = arith.constant 0 : i32
        %dma_start3A_270 = arith.constant 0 : i32
        %dma_start3A_271 = tpu.memref_slice %arg5[%dma_start3A_260, %dma_start3A_269, %dma_start3A_270] : memref<4x3x128xi32, #tpu.memory_space<vmem>> -> memref<1x3x128xi32, #tpu.memory_space<vmem>>
        %dma_start3A_272 = tpu.memref_squeeze %dma_start3A_271 : memref<1x3x128xi32, #tpu.memory_space<vmem>> -> memref<3x128xi32, #tpu.memory_space<vmem>>
        %dma_start3A_273 = arith.constant 0 : i32
        %dma_start3A_274 = arith.constant 0 : i32
        %dma_start3A_275 = tpu.memref_slice %arg3[%add3A_259, %dma_start3A_273, %dma_start3A_274] : memref<2560x3x128xi32, #tpu.memory_space<hbm>> -> memref<1x3x128xi32, #tpu.memory_space<hbm>>
        %dma_start3A_276 = tpu.memref_squeeze %dma_start3A_275 : memref<1x3x128xi32, #tpu.memory_space<hbm>> -> memref<3x128xi32, #tpu.memory_space<hbm>>
        tpu.enqueue_dma source(%dma_start3A_276 : memref<3x128xi32, #tpu.memory_space<hbm>>) target(%dma_start3A_272 : memref<3x128xi32, #tpu.memory_space<vmem>>) target_semaphore(%arg14 : memref<!tpu.dma_semaphore, #tpu.memory_space<semaphore_mem>>)
      } else {
      }
      %add3A_220 = arith.addi %select_n3A, %add3A_213 : i32
      %add3A_221 = arith.constant 1 : i32
      %add3A_222 = arith.addi %add3A_220, %add3A_221 : i32
      %dma_wait3A_223 = arith.constant 3 : i32
      %dma_wait3A_224 = arith.constant 0 : i32
      %dma_wait3A_225 = arith.constant 0 : i32
      %dma_wait3A_226 = tpu.memref_slice %arg5[%dma_wait3A_223, %dma_wait3A_224, %dma_wait3A_225] : memref<4x3x128xi32, #tpu.memory_space<vmem>> -> memref<1x3x128xi32, #tpu.memory_space<vmem>>
      %dma_wait3A_227 = tpu.memref_squeeze %dma_wait3A_226 : memref<1x3x128xi32, #tpu.memory_space<vmem>> -> memref<3x128xi32, #tpu.memory_space<vmem>>
      %dma_wait3A_228 = arith.constant 0 : i32
      %dma_wait3A_229 = arith.constant 0 : i32
      %dma_wait3A_230 = tpu.memref_slice %arg3[%add3A_222, %dma_wait3A_228, %dma_wait3A_229] : memref<2560x3x128xi32, #tpu.memory_space<hbm>> -> memref<1x3x128xi32, #tpu.memory_space<hbm>>
      %dma_wait3A_231 = tpu.memref_squeeze %dma_wait3A_230 : memref<1x3x128xi32, #tpu.memory_space<hbm>> -> memref<3x128xi32, #tpu.memory_space<hbm>>
      %dma_wait3A_232 = arith.constant 0 : i32
      %dma_wait3A_233 = arith.constant 0 : i32
      %dma_wait3A_234 = tpu.memref_slice %arg5[%dma_wait3A_223, %dma_wait3A_232, %dma_wait3A_233] : memref<4x3x128xi32, #tpu.memory_space<vmem>> -> memref<1x3x128xi32, #tpu.memory_space<vmem>>
      %dma_wait3A_235 = tpu.memref_squeeze %dma_wait3A_234 : memref<1x3x128xi32, #tpu.memory_space<vmem>> -> memref<3x128xi32, #tpu.memory_space<vmem>>
      %dma_wait3A_236 = arith.constant 0 : i32
      %dma_wait3A_237 = arith.constant 0 : i32
      %dma_wait3A_238 = tpu.memref_slice %arg3[%add3A_222, %dma_wait3A_236, %dma_wait3A_237] : memref<2560x3x128xi32, #tpu.memory_space<hbm>> -> memref<1x3x128xi32, #tpu.memory_space<hbm>>
      %dma_wait3A_239 = tpu.memref_squeeze %dma_wait3A_238 : memref<1x3x128xi32, #tpu.memory_space<hbm>> -> memref<3x128xi32, #tpu.memory_space<hbm>>
      tpu.wait_dma2 semaphore(%arg16 : memref<!tpu.dma_semaphore, #tpu.memory_space<semaphore_mem>>) src(%dma_wait3A_239 : memref<3x128xi32, #tpu.memory_space<hbm>>) dst(%dma_wait3A_235 : memref<3x128xi32, #tpu.memory_space<vmem>>)
      %mul3A_240 = arith.constant 4 : i32
      %mul3A_241 = arith.muli %while3A_164, %mul3A_240 : i32
      %add3A_242 = arith.constant 3 : i32
      %add3A_243 = arith.addi %mul3A_241, %add3A_242 : i32
      %sub3A_244 = arith.constant 1 : i32
      %sub3A_245 = arith.subi %select_n3A_8, %sub3A_244 : i32
      %lt3A_246 = arith.cmpi slt, %while3A_164, %sub3A_245 : i32
      %convert_element_type3A_247 = arith.extui %lt3A_246 : i1 to i32
      %cond3A_248 = arith.constant 0 : i32
      %cond3A_249 = arith.cmpi ne, %convert_element_type3A_247, %cond3A_248 : i32
      scf.if %cond3A_249 {
        %add3A_257 = arith.addi %select_n3A, %add3A_243 : i32
        %add3A_258 = arith.constant 3 : i32
        %add3A_259 = arith.addi %add3A_257, %add3A_258 : i32
        %dma_start3A_260 = arith.constant 2 : i32
        %dma_start3A_261 = arith.constant 0 : i32
        %dma_start3A_262 = arith.constant 0 : i32
        %dma_start3A_263 = tpu.memref_slice %arg5[%dma_start3A_260, %dma_start3A_261, %dma_start3A_262] : memref<4x3x128xi32, #tpu.memory_space<vmem>> -> memref<1x3x128xi32, #tpu.memory_space<vmem>>
        %dma_start3A_264 = tpu.memref_squeeze %dma_start3A_263 : memref<1x3x128xi32, #tpu.memory_space<vmem>> -> memref<3x128xi32, #tpu.memory_space<vmem>>
        %dma_start3A_265 = arith.constant 0 : i32
        %dma_start3A_266 = arith.constant 0 : i32
        %dma_start3A_267 = tpu.memref_slice %arg3[%add3A_259, %dma_start3A_265, %dma_start3A_266] : memref<2560x3x128xi32, #tpu.memory_space<hbm>> -> memref<1x3x128xi32, #tpu.memory_space<hbm>>
        %dma_start3A_268 = tpu.memref_squeeze %dma_start3A_267 : memref<1x3x128xi32, #tpu.memory_space<hbm>> -> memref<3x128xi32, #tpu.memory_space<hbm>>
        %dma_start3A_269 = arith.constant 0 : i32
        %dma_start3A_270 = arith.constant 0 : i32
        %dma_start3A_271 = tpu.memref_slice %arg5[%dma_start3A_260, %dma_start3A_269, %dma_start3A_270] : memref<4x3x128xi32, #tpu.memory_space<vmem>> -> memref<1x3x128xi32, #tpu.memory_space<vmem>>
        %dma_start3A_272 = tpu.memref_squeeze %dma_start3A_271 : memref<1x3x128xi32, #tpu.memory_space<vmem>> -> memref<3x128xi32, #tpu.memory_space<vmem>>
        %dma_start3A_273 = arith.constant 0 : i32
        %dma_start3A_274 = arith.constant 0 : i32
        %dma_start3A_275 = tpu.memref_slice %arg3[%add3A_259, %dma_start3A_273, %dma_start3A_274] : memref<2560x3x128xi32, #tpu.memory_space<hbm>> -> memref<1x3x128xi32, #tpu.memory_space<hbm>>
        %dma_start3A_276 = tpu.memref_squeeze %dma_start3A_275 : memref<1x3x128xi32, #tpu.memory_space<hbm>> -> memref<3x128xi32, #tpu.memory_space<hbm>>
        tpu.enqueue_dma source(%dma_start3A_276 : memref<3x128xi32, #tpu.memory_space<hbm>>) target(%dma_start3A_272 : memref<3x128xi32, #tpu.memory_space<vmem>>) target_semaphore(%arg15 : memref<!tpu.dma_semaphore, #tpu.memory_space<semaphore_mem>>)
      } else {
      }
      %sub3A_250 = arith.constant 1 : i32
      %sub3A_251 = arith.subi %select_n3A_8, %sub3A_250 : i32
      %lt3A_252 = arith.cmpi slt, %while3A_164, %sub3A_251 : i32
      %convert_element_type3A_253 = arith.extui %lt3A_252 : i1 to i32
      %cond3A_254 = arith.constant 0 : i32
      %cond3A_255 = arith.cmpi ne, %convert_element_type3A_253, %cond3A_254 : i32
      scf.if %cond3A_255 {
        %add3A_257 = arith.addi %select_n3A, %add3A_243 : i32
        %add3A_258 = arith.constant 1 : i32
        %add3A_259 = arith.addi %add3A_257, %add3A_258 : i32
        %dma_wait3A_260 = arith.constant 0 : i32
        %dma_wait3A_261 = arith.constant 0 : i32
        %dma_wait3A_262 = arith.constant 0 : i32
        %dma_wait3A_263 = tpu.memref_slice %arg5[%dma_wait3A_260, %dma_wait3A_261, %dma_wait3A_262] : memref<4x3x128xi32, #tpu.memory_space<vmem>> -> memref<1x3x128xi32, #tpu.memory_space<vmem>>
        %dma_wait3A_264 = tpu.memref_squeeze %dma_wait3A_263 : memref<1x3x128xi32, #tpu.memory_space<vmem>> -> memref<3x128xi32, #tpu.memory_space<vmem>>
        %dma_wait3A_265 = arith.constant 0 : i32
        %dma_wait3A_266 = arith.constant 0 : i32
        %dma_wait3A_267 = tpu.memref_slice %arg3[%add3A_259, %dma_wait3A_265, %dma_wait3A_266] : memref<2560x3x128xi32, #tpu.memory_space<hbm>> -> memref<1x3x128xi32, #tpu.memory_space<hbm>>
        %dma_wait3A_268 = tpu.memref_squeeze %dma_wait3A_267 : memref<1x3x128xi32, #tpu.memory_space<hbm>> -> memref<3x128xi32, #tpu.memory_space<hbm>>
        %dma_wait3A_269 = arith.constant 0 : i32
        %dma_wait3A_270 = arith.constant 0 : i32
        %dma_wait3A_271 = tpu.memref_slice %arg5[%dma_wait3A_260, %dma_wait3A_269, %dma_wait3A_270] : memref<4x3x128xi32, #tpu.memory_space<vmem>> -> memref<1x3x128xi32, #tpu.memory_space<vmem>>
        %dma_wait3A_272 = tpu.memref_squeeze %dma_wait3A_271 : memref<1x3x128xi32, #tpu.memory_space<vmem>> -> memref<3x128xi32, #tpu.memory_space<vmem>>
        %dma_wait3A_273 = arith.constant 0 : i32
        %dma_wait3A_274 = arith.constant 0 : i32
        %dma_wait3A_275 = tpu.memref_slice %arg3[%add3A_259, %dma_wait3A_273, %dma_wait3A_274] : memref<2560x3x128xi32, #tpu.memory_space<hbm>> -> memref<1x3x128xi32, #tpu.memory_space<hbm>>
        %dma_wait3A_276 = tpu.memref_squeeze %dma_wait3A_275 : memref<1x3x128xi32, #tpu.memory_space<hbm>> -> memref<3x128xi32, #tpu.memory_space<hbm>>
        tpu.wait_dma2 semaphore(%arg13 : memref<!tpu.dma_semaphore, #tpu.memory_space<semaphore_mem>>) src(%dma_wait3A_276 : memref<3x128xi32, #tpu.memory_space<hbm>>) dst(%dma_wait3A_272 : memref<3x128xi32, #tpu.memory_space<vmem>>)
      } else {
      }
      %while3A_256 = arith.constant 0 : i32
      scf.yield %while3A_256 : i32
    }
    %barrier3A_73 = arith.constant 0 : index
    tpu.barrier barrier_id(%barrier3A_73)
    %mul3A_74 = arith.constant 640 : i32
    %mul3A_75 = arith.muli %arg1, %mul3A_74 : i32
    %add3A_76 = arith.constant 0 : i32
    %add3A_77 = arith.addi %mul3A_75, %add3A_76 : i32
    %dma_start3A_78 = arith.constant 0 : i32
    %dma_start3A_79 = tpu.memref_slice %arg4[%arg0, %add3A_77, %dma_start3A_78] : memref<2x10240x128xf32, #tpu.memory_space<hbm>> -> memref<1x128x128xf32, #tpu.memory_space<hbm>>
    %dma_start3A_80 = tpu.memref_squeeze %dma_start3A_79 : memref<1x128x128xf32, #tpu.memory_space<hbm>> -> memref<128x128xf32, #tpu.memory_space<hbm>>
    %dma_start3A_81 = arith.constant 0 : i32
    %dma_start3A_82 = tpu.memref_slice %arg8[%add3A_77, %dma_start3A_81] : memref<10240x128xf32, #tpu.memory_space<vmem_shared>> -> memref<128x128xf32, #tpu.memory_space<vmem_shared>>
    tpu.enqueue_dma source(%dma_start3A_82 : memref<128x128xf32, #tpu.memory_space<vmem_shared>>) target(%dma_start3A_80 : memref<128x128xf32, #tpu.memory_space<hbm>>) target_semaphore(%arg17 : memref<!tpu.dma_semaphore, #tpu.memory_space<semaphore_mem>>)
    %mul3A_83 = arith.constant 640 : i32
    %mul3A_84 = arith.muli %arg1, %mul3A_83 : i32
    %add3A_85 = arith.constant 128 : i32
    %add3A_86 = arith.addi %mul3A_84, %add3A_85 : i32
    %dma_start3A_87 = arith.constant 0 : i32
    %dma_start3A_88 = tpu.memref_slice %arg4[%arg0, %add3A_86, %dma_start3A_87] : memref<2x10240x128xf32, #tpu.memory_space<hbm>> -> memref<1x128x128xf32, #tpu.memory_space<hbm>>
    %dma_start3A_89 = tpu.memref_squeeze %dma_start3A_88 : memref<1x128x128xf32, #tpu.memory_space<hbm>> -> memref<128x128xf32, #tpu.memory_space<hbm>>
    %dma_start3A_90 = arith.constant 0 : i32
    %dma_start3A_91 = tpu.memref_slice %arg8[%add3A_86, %dma_start3A_90] : memref<10240x128xf32, #tpu.memory_space<vmem_shared>> -> memref<128x128xf32, #tpu.memory_space<vmem_shared>>
    tpu.enqueue_dma source(%dma_start3A_91 : memref<128x128xf32, #tpu.memory_space<vmem_shared>>) target(%dma_start3A_89 : memref<128x128xf32, #tpu.memory_space<hbm>>) target_semaphore(%arg17 : memref<!tpu.dma_semaphore, #tpu.memory_space<semaphore_mem>>)
    %mul3A_92 = arith.constant 640 : i32
    %mul3A_93 = arith.muli %arg1, %mul3A_92 : i32
    %add3A_94 = arith.constant 256 : i32
    %add3A_95 = arith.addi %mul3A_93, %add3A_94 : i32
    %dma_start3A_96 = arith.constant 0 : i32
    %dma_start3A_97 = tpu.memref_slice %arg4[%arg0, %add3A_95, %dma_start3A_96] : memref<2x10240x128xf32, #tpu.memory_space<hbm>> -> memref<1x128x128xf32, #tpu.memory_space<hbm>>
    %dma_start3A_98 = tpu.memref_squeeze %dma_start3A_97 : memref<1x128x128xf32, #tpu.memory_space<hbm>> -> memref<128x128xf32, #tpu.memory_space<hbm>>
    %dma_start3A_99 = arith.constant 0 : i32
    %dma_start3A_100 = tpu.memref_slice %arg8[%add3A_95, %dma_start3A_99] : memref<10240x128xf32, #tpu.memory_space<vmem_shared>> -> memref<128x128xf32, #tpu.memory_space<vmem_shared>>
    tpu.enqueue_dma source(%dma_start3A_100 : memref<128x128xf32, #tpu.memory_space<vmem_shared>>) target(%dma_start3A_98 : memref<128x128xf32, #tpu.memory_space<hbm>>) target_semaphore(%arg17 : memref<!tpu.dma_semaphore, #tpu.memory_space<semaphore_mem>>)
    %mul3A_101 = arith.constant 640 : i32
    %mul3A_102 = arith.muli %arg1, %mul3A_101 : i32
    %add3A_103 = arith.constant 384 : i32
    %add3A_104 = arith.addi %mul3A_102, %add3A_103 : i32
    %dma_start3A_105 = arith.constant 0 : i32
    %dma_start3A_106 = tpu.memref_slice %arg4[%arg0, %add3A_104, %dma_start3A_105] : memref<2x10240x128xf32, #tpu.memory_space<hbm>> -> memref<1x128x128xf32, #tpu.memory_space<hbm>>
    %dma_start3A_107 = tpu.memref_squeeze %dma_start3A_106 : memref<1x128x128xf32, #tpu.memory_space<hbm>> -> memref<128x128xf32, #tpu.memory_space<hbm>>
    %dma_start3A_108 = arith.constant 0 : i32
    %dma_start3A_109 = tpu.memref_slice %arg8[%add3A_104, %dma_start3A_108] : memref<10240x128xf32, #tpu.memory_space<vmem_shared>> -> memref<128x128xf32, #tpu.memory_space<vmem_shared>>
    tpu.enqueue_dma source(%dma_start3A_109 : memref<128x128xf32, #tpu.memory_space<vmem_shared>>) target(%dma_start3A_107 : memref<128x128xf32, #tpu.memory_space<hbm>>) target_semaphore(%arg17 : memref<!tpu.dma_semaphore, #tpu.memory_space<semaphore_mem>>)
    %mul3A_110 = arith.constant 640 : i32
    %mul3A_111 = arith.muli %arg1, %mul3A_110 : i32
    %add3A_112 = arith.constant 512 : i32
    %add3A_113 = arith.addi %mul3A_111, %add3A_112 : i32
    %dma_start3A_114 = arith.constant 0 : i32
    %dma_start3A_115 = tpu.memref_slice %arg4[%arg0, %add3A_113, %dma_start3A_114] : memref<2x10240x128xf32, #tpu.memory_space<hbm>> -> memref<1x128x128xf32, #tpu.memory_space<hbm>>
    %dma_start3A_116 = tpu.memref_squeeze %dma_start3A_115 : memref<1x128x128xf32, #tpu.memory_space<hbm>> -> memref<128x128xf32, #tpu.memory_space<hbm>>
    %dma_start3A_117 = arith.constant 0 : i32
    %dma_start3A_118 = tpu.memref_slice %arg8[%add3A_113, %dma_start3A_117] : memref<10240x128xf32, #tpu.memory_space<vmem_shared>> -> memref<128x128xf32, #tpu.memory_space<vmem_shared>>
    tpu.enqueue_dma source(%dma_start3A_118 : memref<128x128xf32, #tpu.memory_space<vmem_shared>>) target(%dma_start3A_116 : memref<128x128xf32, #tpu.memory_space<hbm>>) target_semaphore(%arg17 : memref<!tpu.dma_semaphore, #tpu.memory_space<semaphore_mem>>)
    %mul3A_119 = arith.constant 640 : i32
    %mul3A_120 = arith.muli %arg1, %mul3A_119 : i32
    %add3A_121 = arith.constant 0 : i32
    %add3A_122 = arith.addi %mul3A_120, %add3A_121 : i32
    %dma_wait3A_123 = arith.constant 0 : i32
    %dma_wait3A_124 = tpu.memref_slice %arg4[%arg0, %add3A_122, %dma_wait3A_123] : memref<2x10240x128xf32, #tpu.memory_space<hbm>> -> memref<1x128x128xf32, #tpu.memory_space<hbm>>
    %dma_wait3A_125 = tpu.memref_squeeze %dma_wait3A_124 : memref<1x128x128xf32, #tpu.memory_space<hbm>> -> memref<128x128xf32, #tpu.memory_space<hbm>>
    %dma_wait3A_126 = arith.constant 0 : i32
    %dma_wait3A_127 = tpu.memref_slice %arg8[%add3A_122, %dma_wait3A_126] : memref<10240x128xf32, #tpu.memory_space<vmem_shared>> -> memref<128x128xf32, #tpu.memory_space<vmem_shared>>
    tpu.wait_dma2 semaphore(%arg17 : memref<!tpu.dma_semaphore, #tpu.memory_space<semaphore_mem>>) src(%dma_wait3A_127 : memref<128x128xf32, #tpu.memory_space<vmem_shared>>) dst(%dma_wait3A_125 : memref<128x128xf32, #tpu.memory_space<hbm>>)
    %mul3A_128 = arith.constant 640 : i32
    %mul3A_129 = arith.muli %arg1, %mul3A_128 : i32
    %add3A_130 = arith.constant 128 : i32
    %add3A_131 = arith.addi %mul3A_129, %add3A_130 : i32
    %dma_wait3A_132 = arith.constant 0 : i32
    %dma_wait3A_133 = tpu.memref_slice %arg4[%arg0, %add3A_131, %dma_wait3A_132] : memref<2x10240x128xf32, #tpu.memory_space<hbm>> -> memref<1x128x128xf32, #tpu.memory_space<hbm>>
    %dma_wait3A_134 = tpu.memref_squeeze %dma_wait3A_133 : memref<1x128x128xf32, #tpu.memory_space<hbm>> -> memref<128x128xf32, #tpu.memory_space<hbm>>
    %dma_wait3A_135 = arith.constant 0 : i32
    %dma_wait3A_136 = tpu.memref_slice %arg8[%add3A_131, %dma_wait3A_135] : memref<10240x128xf32, #tpu.memory_space<vmem_shared>> -> memref<128x128xf32, #tpu.memory_space<vmem_shared>>
    tpu.wait_dma2 semaphore(%arg17 : memref<!tpu.dma_semaphore, #tpu.memory_space<semaphore_mem>>) src(%dma_wait3A_136 : memref<128x128xf32, #tpu.memory_space<vmem_shared>>) dst(%dma_wait3A_134 : memref<128x128xf32, #tpu.memory_space<hbm>>)
    %mul3A_137 = arith.constant 640 : i32
    %mul3A_138 = arith.muli %arg1, %mul3A_137 : i32
    %add3A_139 = arith.constant 256 : i32
    %add3A_140 = arith.addi %mul3A_138, %add3A_139 : i32
    %dma_wait3A_141 = arith.constant 0 : i32
    %dma_wait3A_142 = tpu.memref_slice %arg4[%arg0, %add3A_140, %dma_wait3A_141] : memref<2x10240x128xf32, #tpu.memory_space<hbm>> -> memref<1x128x128xf32, #tpu.memory_space<hbm>>
    %dma_wait3A_143 = tpu.memref_squeeze %dma_wait3A_142 : memref<1x128x128xf32, #tpu.memory_space<hbm>> -> memref<128x128xf32, #tpu.memory_space<hbm>>
    %dma_wait3A_144 = arith.constant 0 : i32
    %dma_wait3A_145 = tpu.memref_slice %arg8[%add3A_140, %dma_wait3A_144] : memref<10240x128xf32, #tpu.memory_space<vmem_shared>> -> memref<128x128xf32, #tpu.memory_space<vmem_shared>>
    tpu.wait_dma2 semaphore(%arg17 : memref<!tpu.dma_semaphore, #tpu.memory_space<semaphore_mem>>) src(%dma_wait3A_145 : memref<128x128xf32, #tpu.memory_space<vmem_shared>>) dst(%dma_wait3A_143 : memref<128x128xf32, #tpu.memory_space<hbm>>)
    %mul3A_146 = arith.constant 640 : i32
    %mul3A_147 = arith.muli %arg1, %mul3A_146 : i32
    %add3A_148 = arith.constant 384 : i32
    %add3A_149 = arith.addi %mul3A_147, %add3A_148 : i32
    %dma_wait3A_150 = arith.constant 0 : i32
    %dma_wait3A_151 = tpu.memref_slice %arg4[%arg0, %add3A_149, %dma_wait3A_150] : memref<2x10240x128xf32, #tpu.memory_space<hbm>> -> memref<1x128x128xf32, #tpu.memory_space<hbm>>
    %dma_wait3A_152 = tpu.memref_squeeze %dma_wait3A_151 : memref<1x128x128xf32, #tpu.memory_space<hbm>> -> memref<128x128xf32, #tpu.memory_space<hbm>>
    %dma_wait3A_153 = arith.constant 0 : i32
    %dma_wait3A_154 = tpu.memref_slice %arg8[%add3A_149, %dma_wait3A_153] : memref<10240x128xf32, #tpu.memory_space<vmem_shared>> -> memref<128x128xf32, #tpu.memory_space<vmem_shared>>
    tpu.wait_dma2 semaphore(%arg17 : memref<!tpu.dma_semaphore, #tpu.memory_space<semaphore_mem>>) src(%dma_wait3A_154 : memref<128x128xf32, #tpu.memory_space<vmem_shared>>) dst(%dma_wait3A_152 : memref<128x128xf32, #tpu.memory_space<hbm>>)
    %mul3A_155 = arith.constant 640 : i32
    %mul3A_156 = arith.muli %arg1, %mul3A_155 : i32
    %add3A_157 = arith.constant 512 : i32
    %add3A_158 = arith.addi %mul3A_156, %add3A_157 : i32
    %dma_wait3A_159 = arith.constant 0 : i32
    %dma_wait3A_160 = tpu.memref_slice %arg4[%arg0, %add3A_158, %dma_wait3A_159] : memref<2x10240x128xf32, #tpu.memory_space<hbm>> -> memref<1x128x128xf32, #tpu.memory_space<hbm>>
    %dma_wait3A_161 = tpu.memref_squeeze %dma_wait3A_160 : memref<1x128x128xf32, #tpu.memory_space<hbm>> -> memref<128x128xf32, #tpu.memory_space<hbm>>
    %dma_wait3A_162 = arith.constant 0 : i32
    %dma_wait3A_163 = tpu.memref_slice %arg8[%add3A_158, %dma_wait3A_162] : memref<10240x128xf32, #tpu.memory_space<vmem_shared>> -> memref<128x128xf32, #tpu.memory_space<vmem_shared>>
    tpu.wait_dma2 semaphore(%arg17 : memref<!tpu.dma_semaphore, #tpu.memory_space<semaphore_mem>>) src(%dma_wait3A_163 : memref<128x128xf32, #tpu.memory_space<vmem_shared>>) dst(%dma_wait3A_161 : memref<128x128xf32, #tpu.memory_space<hbm>>)
    return
  }
}

module attributes {stable_mosaic.version = 14 : i64} {
  func.func @_tc_mid_body(%arg0: i32, %arg1: memref<2x1024xf32, #tpu.memory_space<vmem>>, %arg2: memref<2x1024x128xf32, #tpu.memory_space<vmem>>, %arg3: memref<1024x128xf32, #tpu.memory_space<vmem>>, %arg4: memref<1x128xf32, #tpu.memory_space<vmem>>, %arg5: memref<128x128xf32, #tpu.memory_space<vmem>>, %arg6: memref<1024x128xf32, #tpu.memory_space<vmem>>) attributes {dimension_semantics = [#tpu.dimension_semantics<arbitrary>], iteration_bounds = array<i64: 10>, scalar_prefetch = 0 : i64, scratch_operands = 0 : i64, tpu.core_type = #tpu.core_type<tc>, window_params = [{transform_indices = @transform_0, window_bounds = array<i64: 2, 1024>}, {transform_indices = @transform_1, window_bounds = array<i64: 2, 1024, 128>}, {transform_indices = @transform_2, window_bounds = array<i64: 1024, 128>}, {pipeline_mode = #tpu.pipeline_mode<synchronous>, transform_indices = @transform_3, window_bounds = array<i64: 1, 128>}, {pipeline_mode = #tpu.pipeline_mode<synchronous>, transform_indices = @transform_4, window_bounds = array<i64: 128, 128>}, {transform_indices = @transform_5, window_bounds = array<i64: 1024, 128>}]} {
    %get3A = arith.constant 0 : index
    %get3A_0 = arith.constant 0 : index
    %get3A_1 = vector.load %arg1[%get3A, %get3A_0] : memref<2x1024xf32, #tpu.memory_space<vmem>>, vector<2x1024xf32>
    %reduce_sum3A = arith.constant dense<0.000000e+00> : vector<1024xf32>
    %reduce_sum3A_2 = vector.multi_reduction <add>, %get3A_1, %reduce_sum3A [0] : vector<2x1024xf32> to vector<1024xf32>
    %add3A = arith.constant 1.000000e+00 : f32
    %add3A_3 = vector.broadcast %add3A : f32 to vector<1024xf32>
    %add3A_4 = arith.addf %reduce_sum3A_2, %add3A_3 : vector<1024xf32>
    %gt3A = arith.constant 0.000000e+00 : f32
    %gt3A_5 = vector.broadcast %gt3A : f32 to vector<1024xf32>
    %gt3A_6 = arith.cmpf ogt, %add3A_4, %gt3A_5 : vector<1024xf32>
    %rsqrt3A = math.rsqrt %add3A_4 : vector<1024xf32>
    %jit3A = arith.constant 0.000000e+00 : f32
    %broadcast_in_dim3A = vector.broadcast %jit3A : f32 to vector<1024xf32>
    %select_n3A = arith.select %gt3A_6, %rsqrt3A, %broadcast_in_dim3A : vector<1024xi1>, vector<1024xf32>
    %broadcast_in_dim3A_7 = vector.shape_cast %select_n3A : vector<1024xf32> to vector<1024x1xf32>
    %get3A_8 = arith.constant 0 : index
    %get3A_9 = arith.constant 0 : index
    %get3A_10 = arith.constant 0 : index
    %get3A_11 = vector.load %arg2[%get3A_8, %get3A_9, %get3A_10] : memref<2x1024x128xf32, #tpu.memory_space<vmem>>, vector<1x1024x128xf32>
    %get3A_12 = vector.shape_cast %get3A_11 : vector<1x1024x128xf32> to vector<1024x128xf32>
    %get3A_13 = arith.constant 1 : index
    %get3A_14 = arith.constant 0 : index
    %get3A_15 = arith.constant 0 : index
    %get3A_16 = vector.load %arg2[%get3A_13, %get3A_14, %get3A_15] : memref<2x1024x128xf32, #tpu.memory_space<vmem>>, vector<1x1024x128xf32>
    %get3A_17 = vector.shape_cast %get3A_16 : vector<1x1024x128xf32> to vector<1024x128xf32>
    %add3A_18 = arith.addf %get3A_12, %get3A_17 : vector<1024x128xf32>
    %get3A_19 = arith.constant 0 : index
    %get3A_20 = arith.constant 0 : index
    %get3A_21 = vector.load %arg3[%get3A_19, %get3A_20] : memref<1024x128xf32, #tpu.memory_space<vmem>>, vector<1024x128xf32>
    %add3A_22 = arith.addf %add3A_18, %get3A_21 : vector<1024x128xf32>
    %mul3A = vector.broadcast %broadcast_in_dim3A_7 : vector<1024x1xf32> to vector<1024x128xf32>
    %mul3A_23 = arith.mulf %mul3A, %add3A_22 : vector<1024x128xf32>
    %get3A_24 = arith.constant 0 : index
    %get3A_25 = arith.constant 0 : index
    %get3A_26 = vector.load %arg4[%get3A_24, %get3A_25] : memref<1x128xf32, #tpu.memory_space<vmem>>, vector<1x128xf32>
    %add3A_27 = vector.broadcast %get3A_26 : vector<1x128xf32> to vector<1024x128xf32>
    %add3A_28 = arith.addf %mul3A_23, %add3A_27 : vector<1024x128xf32>
    %tanh3A = math.tanh %add3A_28 : vector<1024x128xf32>
    %get3A_29 = arith.constant 0 : index
    %get3A_30 = arith.constant 0 : index
    %get3A_31 = vector.load %arg5[%get3A_29, %get3A_30] : memref<128x128xf32, #tpu.memory_space<vmem>>, vector<128x128xf32>
    %dot_general3A = arith.constant dense<0.000000e+00> : vector<1024x128xf32>
    %dot_general3A_32 = tpu.matmul %tanh3A, %get3A_31, %dot_general3A {dimension_numbers = #tpu.dot_dimension_numbers<[1], [0], [0], [1], [0, 0, 1, 1], [], []>, transpose_lhs_hint = false} : vector<1024x128xf32>, vector<128x128xf32>, vector<1024x128xf32> -> vector<1024x128xf32>
    %mul3A_33 = vector.broadcast %broadcast_in_dim3A_7 : vector<1024x1xf32> to vector<1024x128xf32>
    %mul3A_34 = arith.mulf %dot_general3A_32, %mul3A_33 : vector<1024x128xf32>
    %swap3A = arith.constant 0 : index
    %swap3A_35 = arith.constant 0 : index
    %swap3A_36 = vector.load %arg6[%swap3A, %swap3A_35] : memref<1024x128xf32, #tpu.memory_space<vmem>>, vector<1024x128xf32>
    tpu.vector_store %arg6[%swap3A, %swap3A_35], %mul3A_34 {strides = array<i32>} : memref<1024x128xf32, #tpu.memory_space<vmem>>, vector<1024x128xf32>,
    return
  }
  func.func @transform_0(%arg0: i32) -> (i32, i32) {
    %c0_i32 = arith.constant 0 : i32
    %c0_i32_0 = arith.constant 0 : i32
    return %c0_i32, %arg0 : i32, i32
  }
  func.func @transform_1(%arg0: i32) -> (i32, i32, i32) {
    %c0_i32 = arith.constant 0 : i32
    %c0_i32_0 = arith.constant 0 : i32
    %c0_i32_1 = arith.constant 0 : i32
    return %c0_i32, %arg0, %c0_i32_0 : i32, i32, i32
  }
  func.func @transform_2(%arg0: i32) -> (i32, i32) {
    %c0_i32 = arith.constant 0 : i32
    %c0_i32_0 = arith.constant 0 : i32
    return %arg0, %c0_i32 : i32, i32
  }
  func.func @transform_3(%arg0: i32) -> (i32, i32) {
    %c0_i32 = arith.constant 0 : i32
    %c0_i32_0 = arith.constant 0 : i32
    %c0_i32_1 = arith.constant 0 : i32
    return %c0_i32, %c0_i32_0 : i32, i32
  }
  func.func @transform_4(%arg0: i32) -> (i32, i32) {
    %c0_i32 = arith.constant 0 : i32
    %c0_i32_0 = arith.constant 0 : i32
    %c0_i32_1 = arith.constant 0 : i32
    return %c0_i32, %c0_i32_0 : i32, i32
  }
  func.func @transform_5(%arg0: i32) -> (i32, i32) {
    %c0_i32 = arith.constant 0 : i32
    %c0_i32_0 = arith.constant 0 : i32
    return %arg0, %c0_i32 : i32, i32
  }
}

module attributes {stable_mosaic.version = 14 : i64} {
  func.func @_tc_g1_body(%arg0: i32, %arg1: memref<2x1024xf32, #tpu.memory_space<vmem>>, %arg2: memref<1024x128xf32, #tpu.memory_space<vmem>>, %arg3: memref<128x128xf32, #tpu.memory_space<vmem>>, %arg4: memref<1024x128xf32, #tpu.memory_space<vmem>>) attributes {dimension_semantics = [#tpu.dimension_semantics<arbitrary>], iteration_bounds = array<i64: 10>, scalar_prefetch = 0 : i64, scratch_operands = 0 : i64, tpu.core_type = #tpu.core_type<tc>, window_params = [{transform_indices = @transform_0, window_bounds = array<i64: 2, 1024>}, {transform_indices = @transform_1, window_bounds = array<i64: 1024, 128>}, {pipeline_mode = #tpu.pipeline_mode<synchronous>, transform_indices = @transform_2, window_bounds = array<i64: 128, 128>}, {transform_indices = @transform_3, window_bounds = array<i64: 1024, 128>}]} {
    %get3A = arith.constant 0 : index
    %get3A_0 = arith.constant 0 : index
    %get3A_1 = vector.load %arg1[%get3A, %get3A_0] : memref<2x1024xf32, #tpu.memory_space<vmem>>, vector<2x1024xf32>
    %reduce_sum3A = arith.constant dense<0.000000e+00> : vector<1024xf32>
    %reduce_sum3A_2 = vector.multi_reduction <add>, %get3A_1, %reduce_sum3A [0] : vector<2x1024xf32> to vector<1024xf32>
    %add3A = arith.constant 1.000000e+00 : f32
    %add3A_3 = vector.broadcast %add3A : f32 to vector<1024xf32>
    %add3A_4 = arith.addf %reduce_sum3A_2, %add3A_3 : vector<1024xf32>
    %gt3A = arith.constant 0.000000e+00 : f32
    %gt3A_5 = vector.broadcast %gt3A : f32 to vector<1024xf32>
    %gt3A_6 = arith.cmpf ogt, %add3A_4, %gt3A_5 : vector<1024xf32>
    %rsqrt3A = math.rsqrt %add3A_4 : vector<1024xf32>
    %jit3A = arith.constant 0.000000e+00 : f32
    %broadcast_in_dim3A = vector.broadcast %jit3A : f32 to vector<1024xf32>
    %select_n3A = arith.select %gt3A_6, %rsqrt3A, %broadcast_in_dim3A : vector<1024xi1>, vector<1024xf32>
    %broadcast_in_dim3A_7 = vector.shape_cast %select_n3A : vector<1024xf32> to vector<1024x1xf32>
    %get3A_8 = arith.constant 0 : index
    %get3A_9 = arith.constant 0 : index
    %get3A_10 = vector.load %arg2[%get3A_8, %get3A_9] : memref<1024x128xf32, #tpu.memory_space<vmem>>, vector<1024x128xf32>
    %get3A_11 = arith.constant 0 : index
    %get3A_12 = arith.constant 0 : index
    %get3A_13 = vector.load %arg3[%get3A_11, %get3A_12] : memref<128x128xf32, #tpu.memory_space<vmem>>, vector<128x128xf32>
    %dot_general3A = arith.constant dense<0.000000e+00> : vector<1024x128xf32>
    %dot_general3A_14 = tpu.matmul %get3A_10, %get3A_13, %dot_general3A {dimension_numbers = #tpu.dot_dimension_numbers<[1], [0], [0], [1], [0, 0, 1, 1], [], []>, transpose_lhs_hint = false} : vector<1024x128xf32>, vector<128x128xf32>, vector<1024x128xf32> -> vector<1024x128xf32>
    %mul3A = vector.broadcast %broadcast_in_dim3A_7 : vector<1024x1xf32> to vector<1024x128xf32>
    %mul3A_15 = arith.mulf %dot_general3A_14, %mul3A : vector<1024x128xf32>
    %swap3A = arith.constant 0 : index
    %swap3A_16 = arith.constant 0 : index
    %swap3A_17 = vector.load %arg4[%swap3A, %swap3A_16] : memref<1024x128xf32, #tpu.memory_space<vmem>>, vector<1024x128xf32>
    tpu.vector_store %arg4[%swap3A, %swap3A_16], %mul3A_15 {strides = array<i32>} : memref<1024x128xf32, #tpu.memory_space<vmem>>, vector<1024x128xf32>,
    return
  }
  func.func @transform_0(%arg0: i32) -> (i32, i32) {
    %c0_i32 = arith.constant 0 : i32
    %c0_i32_0 = arith.constant 0 : i32
    return %c0_i32, %arg0 : i32, i32
  }
  func.func @transform_1(%arg0: i32) -> (i32, i32) {
    %c0_i32 = arith.constant 0 : i32
    %c0_i32_0 = arith.constant 0 : i32
    return %arg0, %c0_i32 : i32, i32
  }
  func.func @transform_2(%arg0: i32) -> (i32, i32) {
    %c0_i32 = arith.constant 0 : i32
    %c0_i32_0 = arith.constant 0 : i32
    %c0_i32_1 = arith.constant 0 : i32
    return %c0_i32, %c0_i32_0 : i32, i32
  }
  func.func @transform_3(%arg0: i32) -> (i32, i32) {
    %c0_i32 = arith.constant 0 : i32
    %c0_i32_0 = arith.constant 0 : i32
    return %arg0, %c0_i32 : i32, i32
  }
}

module attributes {stable_mosaic.version = 14 : i64} {
  func.func @_tc_final_body(%arg0: i32, %arg1: memref<2x1024xf32, #tpu.memory_space<vmem>>, %arg2: memref<2x1024x128xf32, #tpu.memory_space<vmem>>, %arg3: memref<1024x128xf32, #tpu.memory_space<vmem>>, %arg4: memref<1x128xf32, #tpu.memory_space<vmem>>, %arg5: memref<1024x128xf32, #tpu.memory_space<vmem>>) attributes {dimension_semantics = [#tpu.dimension_semantics<arbitrary>], iteration_bounds = array<i64: 10>, scalar_prefetch = 0 : i64, scratch_operands = 0 : i64, tpu.core_type = #tpu.core_type<tc>, window_params = [{transform_indices = @transform_0, window_bounds = array<i64: 2, 1024>}, {transform_indices = @transform_1, window_bounds = array<i64: 2, 1024, 128>}, {transform_indices = @transform_2, window_bounds = array<i64: 1024, 128>}, {pipeline_mode = #tpu.pipeline_mode<synchronous>, transform_indices = @transform_3, window_bounds = array<i64: 1, 128>}, {transform_indices = @transform_4, window_bounds = array<i64: 1024, 128>}]} {
    %get3A = arith.constant 0 : index
    %get3A_0 = arith.constant 0 : index
    %get3A_1 = vector.load %arg1[%get3A, %get3A_0] : memref<2x1024xf32, #tpu.memory_space<vmem>>, vector<2x1024xf32>
    %reduce_sum3A = arith.constant dense<0.000000e+00> : vector<1024xf32>
    %reduce_sum3A_2 = vector.multi_reduction <add>, %get3A_1, %reduce_sum3A [0] : vector<2x1024xf32> to vector<1024xf32>
    %add3A = arith.constant 1.000000e+00 : f32
    %add3A_3 = vector.broadcast %add3A : f32 to vector<1024xf32>
    %add3A_4 = arith.addf %reduce_sum3A_2, %add3A_3 : vector<1024xf32>
    %gt3A = arith.constant 0.000000e+00 : f32
    %gt3A_5 = vector.broadcast %gt3A : f32 to vector<1024xf32>
    %gt3A_6 = arith.cmpf ogt, %add3A_4, %gt3A_5 : vector<1024xf32>
    %rsqrt3A = math.rsqrt %add3A_4 : vector<1024xf32>
    %jit3A = arith.constant 0.000000e+00 : f32
    %broadcast_in_dim3A = vector.broadcast %jit3A : f32 to vector<1024xf32>
    %select_n3A = arith.select %gt3A_6, %rsqrt3A, %broadcast_in_dim3A : vector<1024xi1>, vector<1024xf32>
    %broadcast_in_dim3A_7 = vector.shape_cast %select_n3A : vector<1024xf32> to vector<1024x1xf32>
    %get3A_8 = arith.constant 0 : index
    %get3A_9 = arith.constant 0 : index
    %get3A_10 = arith.constant 0 : index
    %get3A_11 = vector.load %arg2[%get3A_8, %get3A_9, %get3A_10] : memref<2x1024x128xf32, #tpu.memory_space<vmem>>, vector<1x1024x128xf32>
    %get3A_12 = vector.shape_cast %get3A_11 : vector<1x1024x128xf32> to vector<1024x128xf32>
    %get3A_13 = arith.constant 1 : index
    %get3A_14 = arith.constant 0 : index
    %get3A_15 = arith.constant 0 : index
    %get3A_16 = vector.load %arg2[%get3A_13, %get3A_14, %get3A_15] : memref<2x1024x128xf32, #tpu.memory_space<vmem>>, vector<1x1024x128xf32>
    %get3A_17 = vector.shape_cast %get3A_16 : vector<1x1024x128xf32> to vector<1024x128xf32>
    %add3A_18 = arith.addf %get3A_12, %get3A_17 : vector<1024x128xf32>
    %get3A_19 = arith.constant 0 : index
    %get3A_20 = arith.constant 0 : index
    %get3A_21 = vector.load %arg3[%get3A_19, %get3A_20] : memref<1024x128xf32, #tpu.memory_space<vmem>>, vector<1024x128xf32>
    %add3A_22 = arith.addf %add3A_18, %get3A_21 : vector<1024x128xf32>
    %mul3A = vector.broadcast %broadcast_in_dim3A_7 : vector<1024x1xf32> to vector<1024x128xf32>
    %mul3A_23 = arith.mulf %mul3A, %add3A_22 : vector<1024x128xf32>
    %get3A_24 = arith.constant 0 : index
    %get3A_25 = arith.constant 0 : index
    %get3A_26 = vector.load %arg4[%get3A_24, %get3A_25] : memref<1x128xf32, #tpu.memory_space<vmem>>, vector<1x128xf32>
    %add3A_27 = vector.broadcast %get3A_26 : vector<1x128xf32> to vector<1024x128xf32>
    %add3A_28 = arith.addf %mul3A_23, %add3A_27 : vector<1024x128xf32>
    %logistic3A = arith.negf %add3A_28 : vector<1024x128xf32>
    %logistic3A_29 = math.exp %logistic3A : vector<1024x128xf32>
    %logistic3A_30 = arith.constant 1.000000e+00 : f32
    %logistic3A_31 = vector.broadcast %logistic3A_30 : f32 to vector<1024x128xf32>
    %logistic3A_32 = arith.addf %logistic3A_31, %logistic3A_29 : vector<1024x128xf32>
    %logistic3A_33 = arith.divf %logistic3A_31, %logistic3A_32 : vector<1024x128xf32>
    %swap3A = arith.constant 0 : index
    %swap3A_34 = arith.constant 0 : index
    %swap3A_35 = vector.load %arg5[%swap3A, %swap3A_34] : memref<1024x128xf32, #tpu.memory_space<vmem>>, vector<1024x128xf32>
    tpu.vector_store %arg5[%swap3A, %swap3A_34], %logistic3A_33 {strides = array<i32>} : memref<1024x128xf32, #tpu.memory_space<vmem>>, vector<1024x128xf32>,
    return
  }
  func.func @transform_0(%arg0: i32) -> (i32, i32) {
    %c0_i32 = arith.constant 0 : i32
    %c0_i32_0 = arith.constant 0 : i32
    return %c0_i32, %arg0 : i32, i32
  }
  func.func @transform_1(%arg0: i32) -> (i32, i32, i32) {
    %c0_i32 = arith.constant 0 : i32
    %c0_i32_0 = arith.constant 0 : i32
    %c0_i32_1 = arith.constant 0 : i32
    return %c0_i32, %arg0, %c0_i32_0 : i32, i32, i32
  }
  func.func @transform_2(%arg0: i32) -> (i32, i32) {
    %c0_i32 = arith.constant 0 : i32
    %c0_i32_0 = arith.constant 0 : i32
    return %arg0, %c0_i32 : i32, i32
  }
  func.func @transform_3(%arg0: i32) -> (i32, i32) {
    %c0_i32 = arith.constant 0 : i32
    %c0_i32_0 = arith.constant 0 : i32
    %c0_i32_1 = arith.constant 0 : i32
    return %c0_i32, %c0_i32_0 : i32, i32
  }
  func.func @transform_4(%arg0: i32) -> (i32, i32) {
    %c0_i32 = arith.constant 0 : i32
    %c0_i32_0 = arith.constant 0 : i32
    return %arg0, %c0_i32 : i32, i32
  }
}

</mosaic_0001>

<sc_bundles>
// kernel: kernel.11.cloned.1.call-start
scs
__scs_entry_jumppad:
0x0: {  	(pc) =	sbr.rel $0x88, $3  }
0x1: {  	(tag) =	ssettag $0x0;
	lr =	simm.s32 $0x1  }
0x2: {  	[smem:$0x3F9A] =	sst lr;
	_ =	strace $0xD0000000  }
0x3: {  	_ = 	snop  }
0x4: {  	_ = 	snop  }
0x5: {  	_ = 	snop  }
0x6: {  	_ = 	snop  }
0x7: {  	_ = 	snop  }
__scs_overlays_trampoline_lowered:
0x8: {  	[smem:$0x3FA9] =	sst s0  }
0x9: {  	[smem:$0x3FAA] =	sst s1  }
0xa: {  	[smem:$0x3FAB] =	sst s2  }
0xb: {  	[smem:$0x3FAC] =	sst s3  }
0xc: {  	[smem:$0x3FAD] =	sst s4  }
0xd: {  	[smem:$0x3FAE] =	sst s5  }
0xe: {  	[smem:$0x3FAF] =	sst s6  }
0xf: {  	[smem:$0x3FB0] =	sst s7  }
0x10: {  	[smem:$0x3FB1] =	sst s8  }
0x11: {  	[smem:$0x3FB2] =	sst s9;
	s0 =	simm.s32 @!p0 $0x0  }
0x12: {  	s1 =	sld [smem:$0x3F98];
	s0 =	simm.s32 @p0 $0x1  }
0x13: {  	[smem:$0x3FB3] =	sst s0;
	s0 =	simm.s32 @!p1 $0x0  }
0x14: {  	s2 =	sld [smem:$0x3F97];
	s0 =	simm.s32 @p1 $0x1  }
0x15: {  	[smem:$0x3FB4] =	sst s0;
	s0 =	simm.s32 @!p2 $0x0  }
0x16: {  	s3 =	sld [smem:$0x3FDB];
	s0 =	simm.s32 @p2 $0x1  }
0x17: {  	s4 =	simm.s32 $0x1BF5;
	[smem:$0x3FB6] =	sst s0  }
0x18: {  	s0 =	sld [smem:$0x3F99];
	_ =	swait.ge [sflag:s4], $0x0  }
0x19: {  	s7 =	sld [smem:$0x3F9A]  }
0x1a: {  	s8 =	sadd.s32 $0xFFFFE003, lr  }
0x1b: {  	s9 =	sadd.s32 $0xFFFFFEF7, lr;
	s5 =	simm.s32 $0xFFFFFFFF;
	p2 =	slt.u32 s8, $0xFFFFF086  }
0x1c: {  	p1 =	slt.u32 s9, $0xF7A;
	s5 =	simm.s32 @!p2 $0x0  }
0x1d: {  	s5 =	simm.s32 @p1 $0x1;
	p0 =	seq.s32 s7, s2  }
0x1e: {  	s7 =	smul.u32 @!p0 $0xF7A, s2;
	p2 =	seq.s32 @!p0 s5, $0x0  }
0x1f: {  	s9 =	smul.u32 $0xF7A, s1;
	s8 =	simm.s32 @!p0 $0x1BF5;
	p2 =	por !p2, p0  }
0x20: {  	[sflag:s8] =	ssyncset.s32 @!p0 $0xFFFFF086;
	s6 =	sadd.s32 @!p0 s3, s7;
	s7 =	simm.s32 @!p0 $0x108  }
0x21: {  	s3 =	sadd.s32 s3, s9;
	s6 =	sadd.s32 @!p0 $0x88, s6;
	s7 =	simm.s32 @p2 $0x1082  }
0x22: {  	[simem:s7], [sflag:s8] =	dma.local @!p0 [hbm:s6], $0xF7A  }
0x23: {  	s9 =	sor.u32 $0xD0000000, s2;
	s6 =	simm.s32 $0x108;
	_ =	swait.ge @!p0 [sflag:s8], $0x0  }
0x24: {  	s3 =	sadd.s32 $0x88, s3;
	s6 =	simm.s32 @!p1 $0x1082;
	[sflag:s4] =	ssyncset.s32 $0xFFFFF086  }
0x25: {  	[simem:s6], [sflag:s4] =	dma.local [hbm:s3], $0xF7A  }
0x26: {  	[smem:$0x3F9A] =	sst s1;
	(tag) =	ssettag s2;
	_ =	strace s9  }
0x27: {  	s1 =	sld [smem:$0x3FAA]  }
0x28: {  	s2 =	sld [smem:$0x3FAB]  }
0x29: {  	s4 =	sld [smem:$0x3FAD]  }
0x2a: {  	p0 =	seq.s32 s5, $0x0;
	s5 =	sld [smem:$0x3FAE]  }
0x2b: {  	s6 =	sld [smem:$0x3FAF]  }
0x2c: {  	s7 =	sld [smem:$0x3FB0]  }
0x2d: {  	s3 =	simm.s32 $0x108;
	s8 =	sld [smem:$0x3FB1]  }
0x2e: {  	s3 =	simm.s32 @!p0 $0x1082;
	s9 =	sld [smem:$0x3FB2]  }
0x2f: {  	lr =	sadd.s32 s0, s3;
	s0 =	sld [smem:$0x3FA9]  }
0x30: {  	s3 =	sld [smem:$0x3FAC]  }
0x31: {  	[smem:$0x3FB5] =	sst s10  }
0x32: {  	s10 =	sld [smem:$0x3FB3];
	_ =	sdelay $0x3  }
0x33: {  	p0 =	seq.s32 s10, $0x1;
	s10 =	sld [smem:$0x3FB5];
	_ =	sdelay $0x3  }
0x34: {  	[smem:$0x3FB5] =	sst s10  }
0x35: {  	s10 =	sld [smem:$0x3FB4];
	_ =	sdelay $0x3  }
0x36: {  	p1 =	seq.s32 s10, $0x1;
	s10 =	sld [smem:$0x3FB5];
	_ =	sdelay $0x3  }
0x37: {  	[smem:$0x3FB5] =	sst s10  }
0x38: {  	s10 =	sld [smem:$0x3FB6]  }
0x39: {  	_ = 	snop;
	(pc) =	sbr.ind lr, $3  }
0x3a: {  	_ = 	snop  }
0x3b: {  	_ = 	snop  }
0x3c: {  	p2 =	seq.s32 s10, $0x1;
	s10 =	sld [smem:$0x3FB5]  }
0x3d: {  	_ =	shalt  }
0x3e: {  	_ =	shalt  }
0x3f: {  	_ =	shalt  }
0x40: {  	_ =	shalt  }
0x41: {  	_ =	shalt  }
0x42: {  	_ =	shalt  }
0x43: {  	_ =	shalt  }
0x44: {  	_ =	shalt  }
0x45: {  	_ =	shalt  }
0x46: {  	_ =	shalt  }
0x47: {  	_ =	shalt  }
0x48: {  	_ =	shalt  }
0x49: {  	_ =	shalt  }
0x4a: {  	_ =	shalt  }
0x4b: {  	_ =	shalt  }
0x4c: {  	_ =	shalt  }
0x4d: {  	_ =	shalt  }
0x4e: {  	_ =	shalt  }
0x4f: {  	_ =	shalt  }
0x50: {  	_ =	shalt  }
0x51: {  	_ =	shalt  }
0x52: {  	_ =	shalt  }
0x53: {  	_ =	shalt  }
0x54: {  	_ =	shalt  }
0x55: {  	_ =	shalt  }
0x56: {  	_ =	shalt  }
0x57: {  	_ =	shalt  }
0x58: {  	_ =	shalt  }
0x59: {  	_ =	shalt  }
0x5a: {  	_ =	shalt  }
0x5b: {  	_ =	shalt  }
0x5c: {  	_ =	shalt  }
0x5d: {  	_ =	shalt  }
0x5e: {  	_ =	shalt  }
0x5f: {  	_ =	shalt  }
0x60: {  	_ =	shalt  }
0x61: {  	_ =	shalt  }
0x62: {  	_ =	shalt  }
0x63: {  	_ =	shalt  }
0x64: {  	_ =	shalt  }
0x65: {  	_ =	shalt  }
0x66: {  	_ =	shalt  }
0x67: {  	_ =	shalt  }
0x68: {  	_ =	shalt  }
0x69: {  	_ =	shalt  }
0x6a: {  	_ =	shalt  }
0x6b: {  	_ =	shalt  }
0x6c: {  	_ =	shalt  }
0x6d: {  	_ =	shalt  }
0x6e: {  	_ =	shalt  }
0x6f: {  	_ =	shalt  }
0x70: {  	_ =	shalt  }
0x71: {  	_ =	shalt  }
0x72: {  	_ =	shalt  }
0x73: {  	_ =	shalt  }
0x74: {  	_ =	shalt  }
0x75: {  	_ =	shalt  }
0x76: {  	_ =	shalt  }
0x77: {  	_ =	shalt  }
0x78: {  	_ =	shalt  }
0x79: {  	_ =	shalt  }
0x7a: {  	_ =	shalt  }
0x7b: {  	_ =	shalt  }
0x7c: {  	_ =	shalt  }
0x7d: {  	_ =	shalt  }
0x7e: {  	_ =	shalt  }
0x7f: {  	_ =	shalt  }
0x80: {  	_ =	shalt  }
0x81: {  	_ =	shalt  }
0x82: {  	_ =	shalt  }
0x83: {  	_ =	shalt  }
0x84: {  	_ =	shalt  }
0x85: {  	_ =	shalt  }
0x86: {  	_ =	shalt  }
0x87: {  	_ =	shalt  }
.Lfunc_end0:
.L_simem_size_0:
called_computation.1_lowered:
.L_overlay_start_0:
0x88: {  	s2 =	sld [smem:$0x3FD9]  }
0x89: {  	s3 =	sld [smem:$0x3FFE];
	_ =	sdelay $0x1  }
0x8a: {  	s1 =	srdreg.scid  }
0x8b: {  	s0 =	sand.u32 $0x1, s1  }
0x8c: {  	s16 =	sshll.u32 s0, $0xA;
	s2 =	sadd.s32 s3, s2  }
0x8d: {  	s2 =	sadd.s32 s2, s16  }
0x8e: {  	[smem:$0x3FC1] =	sst s2  }
0x8f: {  	_ = 	snop  }
0x90: {  	(tm) =	ssettm $0x1  }
0x91: {  	s17 =	sld [smem:$0x3FFB];
	_ =	sdelay $0x3  }
0x92: {  	_ =	strace s17  }
0x93: {  	s2 =	sld [smem:$0x3FFC];
	_ =	sdelay $0x3  }
0x94: {  	_ =	strace s2  }
0x95: {  	s2 =	sld [smem:$0x3FFD];
	_ =	sdelay $0x3  }
0x96: {  	_ =	strace s2  }
0x97: {  	_ =	strace $0x8FFFFFFF  }
0x98: {  	s18 =	sld [smem:$0x3FDB];
	_ =	sdelay $0x1  }
0x99: {  	s19 =	simm.s32 $_scs_section_size  }
0x9a: {  	s4 =	simm.s32 $_size__tile_overlayer_lowered;
	s5 =	simm.s32 $_tile_overlayer_lowered  }
0x9b: {  	s22 =	simm.s32 $0x1BFF;
	s21 =	sshll.u32 s5, $0x1;
	s2 =	sadd.s32 s19, s18  }
0x9c: {  	s6 =	simm.s32 $0x0;
	s20 =	sshll.u32 s4, $0x1;
	s4 =	sadd.s32 s21, s2  }
0x9d: {  	[timem:s6], [sflag:s22] =	dma.local [hbm:s4], s20  }
0x9e: {  	_ =	swait.ge [sflag:s22], s20  }
0x9f: {  	s3 =	ssub.s32 $0x0, s20;
	[sflag:s22] =	ssyncset.done $0x0  }
0xa0: {  	[sflag:s22] =	ssyncadd.s32 s3;
	_ =	sdelay $0x1  }
0xa1: {  	s23 =	simm.s32 $0x1B8B  }
0xa2: {  	_ =	swait.ge [sflag:s23], $0x1  }
0xa3: {  	[sflag:s23] =	ssyncset.done $0x0  }
0xa4: {  	s25 =	simm.s32 $0x1B8E;
	s24 =	sld [smem:$0x3FFE];
	[sflag:s23] =	ssyncadd.s32 $0xFFFFFFFF  }
0xa5: {  	s26 =	simm.s32 $execute0_lowered;
	[smem:$0x3FD2] =	sst s25  }
0xa6: {  	s4 =	sshll.u32 s26, $0x1;
	_ =	strace $0x80000049;
	[dreg:$0x1] =	wrdreg $0xFFFFFFFF  }
0xa7: {  	s28 =	simm.s32 $_size_execute0_lowered;
	s2 =	sadd.s32 s2, s4;
	[dreg:$0x0] =	wrdreg $0x0  }
0xa8: {  	s4 =	sshll.u32 s28, $0x1;
	[dreg:$0x2] =	wrdreg s2  }
0xa9: {  	[dreg:$0x3] =	wrdreg s4  }
0xaa: {  	[dreg:$0x4] =	wrdreg $0xC0  }
0xab: {  	_ =	task [dreg:s6], $0x5FFFF  }
0xac: {  	[dreg:$0x1] =	wrdreg $0xFFFFFFFF  }
0xad: {  	[dreg:$0x0] =	wrdreg $0x60  }
0xae: {  	[dreg:$0x2] =	wrdreg s24  }
0xaf: {  	[dreg:$0x3] =	wrdreg $0x48000  }
0xb0: {  	[dreg:$0x4] =	wrdreg $0x9  }
0xb1: {  	_ =	task.clear_ibuf [dreg:s6], $0x5FFFF;
	_ =	strace $0x90000049  }
0xb2: {  	s29 =	simm.s32 $0x9;
	_ =	strace $0x8000004B  }
0xb3: {  	_ =	swait.ge [sflag:s29], $0x1  }
0xb4: {  	[sflag:s29] =	ssyncadd.s32 $0xFFFFFFFF  }
0xb5: {  	_ =	strace $0x9000004B  }
0xb6: {  	_ =	sfence  }
0xb7: {  	s30 =	sld [smem:$0x0];
	_ =	sdelay $0x2  }
0xb8: {  	s31 =	sshll.u32 s1, $0xD;
	s1 =	sshrl.u32 s1, $0x2  }
0xb9: {  	s3 =	sand.u32 $0x4000, s31;
	s1 =	sadd.s32 s1, s30  }
0xba: {  	s0 =	sor.u32 s3, s0;
	s1 =	sshll.u32 s1, $0x11  }
0xbb: {  	s0 =	sor.u32 s1, s0  }
0xbc: {  	s0 =	sadd.s32 $0x8F2B, s0  }
0xbd: {  	[sflag:s0] =	ssyncadd.remote.s32 $0x1  }
0xbe: {  	_ =	sfence.sel $0xFFFF  }
0xbf: {  	[dreg:$0x0] =	wrdreg $0xFFFFFFFF;
	(pc) =	sbr.abs _section_cstart, $3  }
0xc0: {  	[dreg:$0x1] =	wrdreg $0xFFFFFFFF  }
0xc1: {  	_ =	task.clear_ibuf [dreg:s6], $0x2FFFF;
	_ =	strace $0x9FFFFFFF  }
0xc2: {  	(tm) =	ssettm $0x7FFFFFFF  }
0xc3: {  	_ =	shalt  }
tec
execute0_lowered:
.L_overlay_start_1:
0x0: {  	(tag) =	ssettag $0x1  }
0x1: {  	s0 =	rddreg [dreg:$0x0]  }
0x2: {  	s1 =	rddreg [dreg:$0x1]  }
0x3: {  	s2 =	simm.s32 $0x0;
	s3 =	srdreg.scid;
	s8 =	stileid.u32  }
0x4: {  	s11 =	simm.s32 $0x24;
	s28 =	simm.s32 $0x5;
	s29 =	simm.s32 $0x600  }
0x5: {  	s30 =	simm.s32 $0x4;
	s5 =	sand.u32 $0x1, s3;
	s3 =	smul.u32 $0x90, s8  }
0x6: {  	s31 =	simm.s32 $0x2;
	s4 =	sshll.u32 s8, $0x4;
	s7 =	smul.u32 $0x50000, s8  }
0x7: {  	[smem:$0x7FF] =	sst s2;
	s8 =	smul.u32 $0x14000, s8;
	p0 =	seq.s32 s5, $0x0  }
0x8: {  	s4 =	sor.u32 $0x900, s4;
	_ =	strace $0x8000004A;
	s17 =	ssub.s32 $0x2, s5  }
0x9: {  	s14 =	smul.u32 $0x140000, s5;
	s4 =	smov.u32 @p0 s3;
	s6 =	sshrl.u32 s17, $0x1  }
0xa: {  	s18 =	sshrl.u32 s7, $0x2;
	s11 =	simm.s32 @!p0 $0x4;
	s12 =	sadd.s32 $0x4000, s8  }
0xb: {  	s13 =	sadd.s32 $0x8000, s8;
	s15 =	sadd.s32 $0xC000, s8;
	s16 =	sadd.s32 $0x10000, s8  }
0xc: {  	s4 =	sshll.u32 s4, $0x6;
	s10 =	ssub.s32 s17, s6;
	s5 =	sadd.s32 s12, s1  }
0xd: {  	s6 =	sadd.s32 s13, s1;
	s7 =	sadd.s32 s15, s1;
	s17 =	sadd.s32 s8, s14  }
0xe: {  	s8 =	sadd.s32 s16, s1;
	s12 =	sadd.s32 s14, s12;
	s20 =	sadd.s32 $0xFFFFFFFF, s11  }
0xf: {  	s22 =	sadd.s32 s14, s13;
	s23 =	sadd.s32 s14, s15;
	s14 =	sadd.s32 s14, s16  }
0x10: {  	s26 =	sshll.u32 s11, $0x8;
	s9 =	sadd.s32 s4, s0;
	s0 =	sadd.s32 $0x5D000, s0  }
0x11: {  	s4 =	sadd.s32 s18, s1;
	s19 =	sshrl.u32 s17, $0x3;
	[dreg:$0x3] =	wrdreg s20  }
0x12: {  	s21 =	sshrl.u32 s12, $0x3;
	s12 =	sshrl.u32 s23, $0x3;
	s25 =	sshrl.u32 s14, $0x3  }
0x13: {  	s15 =	smax.u32 s10, $0x1;
	s23 =	simm.s32 $0x200;
	s3 =	sadd.s32 $0xD000, s9  }
0x14: {  	s1 =	sadd.s32 s0, s19;
	s24 =	sadd.s32 s0, s12;
	s16 =	sadd.s32 $0xD040, s9  }
0x15: {  	s17 =	sadd.s32 $0xD080, s9;
	s18 =	sadd.s32 $0xD0C0, s9;
	s19 =	sadd.s32 $0xD100, s9  }
0x16: {  	s20 =	sadd.s32 $0xD140, s9;
	[dreg:$0x4] =	wrdreg s1;
	s1 =	sadd.s32 s0, s21  }
0x17: {  	[dreg:$0x7] =	wrdreg s24;
	s21 =	sadd.s32 $0xD180, s9;
	s24 =	simm.s32 $0x400  }
0x18: {  	s9 =	simm.s32 $0x0;
	[dreg:$0x5] =	wrdreg s1;
	s1 =	sshrl.u32 s22, $0x3  }
0x19: {  	s22 =	sadd.s32 $0xFFFFFE00, s26;
	s26 =	simm.s32 $0x6;
	s1 =	sadd.s32 s0, s1  }
0x1a: {  	s0 =	sadd.s32 s0, s25;
	s25 =	simm.s32 $0x800;
	[dreg:$0x6] =	wrdreg s1  }
0x1b: {  	v0 =	vimm.f32 $0.0e+00;
	[dreg:$0x8] =	wrdreg s0;
	s0 =	simm.s32 $0x3;
	s1 =	simm.s32 $0x1  }
.LBB2_1:
0x1c: {  	[tilespmem:s2], [sflag:$0x5] =	stream.linear.gather [hbm4b:s3+s2], $0x180, $0x38;
	[tilespmem:$0x18800] =	vst v63  }
0x1d: {  	_ = 	snop  }
0x1e: {  	[tilespmem:s23], [sflag:$0x5] =	stream.linear.gather [hbm4b:s16+s2], $0x180, $0x38;
	[tilespmem:$0x18800] =	vst v63  }
0x1f: {  	s10 =	simm.s32 $0x0;
	s11 =	simm.s32 $0x200  }
0x20: {  	[tilespmem:s24], [sflag:$0x5] =	stream.linear.gather [hbm4b:s17+s2], $0x180, $0x38;
	[tilespmem:$0x18800] =	vst v63  }
.LBB2_2:
0x21: {  	p0 =	sne.s32 s11, $0xFE00;
	[tilespmem:s10+$0x870] =	vst v0  }
0x22: {  	[tilespmem:s10+$0x800] =	vst v0  }
0x23: {  	[tilespmem:s10+$0x810] =	vst v0  }
.Ltmp0:
0x24: {  	[tilespmem:s10+$0x820] =	vst v0;
	(pc) =	sbr.rel @p0 .LBB2_2-.Ltmp0, $4  }
0x25: {  	[tilespmem:s10+$0x830] =	vst v0  }
0x26: {  	[tilespmem:s10+$0x840] =	vst v0  }
0x27: {  	[tilespmem:s10+$0x850] =	vst v0  }
0x28: {  	[tilespmem:s10+$0x860] =	vst v0;
	s10 =	sshra.s32 s11, $0x2;
	s11 =	sadd.s32 $0x200, s11  }
0x29: {  	[tilespmem:s10+$0x870] =	vst v0  }
0x2a: {  	[tilespmem:s10+$0x800] =	vst v0  }
0x2b: {  	[tilespmem:s10+$0x810] =	vst v0  }
0x2c: {  	[tilespmem:s10+$0x820] =	vst v0  }
0x2d: {  	[tilespmem:s10+$0x830] =	vst v0  }
0x2e: {  	[tilespmem:s10+$0x840] =	vst v0  }
0x2f: {  	[tilespmem:s10+$0x850] =	vst v0  }
0x30: {  	[tilespmem:s10+$0x860] =	vst v0  }
0x31: {  	[spmem:s4] =	stream.linear.scatter [tilespmem:s25], [sflag:$0x6], $0x4000, $0x38;
	[tilespmem:$0x18800] =	vst v63  }
0x32: {  	_ =	swait.ge [sflag:s26], $0x4000  }
0x33: {  	[sflag:s26] =	ssyncset.done $0x0  }
0x34: {  	[sflag:s26] =	ssyncadd.s32 $0xFFFFC000  }
0x35: {  	[spmem:s5] =	stream.linear.scatter [tilespmem:s25], [sflag:$0x6], $0x4000, $0x38;
	[tilespmem:$0x18800] =	vst v63  }
0x36: {  	_ =	swait.ge [sflag:s26], $0x4000  }
0x37: {  	[sflag:s26] =	ssyncset.done $0x0  }
0x38: {  	[sflag:s26] =	ssyncadd.s32 $0xFFFFC000  }
0x39: {  	[spmem:s6] =	stream.linear.scatter [tilespmem:s25], [sflag:$0x6], $0x4000, $0x38;
	[tilespmem:$0x18800] =	vst v63  }
0x3a: {  	_ =	swait.ge [sflag:s26], $0x4000  }
0x3b: {  	[sflag:s26] =	ssyncset.done $0x0  }
0x3c: {  	[sflag:s26] =	ssyncadd.s32 $0xFFFFC000  }
0x3d: {  	[spmem:s7] =	stream.linear.scatter [tilespmem:s25], [sflag:$0x6], $0x4000, $0x38;
	[tilespmem:$0x18800] =	vst v63  }
0x3e: {  	_ =	swait.ge [sflag:s26], $0x4000  }
0x3f: {  	[sflag:s26] =	ssyncset.done $0x0  }
0x40: {  	[sflag:s26] =	ssyncadd.s32 $0xFFFFC000  }
0x41: {  	[spmem:s8] =	stream.linear.scatter [tilespmem:s25], [sflag:$0x6], $0x4000, $0x38;
	[tilespmem:$0x18800] =	vst v63  }
0x42: {  	_ =	swait.ge [sflag:s26], $0x4000  }
0x43: {  	[sflag:s26] =	ssyncset.done $0x0  }
0x44: {  	[sflag:s26] =	ssyncadd.s32 $0xFFFFC000  }
0x45: {  	_ =	swait.ge [sflag:s28], $0x480  }
0x46: {  	[sflag:s28] =	ssyncset.done $0x0  }
0x47: {  	[sflag:s28] =	ssyncadd.s32 $0xFFFFFB80  }
0x48: {  	s14 =	simm.s32 $0x0;
	[bflag:$0x0] =	sbarrier.arrive $0xFFFF  }
0x49: {  	[tilespmem:s29], [sflag:$0x4] =	stream.linear.gather [hbm4b:s18+s14], $0x180, $0x38;
	[tilespmem:$0x18800] =	vst v63  }
0x4a: {  	_ = 	snop  }
0x4b: {  	[tilespmem:s14], [sflag:$0x1] =	stream.linear.gather [hbm4b:s19+s14], $0x180, $0x38;
	[tilespmem:$0x18800] =	vst v63  }
0x4c: {  	_ = 	snop  }
0x4d: {  	[tilespmem:s23], [sflag:$0x2] =	stream.linear.gather [hbm4b:s20+s14], $0x180, $0x38;
	[tilespmem:$0x18800] =	vst v63  }
0x4e: {  	_ =	swait.ge [sflag:s30], $0x180  }
0x4f: {  	p1 =	sne.s32 s22, $0x100;
	[sflag:s30] =	ssyncset.done $0x0  }
.Ltmp1:
0x50: {  	s12 =	simm.s32 $0x1;
	[sflag:s30] =	ssyncadd.s32 $0xFFFFFE80;
	(pc) =	sbr.rel @!p1 .LBB2_6-.Ltmp1, $4  }
0x51: {  	[tilespmem:s24], [sflag:$0x3] =	stream.linear.gather [hbm4b:s21+s14], $0x180, $0x38;
	[tilespmem:$0x18800] =	vst v63  }
0x52: {  	_ =	swait.ge [sflag:s12], $0x180  }
0x53: {  	s10 =	simm.s32 $0x100;
	[sflag:s12] =	ssyncset.done $0x0  }
0x54: {  	s11 =	sadd.s32 $0x0, s3;
	p0 =	por $0x0, $0x0;
	[sflag:s12] =	ssyncadd.s32 $0xFFFFFE80  }
0x55: {  	s10 =	sadd.s32 $0x1C0, s11  }
0x56: {  	[tilespmem:s29], [sflag:$0x4] =	stream.linear.gather [hbm4b:s10+s2], $0x180, $0x38;
	[tilespmem:$0x18800] =	vst v63  }
0x57: {  	_ =	swait.ge [sflag:s31], $0x180  }
0x58: {  	[sflag:s31] =	ssyncset.done $0x0  }
0x59: {  	s12 =	sadd.s32 $0x200, s11;
	[sflag:s31] =	ssyncadd.s32 $0xFFFFFE80  }
0x5a: {  	[tilespmem:s2], [sflag:$0x1] =	stream.linear.gather [hbm4b:s12+s2], $0x180, $0x38;
	[tilespmem:$0x18800] =	vst v63  }
0x5b: {  	_ =	swait.ge [sflag:s0], $0x180  }
0x5c: {  	[sflag:s0] =	ssyncset.done $0x0  }
0x5d: {  	s13 =	sadd.s32 $0x240, s11;
	[sflag:s0] =	ssyncadd.s32 $0xFFFFFE80  }
0x5e: {  	[tilespmem:s23], [sflag:$0x2] =	stream.linear.gather [hbm4b:s13+s2], $0x180, $0x38;
	[tilespmem:$0x18800] =	vst v63  }
0x5f: {  	p1 =	sne.s32 s22, $0x200;
	_ =	swait.ge [sflag:s30], $0x180  }
.Ltmp2:
0x60: {  	[sflag:s30] =	ssyncset.done $0x0;
	(pc) =	sbr.rel @!p1 .LBB2_6-.Ltmp2, $4  }
0x61: {  	s14 =	sadd.s32 $0x280, s11;
	[sflag:s30] =	ssyncadd.s32 $0xFFFFFE80  }
0x62: {  	[tilespmem:s24], [sflag:$0x3] =	stream.linear.gather [hbm4b:s14+s2], $0x180, $0x38;
	[tilespmem:$0x18800] =	vst v63  }
0x63: {  	s11 =	sadd.s32 $0x100, s3;
	p0 =	por $0x1, $0x1;
	_ =	swait.ge [sflag:s1], $0x180  }
0x64: {  	s10 =	simm.s32 $0x200;
	s12 =	simm.s32 $0x2;
	[sflag:s1] =	ssyncset.done $0x0  }
.LBB2_5:
0x65: {  	s13 =	sadd.s32 $0x1C0, s11  }
0x66: {  	[sflag:s1] =	ssyncadd.s32 $0xFFFFFE80;
	s14 =	smov.u32 s10;
	s10 =	sadd.s32 $0x100, s10  }
0x67: {  	[tilespmem:s29], [sflag:$0x4] =	stream.linear.gather [hbm4b:s13+s2], $0x180, $0x38;
	[tilespmem:$0x18800] =	vst v63  }
0x68: {  	p1 =	sne.s32 s22, s10;
	_ =	swait.ge [sflag:s31], $0x180  }
0x69: {  	[sflag:s31] =	ssyncset.done $0x0  }
0x6a: {  	s13 =	sadd.s32 $0x200, s11;
	[sflag:s31] =	ssyncadd.s32 $0xFFFFFE80  }
0x6b: {  	[tilespmem:s2], [sflag:$0x1] =	stream.linear.gather [hbm4b:s13+s2], $0x180, $0x38;
	[tilespmem:$0x18800] =	vst v63  }
0x6c: {  	_ =	swait.ge [sflag:s0], $0x180  }
0x6d: {  	[sflag:s0] =	ssyncset.done $0x0  }
0x6e: {  	s13 =	sadd.s32 $0x240, s11;
	[sflag:s0] =	ssyncadd.s32 $0xFFFFFE80  }
0x6f: {  	[tilespmem:s23], [sflag:$0x2] =	stream.linear.gather [hbm4b:s13+s2], $0x180, $0x38;
	[tilespmem:$0x18800] =	vst v63  }
0x70: {  	_ =	swait.ge [sflag:s30], $0x180  }
.Ltmp3:
0x71: {  	[sflag:s30] =	ssyncset.done $0x0;
	(pc) =	sbr.rel @p1 .LBB2_5-.Ltmp3, $4  }
0x72: {  	s11 =	sadd.s32 $0x280, s11;
	[sflag:s30] =	ssyncadd.s32 $0xFFFFFE80  }
0x73: {  	[tilespmem:s24], [sflag:$0x3] =	stream.linear.gather [hbm4b:s11+s2], $0x180, $0x38;
	[tilespmem:$0x18800] =	vst v63  }
0x74: {  	_ =	swait.ge [sflag:s1], $0x180  }
0x75: {  	s12 =	sadd.s32 $0x1, s12;
	s11 =	sadd.s32 s14, s3;
	[sflag:s1] =	ssyncset.done $0x0  }
.LBB2_6:
0x76: {  	s13 =	sadd.s32 $0x1C0, s11;
	[sflag:s1] =	ssyncadd.s32 @p0 $0xFFFFFE80  }
0x77: {  	[tilespmem:s29], [sflag:$0x4] =	stream.linear.gather [hbm4b:s13+s2], $0x180, $0x38;
	[tilespmem:$0x18800] =	vst v63  }
0x78: {  	_ =	swait.ge [sflag:s31], $0x180  }
0x79: {  	[sflag:s31] =	ssyncset.done $0x0  }
0x7a: {  	s14 =	sadd.s32 $0x200, s11;
	[sflag:s31] =	ssyncadd.s32 $0xFFFFFE80  }
0x7b: {  	[tilespmem:s2], [sflag:$0x1] =	stream.linear.gather [hbm4b:s14+s2], $0x180, $0x38;
	[tilespmem:$0x18800] =	vst v63  }
0x7c: {  	_ =	swait.ge [sflag:s0], $0x180  }
0x7d: {  	[sflag:s0] =	ssyncset.done $0x0  }
0x7e: {  	s14 =	sadd.s32 $0x240, s11;
	[sflag:s0] =	ssyncadd.s32 $0xFFFFFE80  }
0x7f: {  	[tilespmem:s23], [sflag:$0x2] =	stream.linear.gather [hbm4b:s14+s2], $0x180, $0x38;
	[tilespmem:$0x18800] =	vst v63  }
0x80: {  	_ =	swait.ge [sflag:s30], $0x180  }
0x81: {  	[sflag:s30] =	ssyncset.done $0x0  }
0x82: {  	s14 =	sadd.s32 $0x280, s11;
	[sflag:s30] =	ssyncadd.s32 $0xFFFFFE80  }
0x83: {  	[tilespmem:s24], [sflag:$0x3] =	stream.linear.gather [hbm4b:s14+s2], $0x180, $0x38;
	[tilespmem:$0x18800] =	vst v63  }
0x84: {  	_ =	swait.ge [sflag:s1], $0x180  }
0x85: {  	s13 =	sadd.s32 s10, s3;
	[sflag:s1] =	ssyncset.done $0x0  }
0x86: {  	s11 =	sadd.s32 $0x1C0, s13;
	[sflag:s1] =	ssyncadd.s32 $0xFFFFFE80  }
0x87: {  	[tilespmem:s29], [sflag:$0x4] =	stream.linear.gather [hbm4b:s11+s2], $0x180, $0x38;
	[tilespmem:$0x18800] =	vst v63  }
0x88: {  	_ =	swait.ge [sflag:s31], $0x180  }
0x89: {  	s12 =	sadd.s32 $0x1, s12;
	s14 =	rddreg [dreg:$0x3]  }
0x8a: {  	p0 =	slt.u32 s12, s14  }
0x8b: {  	[sflag:s31] =	ssyncset.done $0x0;
	s10 =	sadd.s32 @p0 s10, s3  }
0x8c: {  	[sflag:s31] =	ssyncadd.s32 $0xFFFFFE80;
	s12 =	simm.s32 @p0 $0x0;
	s11 =	sadd.s32 @p0 $0x200, s10  }
0x8d: {  	[tilespmem:s12], [sflag:$0x1] =	stream.linear.gather @p0 [hbm4b:s11+s12], $0x180, $0x38;
	[tilespmem:$0x18800] =	vst v63  }
0x8e: {  	s11 =	simm.s32 @p0 $0x3  }
0x8f: {  	_ =	swait.ge @p0 [sflag:s11], $0x180  }
0x90: {  	[sflag:s11] =	ssyncset.done @p0 $0x0  }
0x91: {  	s13 =	simm.s32 @p0 $0x200;
	[sflag:s11] =	ssyncadd.s32 @p0 $0xFFFFFE80;
	s11 =	sadd.s32 @p0 $0x240, s10  }
0x92: {  	[tilespmem:s13], [sflag:$0x2] =	stream.linear.gather @p0 [hbm4b:s11+s12], $0x180, $0x38;
	[tilespmem:$0x18800] =	vst v63  }
0x93: {  	s11 =	simm.s32 @p0 $0x4  }
0x94: {  	_ =	swait.ge @p0 [sflag:s11], $0x180  }
0x95: {  	[sflag:s11] =	ssyncset.done @p0 $0x0  }
0x96: {  	s10 =	sadd.s32 @p0 $0x280, s10;
	[sflag:s11] =	ssyncadd.s32 @p0 $0xFFFFFE80;
	s11 =	simm.s32 @p0 $0x400  }
0x97: {  	[tilespmem:s11], [sflag:$0x3] =	stream.linear.gather @p0 [hbm4b:s10+s12], $0x180, $0x38;
	[tilespmem:$0x18800] =	vst v63  }
0x98: {  	s10 =	simm.s32 @!p0 $0x3  }
0x99: {  	_ =	swait.ge @!p0 [sflag:s10], $0x180  }
0x9a: {  	s11 =	simm.s32 @!p0 $0x4;
	[sflag:s10] =	ssyncset.done @!p0 $0x0  }
0x9b: {  	s11 =	simm.s32 @p0 $0x1;
	[sflag:s10] =	ssyncadd.s32 @!p0 $0xFFFFFE80  }
0x9c: {  	_ =	swait.ge [sflag:s11], $0x180  }
0x9d: {  	[sflag:s11] =	ssyncset.done $0x0  }
0x9e: {  	s12 =	stileid.u32;
	[sflag:s11] =	ssyncadd.s32 $0xFFFFFE80  }
0x9f: {  	s10 =	sshll.u32 s12, $0x6;
	[bflag:$0x0] =	sbarrier.arrive $0xFFFF  }
0xa0: {  	s13 =	sshrl.u32 s4, $0x3;
	s10 =	sor.u32 $0x1C05, s10;
	s14 =	rddreg [dreg:$0x4]  }
0xa1: {  	[hbm:s14], [sflag:s10] =	dma.local [spmem:s13], $0x800  }
0xa2: {  	s13 =	sshrl.u32 s5, $0x3;
	s12 =	rddreg [dreg:$0x5]  }
0xa3: {  	[hbm:s12], [sflag:s10] =	dma.local [spmem:s13], $0x800  }
0xa4: {  	s14 =	sshrl.u32 s6, $0x3;
	s12 =	rddreg [dreg:$0x6]  }
0xa5: {  	[hbm:s12], [sflag:s10] =	dma.local [spmem:s14], $0x800  }
0xa6: {  	s13 =	sshrl.u32 s7, $0x3;
	s12 =	rddreg [dreg:$0x7]  }
0xa7: {  	[hbm:s12], [sflag:s10] =	dma.local [spmem:s13], $0x800  }
0xa8: {  	s14 =	sshrl.u32 s8, $0x3;
	s12 =	rddreg [dreg:$0x8]  }
0xa9: {  	[hbm:s12], [sflag:s10] =	dma.local [spmem:s14], $0x800  }
0xaa: {  	_ =	swait.ge [sflag:s28], $0x800  }
0xab: {  	[sflag:s28] =	ssyncset.done $0x0  }
0xac: {  	[sflag:s28] =	ssyncadd.s32 $0xFFFFF800  }
0xad: {  	_ =	swait.ge [sflag:s28], $0x800  }
0xae: {  	[sflag:s28] =	ssyncset.done $0x0  }
0xaf: {  	[sflag:s28] =	ssyncadd.s32 $0xFFFFF800  }
0xb0: {  	_ =	swait.ge [sflag:s28], $0x800  }
0xb1: {  	[sflag:s28] =	ssyncset.done $0x0  }
0xb2: {  	s9 =	sadd.s32 $0x1, s9;
	[sflag:s28] =	ssyncadd.s32 $0xFFFFF800  }
0xb3: {  	p0 =	sne.s32 s9, s15;
	_ =	swait.ge [sflag:s28], $0x800  }
.Ltmp4:
0xb4: {  	[sflag:s28] =	ssyncset.done $0x0;
	(pc) =	sbr.rel @p0 .LBB2_1-.Ltmp4, $4  }
0xb5: {  	[sflag:s28] =	ssyncadd.s32 $0xFFFFF800  }
0xb6: {  	_ =	swait.ge [sflag:s28], $0x800  }
0xb7: {  	[sflag:s28] =	ssyncset.done $0x0  }
0xb8: {  	[sflag:s28] =	ssyncadd.s32 $0xFFFFF800  }
0xb9: {  	_ =	sfence.sel $0x180000  }
0xba: {  	[bflag:$0x0] =	sbarrier.arrive $0xFFFF  }
0xbb: {  	_ =	strace $0x9000004A  }
0xbc: {  	s0 =	stileid.u32;
	[bflag:$0x2] =	sbarrier.arrive $0xFFFF  }
0xbd: {  	p0 =	sne.s32 s0, $0x0;
	s0 =	rddreg [dreg:$0x2]  }
0xbe: {  	s0 =	sadd.s32 @!p0 $0x100000, s0  }
0xbf: {  	[sflag:s0] =	ssyncadd.tile.s32 @!p0 $0x1;
	_ =	shalt  }
.Lfunc_end2:
_tile_overlayer_lowered:
.L_overlay_start_2:
0xc0: {  	(tag) =	ssettag $0x2  }
0xc1: {  	s0 =	rddreg [dreg:$0x0];
	s2 =	stileid.u32  }
0xc2: {  	s1 =	rddreg [dreg:$0x1];
	p0 =	sne.s32 s2, $0x0  }
0xc3: {  	s3 =	rddreg [dreg:$0x2];
	[bflag:$0x3] =	sbarrier.arrive $0xFFFF;
	s2 =	simm.s32 @!p0 $0x1C06  }
0xc4: {  	[timem:s3], [sflag:s2] =	dma.local @!p0 [hbm:s0], s1  }
0xc5: {  	s0 =	simm.s32 @!p0 $0x6  }
0xc6: {  	_ =	swait.ge @!p0 [sflag:s0], s1  }
0xc7: {  	s1 =	ssub.s32 @!p0 $0x0, s1;
	[sflag:s0] =	ssyncset.done @!p0 $0x0  }
0xc8: {  	[sflag:s0] =	ssyncadd.s32 @!p0 s1  }
0xc9: {  	[bflag:$0x3] =	sbarrier.arrive $0xFFFF  }
0xca: {  	_ =	shalt  }

// kernel: kernel.14.cloned.1.call-start
scs
__scs_entry_jumppad:
0x0: {  	(pc) =	sbr.rel $0x88, $3  }
0x1: {  	(tag) =	ssettag $0x0;
	lr =	simm.s32 $0x1  }
0x2: {  	[smem:$0x3F9A] =	sst lr;
	_ =	strace $0xD0000000  }
0x3: {  	_ = 	snop  }
0x4: {  	_ = 	snop  }
0x5: {  	_ = 	snop  }
0x6: {  	_ = 	snop  }
0x7: {  	_ = 	snop  }
__scs_overlays_trampoline_lowered:
0x8: {  	[smem:$0x3FA9] =	sst s0  }
0x9: {  	[smem:$0x3FAA] =	sst s1  }
0xa: {  	[smem:$0x3FAB] =	sst s2  }
0xb: {  	[smem:$0x3FAC] =	sst s3  }
0xc: {  	[smem:$0x3FAD] =	sst s4  }
0xd: {  	[smem:$0x3FAE] =	sst s5  }
0xe: {  	[smem:$0x3FAF] =	sst s6  }
0xf: {  	[smem:$0x3FB0] =	sst s7  }
0x10: {  	[smem:$0x3FB1] =	sst s8  }
0x11: {  	[smem:$0x3FB2] =	sst s9;
	s0 =	simm.s32 @!p0 $0x0  }
0x12: {  	s1 =	sld [smem:$0x3F98];
	s0 =	simm.s32 @p0 $0x1  }
0x13: {  	[smem:$0x3FB3] =	sst s0;
	s0 =	simm.s32 @!p1 $0x0  }
0x14: {  	s2 =	sld [smem:$0x3F97];
	s0 =	simm.s32 @p1 $0x1  }
0x15: {  	[smem:$0x3FB4] =	sst s0;
	s0 =	simm.s32 @!p2 $0x0  }
0x16: {  	s3 =	sld [smem:$0x3FDB];
	s0 =	simm.s32 @p2 $0x1  }
0x17: {  	s4 =	simm.s32 $0x1BF5;
	[smem:$0x3FB6] =	sst s0  }
0x18: {  	s0 =	sld [smem:$0x3F99];
	_ =	swait.ge [sflag:s4], $0x0  }
0x19: {  	s7 =	sld [smem:$0x3F9A]  }
0x1a: {  	s8 =	sadd.s32 $0xFFFFE003, lr  }
0x1b: {  	s9 =	sadd.s32 $0xFFFFFEF7, lr;
	s5 =	simm.s32 $0xFFFFFFFF;
	p2 =	slt.u32 s8, $0xFFFFF086  }
0x1c: {  	p1 =	slt.u32 s9, $0xF7A;
	s5 =	simm.s32 @!p2 $0x0  }
0x1d: {  	s5 =	simm.s32 @p1 $0x1;
	p0 =	seq.s32 s7, s2  }
0x1e: {  	s7 =	smul.u32 @!p0 $0xF7A, s2;
	p2 =	seq.s32 @!p0 s5, $0x0  }
0x1f: {  	s9 =	smul.u32 $0xF7A, s1;
	s8 =	simm.s32 @!p0 $0x1BF5;
	p2 =	por !p2, p0  }
0x20: {  	[sflag:s8] =	ssyncset.s32 @!p0 $0xFFFFF086;
	s6 =	sadd.s32 @!p0 s3, s7;
	s7 =	simm.s32 @!p0 $0x108  }
0x21: {  	s3 =	sadd.s32 s3, s9;
	s6 =	sadd.s32 @!p0 $0x88, s6;
	s7 =	simm.s32 @p2 $0x1082  }
0x22: {  	[simem:s7], [sflag:s8] =	dma.local @!p0 [hbm:s6], $0xF7A  }
0x23: {  	s9 =	sor.u32 $0xD0000000, s2;
	s6 =	simm.s32 $0x108;
	_ =	swait.ge @!p0 [sflag:s8], $0x0  }
0x24: {  	s3 =	sadd.s32 $0x88, s3;
	s6 =	simm.s32 @!p1 $0x1082;
	[sflag:s4] =	ssyncset.s32 $0xFFFFF086  }
0x25: {  	[simem:s6], [sflag:s4] =	dma.local [hbm:s3], $0xF7A  }
0x26: {  	[smem:$0x3F9A] =	sst s1;
	(tag) =	ssettag s2;
	_ =	strace s9  }
0x27: {  	s1 =	sld [smem:$0x3FAA]  }
0x28: {  	s2 =	sld [smem:$0x3FAB]  }
0x29: {  	s4 =	sld [smem:$0x3FAD]  }
0x2a: {  	p0 =	seq.s32 s5, $0x0;
	s5 =	sld [smem:$0x3FAE]  }
0x2b: {  	s6 =	sld [smem:$0x3FAF]  }
0x2c: {  	s7 =	sld [smem:$0x3FB0]  }
0x2d: {  	s3 =	simm.s32 $0x108;
	s8 =	sld [smem:$0x3FB1]  }
0x2e: {  	s3 =	simm.s32 @!p0 $0x1082;
	s9 =	sld [smem:$0x3FB2]  }
0x2f: {  	lr =	sadd.s32 s0, s3;
	s0 =	sld [smem:$0x3FA9]  }
0x30: {  	s3 =	sld [smem:$0x3FAC]  }
0x31: {  	[smem:$0x3FB5] =	sst s10  }
0x32: {  	s10 =	sld [smem:$0x3FB3];
	_ =	sdelay $0x3  }
0x33: {  	p0 =	seq.s32 s10, $0x1;
	s10 =	sld [smem:$0x3FB5];
	_ =	sdelay $0x3  }
0x34: {  	[smem:$0x3FB5] =	sst s10  }
0x35: {  	s10 =	sld [smem:$0x3FB4];
	_ =	sdelay $0x3  }
0x36: {  	p1 =	seq.s32 s10, $0x1;
	s10 =	sld [smem:$0x3FB5];
	_ =	sdelay $0x3  }
0x37: {  	[smem:$0x3FB5] =	sst s10  }
0x38: {  	s10 =	sld [smem:$0x3FB6]  }
0x39: {  	_ = 	snop;
	(pc) =	sbr.ind lr, $3  }
0x3a: {  	_ = 	snop  }
0x3b: {  	_ = 	snop  }
0x3c: {  	p2 =	seq.s32 s10, $0x1;
	s10 =	sld [smem:$0x3FB5]  }
0x3d: {  	_ =	shalt  }
0x3e: {  	_ =	shalt  }
0x3f: {  	_ =	shalt  }
0x40: {  	_ =	shalt  }
0x41: {  	_ =	shalt  }
0x42: {  	_ =	shalt  }
0x43: {  	_ =	shalt  }
0x44: {  	_ =	shalt  }
0x45: {  	_ =	shalt  }
0x46: {  	_ =	shalt  }
0x47: {  	_ =	shalt  }
0x48: {  	_ =	shalt  }
0x49: {  	_ =	shalt  }
0x4a: {  	_ =	shalt  }
0x4b: {  	_ =	shalt  }
0x4c: {  	_ =	shalt  }
0x4d: {  	_ =	shalt  }
0x4e: {  	_ =	shalt  }
0x4f: {  	_ =	shalt  }
0x50: {  	_ =	shalt  }
0x51: {  	_ =	shalt  }
0x52: {  	_ =	shalt  }
0x53: {  	_ =	shalt  }
0x54: {  	_ =	shalt  }
0x55: {  	_ =	shalt  }
0x56: {  	_ =	shalt  }
0x57: {  	_ =	shalt  }
0x58: {  	_ =	shalt  }
0x59: {  	_ =	shalt  }
0x5a: {  	_ =	shalt  }
0x5b: {  	_ =	shalt  }
0x5c: {  	_ =	shalt  }
0x5d: {  	_ =	shalt  }
0x5e: {  	_ =	shalt  }
0x5f: {  	_ =	shalt  }
0x60: {  	_ =	shalt  }
0x61: {  	_ =	shalt  }
0x62: {  	_ =	shalt  }
0x63: {  	_ =	shalt  }
0x64: {  	_ =	shalt  }
0x65: {  	_ =	shalt  }
0x66: {  	_ =	shalt  }
0x67: {  	_ =	shalt  }
0x68: {  	_ =	shalt  }
0x69: {  	_ =	shalt  }
0x6a: {  	_ =	shalt  }
0x6b: {  	_ =	shalt  }
0x6c: {  	_ =	shalt  }
0x6d: {  	_ =	shalt  }
0x6e: {  	_ =	shalt  }
0x6f: {  	_ =	shalt  }
0x70: {  	_ =	shalt  }
0x71: {  	_ =	shalt  }
0x72: {  	_ =	shalt  }
0x73: {  	_ =	shalt  }
0x74: {  	_ =	shalt  }
0x75: {  	_ =	shalt  }
0x76: {  	_ =	shalt  }
0x77: {  	_ =	shalt  }
0x78: {  	_ =	shalt  }
0x79: {  	_ =	shalt  }
0x7a: {  	_ =	shalt  }
0x7b: {  	_ =	shalt  }
0x7c: {  	_ =	shalt  }
0x7d: {  	_ =	shalt  }
0x7e: {  	_ =	shalt  }
0x7f: {  	_ =	shalt  }
0x80: {  	_ =	shalt  }
0x81: {  	_ =	shalt  }
0x82: {  	_ =	shalt  }
0x83: {  	_ =	shalt  }
0x84: {  	_ =	shalt  }
0x85: {  	_ =	shalt  }
0x86: {  	_ =	shalt  }
0x87: {  	_ =	shalt  }
.Lfunc_end0:
.L_simem_size_0:
called_computation.2_lowered:
.L_overlay_start_0:
0x88: {  	s2 =	sld [smem:$0x3FD9]  }
0x89: {  	s3 =	sld [smem:$0x3FFE];
	_ =	sdelay $0x1  }
0x8a: {  	s1 =	srdreg.scid  }
0x8b: {  	s0 =	sand.u32 $0x1, s1  }
0x8c: {  	s16 =	sshll.u32 s0, $0xA;
	s2 =	sadd.s32 s3, s2  }
0x8d: {  	s2 =	sadd.s32 s2, s16  }
0x8e: {  	[smem:$0x3FC1] =	sst s2  }
0x8f: {  	_ = 	snop  }
0x90: {  	(tm) =	ssettm $0x1  }
0x91: {  	s17 =	sld [smem:$0x3FFB];
	_ =	sdelay $0x3  }
0x92: {  	_ =	strace s17  }
0x93: {  	s2 =	sld [smem:$0x3FFC];
	_ =	sdelay $0x3  }
0x94: {  	_ =	strace s2  }
0x95: {  	s2 =	sld [smem:$0x3FFD];
	_ =	sdelay $0x3  }
0x96: {  	_ =	strace s2  }
0x97: {  	_ =	strace $0x8FFFFFFF  }
0x98: {  	s18 =	sld [smem:$0x3FDB];
	_ =	sdelay $0x1  }
0x99: {  	s19 =	simm.s32 $_scs_section_size  }
0x9a: {  	s4 =	simm.s32 $_size__tile_overlayer_lowered;
	s5 =	simm.s32 $_tile_overlayer_lowered  }
0x9b: {  	s22 =	simm.s32 $0x1BFF;
	s21 =	sshll.u32 s5, $0x1;
	s2 =	sadd.s32 s19, s18  }
0x9c: {  	s6 =	simm.s32 $0x0;
	s20 =	sshll.u32 s4, $0x1;
	s4 =	sadd.s32 s21, s2  }
0x9d: {  	[timem:s6], [sflag:s22] =	dma.local [hbm:s4], s20  }
0x9e: {  	_ =	swait.ge [sflag:s22], s20  }
0x9f: {  	s3 =	ssub.s32 $0x0, s20;
	[sflag:s22] =	ssyncset.done $0x0  }
0xa0: {  	[sflag:s22] =	ssyncadd.s32 s3;
	_ =	sdelay $0x1  }
0xa1: {  	s23 =	simm.s32 $0x1B8B  }
0xa2: {  	_ =	swait.ge [sflag:s23], $0x1  }
0xa3: {  	[sflag:s23] =	ssyncset.done $0x0  }
0xa4: {  	s25 =	simm.s32 $0x1B8E;
	s24 =	sld [smem:$0x3FFE];
	[sflag:s23] =	ssyncadd.s32 $0xFFFFFFFF  }
0xa5: {  	s26 =	simm.s32 $execute0_lowered;
	[smem:$0x3FD2] =	sst s25  }
0xa6: {  	s4 =	sshll.u32 s26, $0x1;
	_ =	strace $0x8000004C;
	[dreg:$0x1] =	wrdreg $0xFFFFFFFF  }
0xa7: {  	s28 =	simm.s32 $_size_execute0_lowered;
	s2 =	sadd.s32 s2, s4;
	[dreg:$0x0] =	wrdreg $0x0  }
0xa8: {  	s4 =	sshll.u32 s28, $0x1;
	[dreg:$0x2] =	wrdreg s2  }
0xa9: {  	[dreg:$0x3] =	wrdreg s4  }
0xaa: {  	[dreg:$0x4] =	wrdreg $0xC0  }
0xab: {  	_ =	task [dreg:s6], $0x5FFFF  }
0xac: {  	[dreg:$0x1] =	wrdreg $0xFFFFFFFF  }
0xad: {  	[dreg:$0x0] =	wrdreg $0x60  }
0xae: {  	[dreg:$0x2] =	wrdreg s24  }
0xaf: {  	[dreg:$0x3] =	wrdreg $0x48000  }
0xb0: {  	[dreg:$0x4] =	wrdreg $0x9  }
0xb1: {  	_ =	task.clear_ibuf [dreg:s6], $0x5FFFF;
	_ =	strace $0x9000004C  }
0xb2: {  	s29 =	simm.s32 $0x9;
	_ =	strace $0x8000004E  }
0xb3: {  	_ =	swait.ge [sflag:s29], $0x1  }
0xb4: {  	[sflag:s29] =	ssyncadd.s32 $0xFFFFFFFF  }
0xb5: {  	_ =	strace $0x9000004E  }
0xb6: {  	_ =	sfence  }
0xb7: {  	s30 =	sld [smem:$0x0];
	_ =	sdelay $0x2  }
0xb8: {  	s31 =	sshll.u32 s1, $0xD;
	s1 =	sshrl.u32 s1, $0x2  }
0xb9: {  	s3 =	sand.u32 $0x4000, s31;
	s1 =	sadd.s32 s1, s30  }
0xba: {  	s0 =	sor.u32 s3, s0;
	s1 =	sshll.u32 s1, $0x11  }
0xbb: {  	s0 =	sor.u32 s1, s0  }
0xbc: {  	s0 =	sadd.s32 $0x8F2B, s0  }
0xbd: {  	[sflag:s0] =	ssyncadd.remote.s32 $0x1  }
0xbe: {  	_ =	sfence.sel $0xFFFF  }
0xbf: {  	[dreg:$0x0] =	wrdreg $0xFFFFFFFF;
	(pc) =	sbr.abs _section_cstart, $3  }
0xc0: {  	[dreg:$0x1] =	wrdreg $0xFFFFFFFF  }
0xc1: {  	_ =	task.clear_ibuf [dreg:s6], $0x2FFFF;
	_ =	strace $0x9FFFFFFF  }
0xc2: {  	(tm) =	ssettm $0x7FFFFFFF  }
0xc3: {  	_ =	shalt  }
tec
execute0_lowered:
.L_overlay_start_1:
0x0: {  	(tag) =	ssettag $0x1  }
0x1: {  	s0 =	rddreg [dreg:$0x0]  }
0x2: {  	s1 =	rddreg [dreg:$0x1]  }
0x3: {  	s2 =	simm.s32 $0x0;
	s3 =	srdreg.scid;
	s8 =	stileid.u32  }
0x4: {  	s11 =	simm.s32 $0x24;
	s28 =	simm.s32 $0x5;
	s29 =	simm.s32 $0x600  }
0x5: {  	s30 =	simm.s32 $0x4;
	s5 =	sand.u32 $0x1, s3;
	s3 =	smul.u32 $0x90, s8  }
0x6: {  	s31 =	simm.s32 $0x2;
	s4 =	sshll.u32 s8, $0x4;
	s7 =	smul.u32 $0x50000, s8  }
0x7: {  	[smem:$0x7FF] =	sst s2;
	s8 =	smul.u32 $0x14000, s8;
	p0 =	seq.s32 s5, $0x0  }
0x8: {  	s4 =	sor.u32 $0x900, s4;
	_ =	strace $0x8000004D;
	s17 =	ssub.s32 $0x2, s5  }
0x9: {  	s14 =	smul.u32 $0x140000, s5;
	s4 =	smov.u32 @p0 s3;
	s6 =	sshrl.u32 s17, $0x1  }
0xa: {  	s18 =	sshrl.u32 s7, $0x2;
	s11 =	simm.s32 @!p0 $0x4;
	s12 =	sadd.s32 $0x4000, s8  }
0xb: {  	s13 =	sadd.s32 $0x8000, s8;
	s15 =	sadd.s32 $0xC000, s8;
	s16 =	sadd.s32 $0x10000, s8  }
0xc: {  	s4 =	sshll.u32 s4, $0x6;
	s10 =	ssub.s32 s17, s6;
	s5 =	sadd.s32 s12, s1  }
0xd: {  	s6 =	sadd.s32 s13, s1;
	s7 =	sadd.s32 s15, s1;
	s17 =	sadd.s32 s8, s14  }
0xe: {  	s8 =	sadd.s32 s16, s1;
	s12 =	sadd.s32 s14, s12;
	s20 =	sadd.s32 $0xFFFFFFFF, s11  }
0xf: {  	s22 =	sadd.s32 s14, s13;
	s23 =	sadd.s32 s14, s15;
	s14 =	sadd.s32 s14, s16  }
0x10: {  	s26 =	sshll.u32 s11, $0x8;
	s9 =	sadd.s32 s4, s0;
	s0 =	sadd.s32 $0x5D000, s0  }
0x11: {  	s4 =	sadd.s32 s18, s1;
	s19 =	sshrl.u32 s17, $0x3;
	[dreg:$0x3] =	wrdreg s20  }
0x12: {  	s21 =	sshrl.u32 s12, $0x3;
	s12 =	sshrl.u32 s23, $0x3;
	s25 =	sshrl.u32 s14, $0x3  }
0x13: {  	s15 =	smax.u32 s10, $0x1;
	s23 =	simm.s32 $0x200;
	s3 =	sadd.s32 $0xD000, s9  }
0x14: {  	s1 =	sadd.s32 s0, s19;
	s24 =	sadd.s32 s0, s12;
	s16 =	sadd.s32 $0xD040, s9  }
0x15: {  	s17 =	sadd.s32 $0xD080, s9;
	s18 =	sadd.s32 $0xD0C0, s9;
	s19 =	sadd.s32 $0xD100, s9  }
0x16: {  	s20 =	sadd.s32 $0xD140, s9;
	[dreg:$0x4] =	wrdreg s1;
	s1 =	sadd.s32 s0, s21  }
0x17: {  	[dreg:$0x7] =	wrdreg s24;
	s21 =	sadd.s32 $0xD180, s9;
	s24 =	simm.s32 $0x400  }
0x18: {  	s9 =	simm.s32 $0x0;
	[dreg:$0x5] =	wrdreg s1;
	s1 =	sshrl.u32 s22, $0x3  }
0x19: {  	s22 =	sadd.s32 $0xFFFFFE00, s26;
	s26 =	simm.s32 $0x6;
	s1 =	sadd.s32 s0, s1  }
0x1a: {  	s0 =	sadd.s32 s0, s25;
	s25 =	simm.s32 $0x800;
	[dreg:$0x6] =	wrdreg s1  }
0x1b: {  	v0 =	vimm.f32 $0.0e+00;
	[dreg:$0x8] =	wrdreg s0;
	s0 =	simm.s32 $0x3;
	s1 =	simm.s32 $0x1  }
.LBB2_1:
0x1c: {  	[tilespmem:s2], [sflag:$0x5] =	stream.linear.gather [hbm4b:s3+s2], $0x180, $0x38;
	[tilespmem:$0x18800] =	vst v63  }
0x1d: {  	_ = 	snop  }
0x1e: {  	[tilespmem:s23], [sflag:$0x5] =	stream.linear.gather [hbm4b:s16+s2], $0x180, $0x38;
	[tilespmem:$0x18800] =	vst v63  }
0x1f: {  	s10 =	simm.s32 $0x0;
	s11 =	simm.s32 $0x200  }
0x20: {  	[tilespmem:s24], [sflag:$0x5] =	stream.linear.gather [hbm4b:s17+s2], $0x180, $0x38;
	[tilespmem:$0x18800] =	vst v63  }
.LBB2_2:
0x21: {  	p0 =	sne.s32 s11, $0xFE00;
	[tilespmem:s10+$0x870] =	vst v0  }
0x22: {  	[tilespmem:s10+$0x800] =	vst v0  }
0x23: {  	[tilespmem:s10+$0x810] =	vst v0  }
.Ltmp0:
0x24: {  	[tilespmem:s10+$0x820] =	vst v0;
	(pc) =	sbr.rel @p0 .LBB2_2-.Ltmp0, $4  }
0x25: {  	[tilespmem:s10+$0x830] =	vst v0  }
0x26: {  	[tilespmem:s10+$0x840] =	vst v0  }
0x27: {  	[tilespmem:s10+$0x850] =	vst v0  }
0x28: {  	[tilespmem:s10+$0x860] =	vst v0;
	s10 =	sshra.s32 s11, $0x2;
	s11 =	sadd.s32 $0x200, s11  }
0x29: {  	[tilespmem:s10+$0x870] =	vst v0  }
0x2a: {  	[tilespmem:s10+$0x800] =	vst v0  }
0x2b: {  	[tilespmem:s10+$0x810] =	vst v0  }
0x2c: {  	[tilespmem:s10+$0x820] =	vst v0  }
0x2d: {  	[tilespmem:s10+$0x830] =	vst v0  }
0x2e: {  	[tilespmem:s10+$0x840] =	vst v0  }
0x2f: {  	[tilespmem:s10+$0x850] =	vst v0  }
0x30: {  	[tilespmem:s10+$0x860] =	vst v0  }
0x31: {  	[spmem:s4] =	stream.linear.scatter [tilespmem:s25], [sflag:$0x6], $0x4000, $0x38;
	[tilespmem:$0x18800] =	vst v63  }
0x32: {  	_ =	swait.ge [sflag:s26], $0x4000  }
0x33: {  	[sflag:s26] =	ssyncset.done $0x0  }
0x34: {  	[sflag:s26] =	ssyncadd.s32 $0xFFFFC000  }
0x35: {  	[spmem:s5] =	stream.linear.scatter [tilespmem:s25], [sflag:$0x6], $0x4000, $0x38;
	[tilespmem:$0x18800] =	vst v63  }
0x36: {  	_ =	swait.ge [sflag:s26], $0x4000  }
0x37: {  	[sflag:s26] =	ssyncset.done $0x0  }
0x38: {  	[sflag:s26] =	ssyncadd.s32 $0xFFFFC000  }
0x39: {  	[spmem:s6] =	stream.linear.scatter [tilespmem:s25], [sflag:$0x6], $0x4000, $0x38;
	[tilespmem:$0x18800] =	vst v63  }
0x3a: {  	_ =	swait.ge [sflag:s26], $0x4000  }
0x3b: {  	[sflag:s26] =	ssyncset.done $0x0  }
0x3c: {  	[sflag:s26] =	ssyncadd.s32 $0xFFFFC000  }
0x3d: {  	[spmem:s7] =	stream.linear.scatter [tilespmem:s25], [sflag:$0x6], $0x4000, $0x38;
	[tilespmem:$0x18800] =	vst v63  }
0x3e: {  	_ =	swait.ge [sflag:s26], $0x4000  }
0x3f: {  	[sflag:s26] =	ssyncset.done $0x0  }
0x40: {  	[sflag:s26] =	ssyncadd.s32 $0xFFFFC000  }
0x41: {  	[spmem:s8] =	stream.linear.scatter [tilespmem:s25], [sflag:$0x6], $0x4000, $0x38;
	[tilespmem:$0x18800] =	vst v63  }
0x42: {  	_ =	swait.ge [sflag:s26], $0x4000  }
0x43: {  	[sflag:s26] =	ssyncset.done $0x0  }
0x44: {  	[sflag:s26] =	ssyncadd.s32 $0xFFFFC000  }
0x45: {  	_ =	swait.ge [sflag:s28], $0x480  }
0x46: {  	[sflag:s28] =	ssyncset.done $0x0  }
0x47: {  	[sflag:s28] =	ssyncadd.s32 $0xFFFFFB80  }
0x48: {  	s14 =	simm.s32 $0x0;
	[bflag:$0x0] =	sbarrier.arrive $0xFFFF  }
0x49: {  	[tilespmem:s29], [sflag:$0x4] =	stream.linear.gather [hbm4b:s18+s14], $0x180, $0x38;
	[tilespmem:$0x18800] =	vst v63  }
0x4a: {  	_ = 	snop  }
0x4b: {  	[tilespmem:s14], [sflag:$0x1] =	stream.linear.gather [hbm4b:s19+s14], $0x180, $0x38;
	[tilespmem:$0x18800] =	vst v63  }
0x4c: {  	_ = 	snop  }
0x4d: {  	[tilespmem:s23], [sflag:$0x2] =	stream.linear.gather [hbm4b:s20+s14], $0x180, $0x38;
	[tilespmem:$0x18800] =	vst v63  }
0x4e: {  	_ =	swait.ge [sflag:s30], $0x180  }
0x4f: {  	p1 =	sne.s32 s22, $0x100;
	[sflag:s30] =	ssyncset.done $0x0  }
.Ltmp1:
0x50: {  	s12 =	simm.s32 $0x1;
	[sflag:s30] =	ssyncadd.s32 $0xFFFFFE80;
	(pc) =	sbr.rel @!p1 .LBB2_6-.Ltmp1, $4  }
0x51: {  	[tilespmem:s24], [sflag:$0x3] =	stream.linear.gather [hbm4b:s21+s14], $0x180, $0x38;
	[tilespmem:$0x18800] =	vst v63  }
0x52: {  	_ =	swait.ge [sflag:s12], $0x180  }
0x53: {  	s10 =	simm.s32 $0x100;
	[sflag:s12] =	ssyncset.done $0x0  }
0x54: {  	s11 =	sadd.s32 $0x0, s3;
	p0 =	por $0x0, $0x0;
	[sflag:s12] =	ssyncadd.s32 $0xFFFFFE80  }
0x55: {  	s10 =	sadd.s32 $0x1C0, s11  }
0x56: {  	[tilespmem:s29], [sflag:$0x4] =	stream.linear.gather [hbm4b:s10+s2], $0x180, $0x38;
	[tilespmem:$0x18800] =	vst v63  }
0x57: {  	_ =	swait.ge [sflag:s31], $0x180  }
0x58: {  	[sflag:s31] =	ssyncset.done $0x0  }
0x59: {  	s12 =	sadd.s32 $0x200, s11;
	[sflag:s31] =	ssyncadd.s32 $0xFFFFFE80  }
0x5a: {  	[tilespmem:s2], [sflag:$0x1] =	stream.linear.gather [hbm4b:s12+s2], $0x180, $0x38;
	[tilespmem:$0x18800] =	vst v63  }
0x5b: {  	_ =	swait.ge [sflag:s0], $0x180  }
0x5c: {  	[sflag:s0] =	ssyncset.done $0x0  }
0x5d: {  	s13 =	sadd.s32 $0x240, s11;
	[sflag:s0] =	ssyncadd.s32 $0xFFFFFE80  }
0x5e: {  	[tilespmem:s23], [sflag:$0x2] =	stream.linear.gather [hbm4b:s13+s2], $0x180, $0x38;
	[tilespmem:$0x18800] =	vst v63  }
0x5f: {  	p1 =	sne.s32 s22, $0x200;
	_ =	swait.ge [sflag:s30], $0x180  }
.Ltmp2:
0x60: {  	[sflag:s30] =	ssyncset.done $0x0;
	(pc) =	sbr.rel @!p1 .LBB2_6-.Ltmp2, $4  }
0x61: {  	s14 =	sadd.s32 $0x280, s11;
	[sflag:s30] =	ssyncadd.s32 $0xFFFFFE80  }
0x62: {  	[tilespmem:s24], [sflag:$0x3] =	stream.linear.gather [hbm4b:s14+s2], $0x180, $0x38;
	[tilespmem:$0x18800] =	vst v63  }
0x63: {  	s11 =	sadd.s32 $0x100, s3;
	p0 =	por $0x1, $0x1;
	_ =	swait.ge [sflag:s1], $0x180  }
0x64: {  	s10 =	simm.s32 $0x200;
	s12 =	simm.s32 $0x2;
	[sflag:s1] =	ssyncset.done $0x0  }
.LBB2_5:
0x65: {  	s13 =	sadd.s32 $0x1C0, s11  }
0x66: {  	[sflag:s1] =	ssyncadd.s32 $0xFFFFFE80;
	s14 =	smov.u32 s10;
	s10 =	sadd.s32 $0x100, s10  }
0x67: {  	[tilespmem:s29], [sflag:$0x4] =	stream.linear.gather [hbm4b:s13+s2], $0x180, $0x38;
	[tilespmem:$0x18800] =	vst v63  }
0x68: {  	p1 =	sne.s32 s22, s10;
	_ =	swait.ge [sflag:s31], $0x180  }
0x69: {  	[sflag:s31] =	ssyncset.done $0x0  }
0x6a: {  	s13 =	sadd.s32 $0x200, s11;
	[sflag:s31] =	ssyncadd.s32 $0xFFFFFE80  }
0x6b: {  	[tilespmem:s2], [sflag:$0x1] =	stream.linear.gather [hbm4b:s13+s2], $0x180, $0x38;
	[tilespmem:$0x18800] =	vst v63  }
0x6c: {  	_ =	swait.ge [sflag:s0], $0x180  }
0x6d: {  	[sflag:s0] =	ssyncset.done $0x0  }
0x6e: {  	s13 =	sadd.s32 $0x240, s11;
	[sflag:s0] =	ssyncadd.s32 $0xFFFFFE80  }
0x6f: {  	[tilespmem:s23], [sflag:$0x2] =	stream.linear.gather [hbm4b:s13+s2], $0x180, $0x38;
	[tilespmem:$0x18800] =	vst v63  }
0x70: {  	_ =	swait.ge [sflag:s30], $0x180  }
.Ltmp3:
0x71: {  	[sflag:s30] =	ssyncset.done $0x0;
	(pc) =	sbr.rel @p1 .LBB2_5-.Ltmp3, $4  }
0x72: {  	s11 =	sadd.s32 $0x280, s11;
	[sflag:s30] =	ssyncadd.s32 $0xFFFFFE80  }
0x73: {  	[tilespmem:s24], [sflag:$0x3] =	stream.linear.gather [hbm4b:s11+s2], $0x180, $0x38;
	[tilespmem:$0x18800] =	vst v63  }
0x74: {  	_ =	swait.ge [sflag:s1], $0x180  }
0x75: {  	s12 =	sadd.s32 $0x1, s12;
	s11 =	sadd.s32 s14, s3;
	[sflag:s1] =	ssyncset.done $0x0  }
.LBB2_6:
0x76: {  	s13 =	sadd.s32 $0x1C0, s11;
	[sflag:s1] =	ssyncadd.s32 @p0 $0xFFFFFE80  }
0x77: {  	[tilespmem:s29], [sflag:$0x4] =	stream.linear.gather [hbm4b:s13+s2], $0x180, $0x38;
	[tilespmem:$0x18800] =	vst v63  }
0x78: {  	_ =	swait.ge [sflag:s31], $0x180  }
0x79: {  	[sflag:s31] =	ssyncset.done $0x0  }
0x7a: {  	s14 =	sadd.s32 $0x200, s11;
	[sflag:s31] =	ssyncadd.s32 $0xFFFFFE80  }
0x7b: {  	[tilespmem:s2], [sflag:$0x1] =	stream.linear.gather [hbm4b:s14+s2], $0x180, $0x38;
	[tilespmem:$0x18800] =	vst v63  }
0x7c: {  	_ =	swait.ge [sflag:s0], $0x180  }
0x7d: {  	[sflag:s0] =	ssyncset.done $0x0  }
0x7e: {  	s14 =	sadd.s32 $0x240, s11;
	[sflag:s0] =	ssyncadd.s32 $0xFFFFFE80  }
0x7f: {  	[tilespmem:s23], [sflag:$0x2] =	stream.linear.gather [hbm4b:s14+s2], $0x180, $0x38;
	[tilespmem:$0x18800] =	vst v63  }
0x80: {  	_ =	swait.ge [sflag:s30], $0x180  }
0x81: {  	[sflag:s30] =	ssyncset.done $0x0  }
0x82: {  	s14 =	sadd.s32 $0x280, s11;
	[sflag:s30] =	ssyncadd.s32 $0xFFFFFE80  }
0x83: {  	[tilespmem:s24], [sflag:$0x3] =	stream.linear.gather [hbm4b:s14+s2], $0x180, $0x38;
	[tilespmem:$0x18800] =	vst v63  }
0x84: {  	_ =	swait.ge [sflag:s1], $0x180  }
0x85: {  	s13 =	sadd.s32 s10, s3;
	[sflag:s1] =	ssyncset.done $0x0  }
0x86: {  	s11 =	sadd.s32 $0x1C0, s13;
	[sflag:s1] =	ssyncadd.s32 $0xFFFFFE80  }
0x87: {  	[tilespmem:s29], [sflag:$0x4] =	stream.linear.gather [hbm4b:s11+s2], $0x180, $0x38;
	[tilespmem:$0x18800] =	vst v63  }
0x88: {  	_ =	swait.ge [sflag:s31], $0x180  }
0x89: {  	s12 =	sadd.s32 $0x1, s12;
	s14 =	rddreg [dreg:$0x3]  }
0x8a: {  	p0 =	slt.u32 s12, s14  }
0x8b: {  	[sflag:s31] =	ssyncset.done $0x0;
	s10 =	sadd.s32 @p0 s10, s3  }
0x8c: {  	[sflag:s31] =	ssyncadd.s32 $0xFFFFFE80;
	s12 =	simm.s32 @p0 $0x0;
	s11 =	sadd.s32 @p0 $0x200, s10  }
0x8d: {  	[tilespmem:s12], [sflag:$0x1] =	stream.linear.gather @p0 [hbm4b:s11+s12], $0x180, $0x38;
	[tilespmem:$0x18800] =	vst v63  }
0x8e: {  	s11 =	simm.s32 @p0 $0x3  }
0x8f: {  	_ =	swait.ge @p0 [sflag:s11], $0x180  }
0x90: {  	[sflag:s11] =	ssyncset.done @p0 $0x0  }
0x91: {  	s13 =	simm.s32 @p0 $0x200;
	[sflag:s11] =	ssyncadd.s32 @p0 $0xFFFFFE80;
	s11 =	sadd.s32 @p0 $0x240, s10  }
0x92: {  	[tilespmem:s13], [sflag:$0x2] =	stream.linear.gather @p0 [hbm4b:s11+s12], $0x180, $0x38;
	[tilespmem:$0x18800] =	vst v63  }
0x93: {  	s11 =	simm.s32 @p0 $0x4  }
0x94: {  	_ =	swait.ge @p0 [sflag:s11], $0x180  }
0x95: {  	[sflag:s11] =	ssyncset.done @p0 $0x0  }
0x96: {  	s10 =	sadd.s32 @p0 $0x280, s10;
	[sflag:s11] =	ssyncadd.s32 @p0 $0xFFFFFE80;
	s11 =	simm.s32 @p0 $0x400  }
0x97: {  	[tilespmem:s11], [sflag:$0x3] =	stream.linear.gather @p0 [hbm4b:s10+s12], $0x180, $0x38;
	[tilespmem:$0x18800] =	vst v63  }
0x98: {  	s10 =	simm.s32 @!p0 $0x3  }
0x99: {  	_ =	swait.ge @!p0 [sflag:s10], $0x180  }
0x9a: {  	s11 =	simm.s32 @!p0 $0x4;
	[sflag:s10] =	ssyncset.done @!p0 $0x0  }
0x9b: {  	s11 =	simm.s32 @p0 $0x1;
	[sflag:s10] =	ssyncadd.s32 @!p0 $0xFFFFFE80  }
0x9c: {  	_ =	swait.ge [sflag:s11], $0x180  }
0x9d: {  	[sflag:s11] =	ssyncset.done $0x0  }
0x9e: {  	s12 =	stileid.u32;
	[sflag:s11] =	ssyncadd.s32 $0xFFFFFE80  }
0x9f: {  	s10 =	sshll.u32 s12, $0x6;
	[bflag:$0x0] =	sbarrier.arrive $0xFFFF  }
0xa0: {  	s13 =	sshrl.u32 s4, $0x3;
	s10 =	sor.u32 $0x1C05, s10;
	s14 =	rddreg [dreg:$0x4]  }
0xa1: {  	[hbm:s14], [sflag:s10] =	dma.local [spmem:s13], $0x800  }
0xa2: {  	s13 =	sshrl.u32 s5, $0x3;
	s12 =	rddreg [dreg:$0x5]  }
0xa3: {  	[hbm:s12], [sflag:s10] =	dma.local [spmem:s13], $0x800  }
0xa4: {  	s14 =	sshrl.u32 s6, $0x3;
	s12 =	rddreg [dreg:$0x6]  }
0xa5: {  	[hbm:s12], [sflag:s10] =	dma.local [spmem:s14], $0x800  }
0xa6: {  	s13 =	sshrl.u32 s7, $0x3;
	s12 =	rddreg [dreg:$0x7]  }
0xa7: {  	[hbm:s12], [sflag:s10] =	dma.local [spmem:s13], $0x800  }
0xa8: {  	s14 =	sshrl.u32 s8, $0x3;
	s12 =	rddreg [dreg:$0x8]  }
0xa9: {  	[hbm:s12], [sflag:s10] =	dma.local [spmem:s14], $0x800  }
0xaa: {  	_ =	swait.ge [sflag:s28], $0x800  }
0xab: {  	[sflag:s28] =	ssyncset.done $0x0  }
0xac: {  	[sflag:s28] =	ssyncadd.s32 $0xFFFFF800  }
0xad: {  	_ =	swait.ge [sflag:s28], $0x800  }
0xae: {  	[sflag:s28] =	ssyncset.done $0x0  }
0xaf: {  	[sflag:s28] =	ssyncadd.s32 $0xFFFFF800  }
0xb0: {  	_ =	swait.ge [sflag:s28], $0x800  }
0xb1: {  	[sflag:s28] =	ssyncset.done $0x0  }
0xb2: {  	s9 =	sadd.s32 $0x1, s9;
	[sflag:s28] =	ssyncadd.s32 $0xFFFFF800  }
0xb3: {  	p0 =	sne.s32 s9, s15;
	_ =	swait.ge [sflag:s28], $0x800  }
.Ltmp4:
0xb4: {  	[sflag:s28] =	ssyncset.done $0x0;
	(pc) =	sbr.rel @p0 .LBB2_1-.Ltmp4, $4  }
0xb5: {  	[sflag:s28] =	ssyncadd.s32 $0xFFFFF800  }
0xb6: {  	_ =	swait.ge [sflag:s28], $0x800  }
0xb7: {  	[sflag:s28] =	ssyncset.done $0x0  }
0xb8: {  	[sflag:s28] =	ssyncadd.s32 $0xFFFFF800  }
0xb9: {  	_ =	sfence.sel $0x180000  }
0xba: {  	[bflag:$0x0] =	sbarrier.arrive $0xFFFF  }
0xbb: {  	_ =	strace $0x9000004D  }
0xbc: {  	s0 =	stileid.u32;
	[bflag:$0x2] =	sbarrier.arrive $0xFFFF  }
0xbd: {  	p0 =	sne.s32 s0, $0x0;
	s0 =	rddreg [dreg:$0x2]  }
0xbe: {  	s0 =	sadd.s32 @!p0 $0x100000, s0  }
0xbf: {  	[sflag:s0] =	ssyncadd.tile.s32 @!p0 $0x1;
	_ =	shalt  }
.Lfunc_end2:
_tile_overlayer_lowered:
.L_overlay_start_2:
0xc0: {  	(tag) =	ssettag $0x2  }
0xc1: {  	s0 =	rddreg [dreg:$0x0];
	s2 =	stileid.u32  }
0xc2: {  	s1 =	rddreg [dreg:$0x1];
	p0 =	sne.s32 s2, $0x0  }
0xc3: {  	s3 =	rddreg [dreg:$0x2];
	[bflag:$0x3] =	sbarrier.arrive $0xFFFF;
	s2 =	simm.s32 @!p0 $0x1C06  }
0xc4: {  	[timem:s3], [sflag:s2] =	dma.local @!p0 [hbm:s0], s1  }
0xc5: {  	s0 =	simm.s32 @!p0 $0x6  }
0xc6: {  	_ =	swait.ge @!p0 [sflag:s0], s1  }
0xc7: {  	s1 =	ssub.s32 @!p0 $0x0, s1;
	[sflag:s0] =	ssyncset.done @!p0 $0x0  }
0xc8: {  	[sflag:s0] =	ssyncadd.s32 @!p0 s1  }
0xc9: {  	[bflag:$0x3] =	sbarrier.arrive $0xFFFF  }
0xca: {  	_ =	shalt  }

// kernel: kernel.8.cloned.1.call-start
scs
__scs_entry_jumppad:
0x0: {  	(pc) =	sbr.rel $0x88, $3  }
0x1: {  	(tag) =	ssettag $0x0;
	lr =	simm.s32 $0x1  }
0x2: {  	[smem:$0x3F9A] =	sst lr;
	_ =	strace $0xD0000000  }
0x3: {  	_ = 	snop  }
0x4: {  	_ = 	snop  }
0x5: {  	_ = 	snop  }
0x6: {  	_ = 	snop  }
0x7: {  	_ = 	snop  }
__scs_overlays_trampoline_lowered:
0x8: {  	[smem:$0x3FA9] =	sst s0  }
0x9: {  	[smem:$0x3FAA] =	sst s1  }
0xa: {  	[smem:$0x3FAB] =	sst s2  }
0xb: {  	[smem:$0x3FAC] =	sst s3  }
0xc: {  	[smem:$0x3FAD] =	sst s4  }
0xd: {  	[smem:$0x3FAE] =	sst s5  }
0xe: {  	[smem:$0x3FAF] =	sst s6  }
0xf: {  	[smem:$0x3FB0] =	sst s7  }
0x10: {  	[smem:$0x3FB1] =	sst s8  }
0x11: {  	[smem:$0x3FB2] =	sst s9;
	s0 =	simm.s32 @!p0 $0x0  }
0x12: {  	s1 =	sld [smem:$0x3F98];
	s0 =	simm.s32 @p0 $0x1  }
0x13: {  	[smem:$0x3FB3] =	sst s0;
	s0 =	simm.s32 @!p1 $0x0  }
0x14: {  	s2 =	sld [smem:$0x3F97];
	s0 =	simm.s32 @p1 $0x1  }
0x15: {  	[smem:$0x3FB4] =	sst s0;
	s0 =	simm.s32 @!p2 $0x0  }
0x16: {  	s3 =	sld [smem:$0x3FDB];
	s0 =	simm.s32 @p2 $0x1  }
0x17: {  	s4 =	simm.s32 $0x1BF5;
	[smem:$0x3FB6] =	sst s0  }
0x18: {  	s0 =	sld [smem:$0x3F99];
	_ =	swait.ge [sflag:s4], $0x0  }
0x19: {  	s7 =	sld [smem:$0x3F9A]  }
0x1a: {  	s8 =	sadd.s32 $0xFFFFE003, lr  }
0x1b: {  	s9 =	sadd.s32 $0xFFFFFEF7, lr;
	s5 =	simm.s32 $0xFFFFFFFF;
	p2 =	slt.u32 s8, $0xFFFFF086  }
0x1c: {  	p1 =	slt.u32 s9, $0xF7A;
	s5 =	simm.s32 @!p2 $0x0  }
0x1d: {  	s5 =	simm.s32 @p1 $0x1;
	p0 =	seq.s32 s7, s2  }
0x1e: {  	s7 =	smul.u32 @!p0 $0xF7A, s2;
	p2 =	seq.s32 @!p0 s5, $0x0  }
0x1f: {  	s9 =	smul.u32 $0xF7A, s1;
	s8 =	simm.s32 @!p0 $0x1BF5;
	p2 =	por !p2, p0  }
0x20: {  	[sflag:s8] =	ssyncset.s32 @!p0 $0xFFFFF086;
	s6 =	sadd.s32 @!p0 s3, s7;
	s7 =	simm.s32 @!p0 $0x108  }
0x21: {  	s3 =	sadd.s32 s3, s9;
	s6 =	sadd.s32 @!p0 $0x88, s6;
	s7 =	simm.s32 @p2 $0x1082  }
0x22: {  	[simem:s7], [sflag:s8] =	dma.local @!p0 [hbm:s6], $0xF7A  }
0x23: {  	s9 =	sor.u32 $0xD0000000, s2;
	s6 =	simm.s32 $0x108;
	_ =	swait.ge @!p0 [sflag:s8], $0x0  }
0x24: {  	s3 =	sadd.s32 $0x88, s3;
	s6 =	simm.s32 @!p1 $0x1082;
	[sflag:s4] =	ssyncset.s32 $0xFFFFF086  }
0x25: {  	[simem:s6], [sflag:s4] =	dma.local [hbm:s3], $0xF7A  }
0x26: {  	[smem:$0x3F9A] =	sst s1;
	(tag) =	ssettag s2;
	_ =	strace s9  }
0x27: {  	s1 =	sld [smem:$0x3FAA]  }
0x28: {  	s2 =	sld [smem:$0x3FAB]  }
0x29: {  	s4 =	sld [smem:$0x3FAD]  }
0x2a: {  	p0 =	seq.s32 s5, $0x0;
	s5 =	sld [smem:$0x3FAE]  }
0x2b: {  	s6 =	sld [smem:$0x3FAF]  }
0x2c: {  	s7 =	sld [smem:$0x3FB0]  }
0x2d: {  	s3 =	simm.s32 $0x108;
	s8 =	sld [smem:$0x3FB1]  }
0x2e: {  	s3 =	simm.s32 @!p0 $0x1082;
	s9 =	sld [smem:$0x3FB2]  }
0x2f: {  	lr =	sadd.s32 s0, s3;
	s0 =	sld [smem:$0x3FA9]  }
0x30: {  	s3 =	sld [smem:$0x3FAC]  }
0x31: {  	[smem:$0x3FB5] =	sst s10  }
0x32: {  	s10 =	sld [smem:$0x3FB3];
	_ =	sdelay $0x3  }
0x33: {  	p0 =	seq.s32 s10, $0x1;
	s10 =	sld [smem:$0x3FB5];
	_ =	sdelay $0x3  }
0x34: {  	[smem:$0x3FB5] =	sst s10  }
0x35: {  	s10 =	sld [smem:$0x3FB4];
	_ =	sdelay $0x3  }
0x36: {  	p1 =	seq.s32 s10, $0x1;
	s10 =	sld [smem:$0x3FB5];
	_ =	sdelay $0x3  }
0x37: {  	[smem:$0x3FB5] =	sst s10  }
0x38: {  	s10 =	sld [smem:$0x3FB6]  }
0x39: {  	_ = 	snop;
	(pc) =	sbr.ind lr, $3  }
0x3a: {  	_ = 	snop  }
0x3b: {  	_ = 	snop  }
0x3c: {  	p2 =	seq.s32 s10, $0x1;
	s10 =	sld [smem:$0x3FB5]  }
0x3d: {  	_ =	shalt  }
0x3e: {  	_ =	shalt  }
0x3f: {  	_ =	shalt  }
0x40: {  	_ =	shalt  }
0x41: {  	_ =	shalt  }
0x42: {  	_ =	shalt  }
0x43: {  	_ =	shalt  }
0x44: {  	_ =	shalt  }
0x45: {  	_ =	shalt  }
0x46: {  	_ =	shalt  }
0x47: {  	_ =	shalt  }
0x48: {  	_ =	shalt  }
0x49: {  	_ =	shalt  }
0x4a: {  	_ =	shalt  }
0x4b: {  	_ =	shalt  }
0x4c: {  	_ =	shalt  }
0x4d: {  	_ =	shalt  }
0x4e: {  	_ =	shalt  }
0x4f: {  	_ =	shalt  }
0x50: {  	_ =	shalt  }
0x51: {  	_ =	shalt  }
0x52: {  	_ =	shalt  }
0x53: {  	_ =	shalt  }
0x54: {  	_ =	shalt  }
0x55: {  	_ =	shalt  }
0x56: {  	_ =	shalt  }
0x57: {  	_ =	shalt  }
0x58: {  	_ =	shalt  }
0x59: {  	_ =	shalt  }
0x5a: {  	_ =	shalt  }
0x5b: {  	_ =	shalt  }
0x5c: {  	_ =	shalt  }
0x5d: {  	_ =	shalt  }
0x5e: {  	_ =	shalt  }
0x5f: {  	_ =	shalt  }
0x60: {  	_ =	shalt  }
0x61: {  	_ =	shalt  }
0x62: {  	_ =	shalt  }
0x63: {  	_ =	shalt  }
0x64: {  	_ =	shalt  }
0x65: {  	_ =	shalt  }
0x66: {  	_ =	shalt  }
0x67: {  	_ =	shalt  }
0x68: {  	_ =	shalt  }
0x69: {  	_ =	shalt  }
0x6a: {  	_ =	shalt  }
0x6b: {  	_ =	shalt  }
0x6c: {  	_ =	shalt  }
0x6d: {  	_ =	shalt  }
0x6e: {  	_ =	shalt  }
0x6f: {  	_ =	shalt  }
0x70: {  	_ =	shalt  }
0x71: {  	_ =	shalt  }
0x72: {  	_ =	shalt  }
0x73: {  	_ =	shalt  }
0x74: {  	_ =	shalt  }
0x75: {  	_ =	shalt  }
0x76: {  	_ =	shalt  }
0x77: {  	_ =	shalt  }
0x78: {  	_ =	shalt  }
0x79: {  	_ =	shalt  }
0x7a: {  	_ =	shalt  }
0x7b: {  	_ =	shalt  }
0x7c: {  	_ =	shalt  }
0x7d: {  	_ =	shalt  }
0x7e: {  	_ =	shalt  }
0x7f: {  	_ =	shalt  }
0x80: {  	_ =	shalt  }
0x81: {  	_ =	shalt  }
0x82: {  	_ =	shalt  }
0x83: {  	_ =	shalt  }
0x84: {  	_ =	shalt  }
0x85: {  	_ =	shalt  }
0x86: {  	_ =	shalt  }
0x87: {  	_ =	shalt  }
.Lfunc_end0:
.L_simem_size_0:
called_computation_lowered:
.L_overlay_start_0:
0x88: {  	s2 =	sld [smem:$0x3FD9]  }
0x89: {  	s3 =	sld [smem:$0x3FFE];
	_ =	sdelay $0x1  }
0x8a: {  	s1 =	srdreg.scid  }
0x8b: {  	s0 =	sand.u32 $0x1, s1  }
0x8c: {  	s17 =	sshll.u32 s0, $0xA;
	s2 =	sadd.s32 s3, s2  }
0x8d: {  	s2 =	sadd.s32 s2, s17  }
0x8e: {  	[smem:$0x3FC1] =	sst s2  }
0x8f: {  	_ = 	snop  }
0x90: {  	s2 =	sld [smem:$0x3FD0];
	(tm) =	ssettm $0x1  }
0x91: {  	s18 =	sld [smem:$0x3FFB];
	_ =	sdelay $0x3  }
0x92: {  	_ =	strace s18  }
0x93: {  	s3 =	sld [smem:$0x3FFC];
	_ =	sdelay $0x3  }
0x94: {  	_ =	strace s3  }
0x95: {  	s3 =	sld [smem:$0x3FFD];
	_ =	sdelay $0x3  }
0x96: {  	_ =	strace s3  }
0x97: {  	_ =	strace $0x8FFFFFFF  }
0x98: {  	s19 =	sld [smem:$0x3FDB];
	_ =	sdelay $0x1  }
0x99: {  	s4 =	simm.s32 $_scs_section_size  }
0x9a: {  	s5 =	simm.s32 $_size__tile_overlayer_lowered;
	s6 =	simm.s32 $_tile_overlayer_lowered  }
0x9b: {  	s22 =	simm.s32 $0x1BFF;
	s21 =	sshll.u32 s6, $0x1;
	s3 =	sadd.s32 s4, s19  }
0x9c: {  	s7 =	simm.s32 $0x0;
	s20 =	sshll.u32 s5, $0x1;
	s5 =	sadd.s32 s21, s3  }
0x9d: {  	[timem:s7], [sflag:s22] =	dma.local [hbm:s5], s20  }
0x9e: {  	_ =	swait.ge [sflag:s22], s20  }
0x9f: {  	s4 =	ssub.s32 $0x0, s20;
	[sflag:s22] =	ssyncset.done $0x0  }
0xa0: {  	[sflag:s22] =	ssyncadd.s32 s4;
	_ =	sdelay $0x1  }
0xa1: {  	s23 =	simm.s32 $0x1B8B  }
0xa2: {  	_ =	swait.ge [sflag:s23], $0x1  }
0xa3: {  	[sflag:s23] =	ssyncset.done $0x0  }
0xa4: {  	s25 =	simm.s32 $0x1B8E;
	s24 =	sld [smem:$0x3FFE];
	[sflag:s23] =	ssyncadd.s32 $0xFFFFFFFF  }
0xa5: {  	s26 =	simm.s32 $execute0_lowered;
	[smem:$0x3FD2] =	sst s25  }
0xa6: {  	s5 =	sshll.u32 s26, $0x1;
	_ =	strace $0x80000046;
	[dreg:$0x1] =	wrdreg $0xFFFFFFFF  }
0xa7: {  	s28 =	simm.s32 $_size_execute0_lowered;
	s3 =	sadd.s32 s3, s5;
	[dreg:$0x0] =	wrdreg $0x0  }
0xa8: {  	s5 =	sshll.u32 s28, $0x1;
	[dreg:$0x2] =	wrdreg s3  }
0xa9: {  	[dreg:$0x3] =	wrdreg s5  }
0xaa: {  	[dreg:$0x4] =	wrdreg $0xC0  }
0xab: {  	_ =	task [dreg:s7], $0x5FFFF  }
0xac: {  	[dreg:$0x1] =	wrdreg $0xFFFFFFFF  }
0xad: {  	[dreg:$0x0] =	wrdreg $0x60  }
0xae: {  	[dreg:$0x2] =	wrdreg s2  }
0xaf: {  	[dreg:$0x3] =	wrdreg s24  }
0xb0: {  	[dreg:$0x4] =	wrdreg $0x52800  }
0xb1: {  	[dreg:$0x5] =	wrdreg $0x9  }
0xb2: {  	_ =	task.clear_ibuf [dreg:s7], $0x6FFFF;
	_ =	strace $0x90000046  }
0xb3: {  	s29 =	simm.s32 $0x9;
	_ =	strace $0x80000048  }
0xb4: {  	_ =	swait.ge [sflag:s29], $0x1  }
0xb5: {  	[sflag:s29] =	ssyncadd.s32 $0xFFFFFFFF  }
0xb6: {  	_ =	strace $0x90000048  }
0xb7: {  	_ =	sfence  }
0xb8: {  	s30 =	sld [smem:$0x0];
	_ =	sdelay $0x2  }
0xb9: {  	s31 =	sshll.u32 s1, $0xD;
	s1 =	sshrl.u32 s1, $0x2  }
0xba: {  	s3 =	sand.u32 $0x4000, s31;
	s1 =	sadd.s32 s1, s30  }
0xbb: {  	s0 =	sor.u32 s3, s0;
	s1 =	sshll.u32 s1, $0x11  }
0xbc: {  	s0 =	sor.u32 s1, s0  }
0xbd: {  	s0 =	sadd.s32 $0x8F2B, s0  }
0xbe: {  	[sflag:s0] =	ssyncadd.remote.s32 $0x1  }
0xbf: {  	_ =	sfence.sel $0xFFFF  }
0xc0: {  	[dreg:$0x0] =	wrdreg $0xFFFFFFFF;
	(pc) =	sbr.abs _section_cstart, $3  }
0xc1: {  	[dreg:$0x1] =	wrdreg $0xFFFFFFFF  }
0xc2: {  	_ =	task.clear_ibuf [dreg:s7], $0x2FFFF;
	_ =	strace $0x9FFFFFFF  }
0xc3: {  	(tm) =	ssettm $0x7FFFFFFF  }
tec
execute0_lowered:
.L_overlay_start_1:
0x0: {  	(tag) =	ssettag $0x1  }
0x1: {  	s5 =	rddreg [dreg:$0x0]  }
0x2: {  	s4 =	rddreg [dreg:$0x1];
	s0 =	srdreg.scid  }
0x3: {  	s2 =	rddreg [dreg:$0x2];
	s1 =	stileid.u32  }
0x4: {  	s3 =	simm.s32 $0x0;
	s12 =	simm.s32 $0x80;
	s15 =	simm.s32 $0x0  }
0x5: {  	s6 =	sand.u32 $0x1, s0;
	s0 =	rddreg [dreg:$0x3];
	s8 =	smul.u32 $0x280, s1  }
0x6: {  	[smem:$0x7FF] =	sst s3;
	s7 =	sshll.u32 s6, $0x4;
	s9 =	smul.u32 $0x2800, s6  }
0x7: {  	s13 =	sshll.u32 s1, $0x6;
	_ =	strace $0x80000047;
	s7 =	sor.u32 s1, s7  }
0x8: {  	s6 =	ssub.s32 $0x2, s6;
	s7 =	smul.u32 $0x500, s7;
	s9 =	sadd.s32 s8, s9  }
0x9: {  	s13 =	sor.u32 $0x1C01, s13;
	s11 =	sshrl.u32 s6, $0x1;
	s9 =	sshrl.u32 s9, $0x3  }
0xa: {  	s11 =	ssub.s32 s6, s11;
	s10 =	sadd.s32 s7, s4;
	s9 =	sadd.s32 s9, s4  }
0xb: {  	s4 =	sadd.s32 s8, s2;
	s5 =	sadd.s32 s5, s7;
	s8 =	smax.u32 s11, $0x1  }
0xc: {  	s11 =	simm.s32 $0x2800;
	s6 =	sadd.s32 $0x2600, s10;
	s7 =	sadd.s32 $0xC600, s9  }
0xd: {  	v0 =	vimm.f32 $0.0e+00;
	s9 =	simm.s32 $0x5000;
	s10 =	simm.s32 $0x1;
	s14 =	sshrl.u32 s4, $0x3  }
.LBB2_1:
0xe: {  	[tilespmem:$0x5000] =	vst v0  }
0xf: {  	[tilespmem:$0x5010] =	vst v0  }
0x10: {  	[tilespmem:$0x5020] =	vst v0  }
0x11: {  	[tilespmem:$0x5030] =	vst v0  }
0x12: {  	[tilespmem:$0x5040] =	vst v0  }
0x13: {  	[tilespmem:$0x5050] =	vst v0  }
0x14: {  	[tilespmem:$0x5060] =	vst v0  }
0x15: {  	[tilespmem:$0x5070] =	vst v0  }
0x16: {  	[tilespmem:$0x5080] =	vst v0  }
0x17: {  	[tilespmem:$0x5090] =	vst v0  }
0x18: {  	[tilespmem:$0x50A0] =	vst v0  }
0x19: {  	[tilespmem:$0x50B0] =	vst v0  }
0x1a: {  	[tilespmem:$0x50C0] =	vst v0  }
0x1b: {  	[tilespmem:$0x50D0] =	vst v0  }
0x1c: {  	[tilespmem:$0x50E0] =	vst v0  }
0x1d: {  	[tilespmem:$0x50F0] =	vst v0  }
0x1e: {  	[tilespmem:$0x5100] =	vst v0  }
0x1f: {  	[tilespmem:$0x5110] =	vst v0  }
0x20: {  	[tilespmem:$0x5120] =	vst v0  }
0x21: {  	[tilespmem:$0x5130] =	vst v0  }
0x22: {  	[tilespmem:$0x5140] =	vst v0  }
0x23: {  	[tilespmem:$0x5150] =	vst v0  }
0x24: {  	[tilespmem:$0x5160] =	vst v0  }
0x25: {  	[tilespmem:$0x5170] =	vst v0  }
0x26: {  	[tilespmem:$0x5180] =	vst v0  }
0x27: {  	[tilespmem:$0x5190] =	vst v0  }
0x28: {  	[tilespmem:$0x51A0] =	vst v0  }
0x29: {  	[tilespmem:$0x51B0] =	vst v0  }
0x2a: {  	[tilespmem:$0x51C0] =	vst v0  }
0x2b: {  	[tilespmem:$0x51D0] =	vst v0  }
0x2c: {  	[tilespmem:$0x51E0] =	vst v0  }
0x2d: {  	[tilespmem:$0x51F0] =	vst v0  }
0x2e: {  	[tilespmem:$0x5200] =	vst v0  }
0x2f: {  	[tilespmem:$0x5210] =	vst v0  }
0x30: {  	[tilespmem:$0x5220] =	vst v0  }
0x31: {  	[tilespmem:$0x5230] =	vst v0  }
0x32: {  	[tilespmem:$0x5240] =	vst v0  }
0x33: {  	[tilespmem:$0x5250] =	vst v0  }
0x34: {  	[tilespmem:$0x5260] =	vst v0  }
0x35: {  	[tilespmem:$0x5270] =	vst v0  }
0x36: {  	[spmem:s4] =	stream.linear.scatter [tilespmem:s9], [sflag:$0x1], $0x280, $0x38;
	[tilespmem:$0x5500] =	vst v63  }
0x37: {  	_ =	swait.ge [sflag:s10], $0x280  }
0x38: {  	[sflag:s10] =	ssyncset.done $0x0  }
0x39: {  	[sflag:s10] =	ssyncadd.s32 $0xFFFFFD80  }
0x3a: {  	[bflag:$0x0] =	sbarrier.arrive $0xFFFF  }
0x3b: {  	[tilespmem:s3], [sflag:$0x1] =	stream.linear.gather [hbm4b:s5+s3], $0x2800, $0x38;
	[tilespmem:$0x5500] =	vst v63  }
0x3c: {  	_ =	swait.ge [sflag:s10], $0x2800  }
0x3d: {  	[sflag:s10] =	ssyncset.done $0x0  }
0x3e: {  	[sflag:s10] =	ssyncadd.s32 $0xFFFFD800  }
0x3f: {  	[tilespmem:s11], [sflag:$0x1] =	stream.linear.gather [hbm4b:s6+s3], $0x2800, $0x38;
	[tilespmem:$0x5500] =	vst v63  }
0x40: {  	_ =	swait.ge [sflag:s10], $0x2800  }
0x41: {  	[sflag:s10] =	ssyncset.done $0x0  }
0x42: {  	s16 =	simm.s32 $0x0;
	s17 =	simm.s32 $0x2800;
	[sflag:s10] =	ssyncadd.s32 $0xFFFFD800  }
0x43: {  	[spmem:s2] =	stream.indirect.scatter.add.f32 [tilespmem:s17], [sflag:$0x1], $0x1, s16, s12, $0xb8;
	[tilespmem:$0x5500] =	vst v63  }
0x44: {  	s16 =	simm.s32 $0x200;
	_ =	swait.ge [sflag:s10], $0x80  }
.LBB2_2:
0x45: {  	s17 =	sshra.s32 s16, $0x2;
	[sflag:s10] =	ssyncset.done $0x0;
	p0 =	sne.s32 s16, $0x9E00  }
.Ltmp0:
0x46: {  	s18 =	sadd.s32 $0x2800, s17;
	[sflag:s10] =	ssyncadd.s32 $0xFFFFFF80;
	(pc) =	sbr.rel @p0 .LBB2_2-.Ltmp0, $3  }
0x47: {  	[spmem:s2] =	stream.indirect.scatter.add.f32 [tilespmem:s18], [sflag:$0x1], $0x1, s17, s12, $0xb8;
	[tilespmem:$0x5500] =	vst v63  }
0x48: {  	s16 =	sadd.s32 $0x200, s16;
	_ =	sdelay $0x1  }
0x49: {  	_ =	swait.ge [sflag:s10], $0x80  }
0x4a: {  	[sflag:s10] =	ssyncset.done $0x0;
	s15 =	sadd.s32 $0x1, s15  }
0x4b: {  	[sflag:s10] =	ssyncadd.s32 $0xFFFFFF80;
	p0 =	sne.s32 s15, s8  }
.Ltmp1:
0x4c: {  	[bflag:$0x0] =	sbarrier.arrive $0xFFFF;
	(pc) =	sbr.rel @p0 .LBB2_1-.Ltmp1, $4  }
0x4d: {  	[hbm:s7], [sflag:s13] =	dma.local [spmem:s14], $0x50  }
0x4e: {  	_ =	swait.ge [sflag:s10], $0x50  }
0x4f: {  	[sflag:s10] =	ssyncset.done $0x0  }
0x50: {  	[sflag:s10] =	ssyncadd.s32 $0xFFFFFFB0  }
0x51: {  	_ =	sfence.sel $0x180000  }
0x52: {  	[bflag:$0x0] =	sbarrier.arrive $0xFFFF  }
0x53: {  	p0 =	sne.s32 s1, $0x0;
	_ =	strace $0x90000047  }
0x54: {  	s0 =	sadd.s32 @!p0 $0x100000, s0;
	[bflag:$0x2] =	sbarrier.arrive $0xFFFF  }
0x55: {  	[sflag:s0] =	ssyncadd.tile.s32 @!p0 $0x1;
	_ =	shalt  }
.Lfunc_end2:
_tile_overlayer_lowered:
.L_overlay_start_2:
0x56: {  	(tag) =	ssettag $0x2  }
0x57: {  	s0 =	rddreg [dreg:$0x0];
	s2 =	stileid.u32  }
0x58: {  	s1 =	rddreg [dreg:$0x1];
	p0 =	sne.s32 s2, $0x0  }
0x59: {  	s3 =	rddreg [dreg:$0x2];
	[bflag:$0x3] =	sbarrier.arrive $0xFFFF;
	s2 =	simm.s32 @!p0 $0x1C01  }
0x5a: {  	[timem:s3], [sflag:s2] =	dma.local @!p0 [hbm:s0], s1  }
0x5b: {  	s0 =	simm.s32 @!p0 $0x1  }
0x5c: {  	_ =	swait.ge @!p0 [sflag:s0], s1  }
0x5d: {  	s1 =	ssub.s32 @!p0 $0x0, s1;
	[sflag:s0] =	ssyncset.done @!p0 $0x0  }
0x5e: {  	[sflag:s0] =	ssyncadd.s32 @!p0 s1  }
0x5f: {  	[bflag:$0x3] =	sbarrier.arrive $0xFFFF  }
0x60: {  	_ =	shalt  }

</sc_bundles>
